<compile_context>
chip_gen: v7x
topology: tpu7x:2x2x1
jax: 0.10.2.dev20260603
libtpu: 0.0.44.dev20260713+nightly
codegen_flags: <defaults>
</compile_context>

<pallas_src>
import functools

import jax
import jax.numpy as jnp
from jax import lax
from jax.experimental import pallas as pl
from jax.experimental.pallas import tpu as pltpu
from jax.experimental.pallas import tpu_sc as plsc

_MIN_VAL = -20.0
_MAX_VAL = 20.0
_BINS = 255
_STEP = (_MAX_VAL - _MIN_VAL) / (_BINS - 1)

_N = 262144
_NC = 2
_NS = 16
_NW = _NC * _NS
_CHUNK = _N // _NW
_R = 16
_NB = _CHUNK // _R
_NBUF = 16
_LANES = 16
_GROUPS = _R // _LANES


def _group_indices(xv, g, j):
    xg = xv[pl.ds(g * _R + j * _LANES, _LANES)]
    xc = jnp.minimum(jnp.maximum(xg, _MIN_VAL), _MAX_VAL)
    p = (xc - _MIN_VAL) / _STEP
    li = p.astype(jnp.int32)
    uw = p - li.astype(jnp.float32)
    lw = 1.0 - uw
    ui = jnp.minimum(li + 1, _BINS - 1)
    rows = lax.iota(jnp.int32, _LANES) + j * _LANES
    return rows, li, ui, lw, uw


def _sc_body(x_hbm, out_hbm, xv, bufs, sems):
    wid = lax.axis_index("s") * _NC + lax.axis_index("c")
    base_row = wid * _CHUNK
    pltpu.sync_copy(x_hbm.at[pl.ds(base_row, _CHUNK)], xv)

    def _zero_init(i, carry):
        z = jnp.zeros((_LANES,), jnp.float32)
        r = i // (_BINS // _LANES + 1)
        c = (i % (_BINS // _LANES + 1)) * _LANES
        c = jnp.minimum(c, _BINS - _LANES)
        for buf in bufs:
            rows = jnp.full((_LANES,), r, jnp.int32)
            cols = c + lax.iota(jnp.int32, _LANES)
            plsc.store_scatter(buf, (rows, cols), z)
        return carry

    lax.fori_loop(0, _R * (_BINS // _LANES + 1), _zero_init, 0)

    def _write_block(buf, g):
        for j in range(_GROUPS):
            rows, li, ui, lw, uw = _group_indices(xv, g, j)
            plsc.store_scatter(buf, (rows, li), lw)
            plsc.addupdate_scatter(buf, (rows, ui), uw)

    def _clear_block(buf, g):
        z = jnp.zeros((_LANES,), jnp.float32)
        for j in range(_GROUPS):
            rows, li, ui, _, _ = _group_indices(xv, g, j)
            plsc.store_scatter(buf, (rows, li), z)
            plsc.store_scatter(buf, (rows, ui), z)

    def _dst(g):
        return out_hbm.at[pl.ds(base_row + g * _R, _R)]

    def _loop(i, carry):
        for b in range(_NBUF):
            g = i * _NBUF + b

            @pl.when(i > 0)
            def _():
                pltpu.make_async_copy(bufs[b], _dst(g - _NBUF), sems[b]).wait()
                _clear_block(bufs[b], g - _NBUF)

            _write_block(bufs[b], g)
            pltpu.async_copy(bufs[b], _dst(g), sems[b])
        return carry

    lax.fori_loop(0, _NB // _NBUF, _loop, 0)
    for b in range(_NBUF):
        pltpu.make_async_copy(bufs[b], _dst(_NB - _NBUF + b), sems[b]).wait()


@functools.partial(
    pl.kernel,
    out_type=jax.ShapeDtypeStruct((_N, _BINS), jnp.float32),
    mesh=plsc.VectorSubcoreMesh(
        core_axis_name="c", subcore_axis_name="s", num_cores=_NC,
        num_subcores=_NS),
    scratch_types=[
        pltpu.VMEM((_CHUNK,), jnp.float32),
        [pltpu.VMEM((_R, _BINS), jnp.float32) for _ in range(_NBUF)],
        [pltpu.SemaphoreType.DMA for _ in range(_NBUF)],
    ],
    compiler_params=pltpu.CompilerParams(needs_layout_passes=False),
)
def _two_hot_sc(x_hbm, out_hbm, xv, bufs, sems):
    _sc_body(x_hbm, out_hbm, xv, tuple(bufs), tuple(sems))


def kernel(x):
    return _two_hot_sc(x.reshape(-1))

# --- scband reference (transcript-rebuilt; emitter-appended) ---
"""Pipeline reference for scband-two-hot-encoding-89172110999599 (READ-ONLY COPY).

The authoritative reference and input builder live on the scoring server;
editing this copy changes nothing except your own understanding.
"""

import jax, jax.numpy as jnp
import numpy as np

MIN_VAL = -20.0
MAX_VAL = 20.0
BINS = 255
STEP = (MAX_VAL - MIN_VAL) / (BINS - 1)


def setup_inputs(seed: int = 0) -> dict:
    key = jax.random.key(seed)
    x = jax.random.normal(key, (262144, 1), dtype=jnp.float32)
    return {"x": x}


def reference(x):
    # faithful translation of TwoHotEncoding.encode
    xc = jnp.clip(x, MIN_VAL, MAX_VAL)
    flat_x = xc.reshape(-1, 1)
    flat_lower = jnp.floor((flat_x - MIN_VAL) / STEP)
    flat_upper = jnp.ceil((flat_x - MIN_VAL) / STEP)
    flat_upper_weight = (flat_x - MIN_VAL) / STEP - flat_lower
    flat_lower_weight = 1.0 - flat_upper_weight
    batch_size = flat_x.shape[0]
    rows = jnp.arange(batch_size)
    two_hot = jnp.zeros((batch_size, BINS), dtype=jnp.float32)
    # scatter_add_ along last dim with [N,1] indices == per-row single-element scatter-add
    two_hot = two_hot.at[rows, flat_lower[:, 0].astype(jnp.int32)].add(flat_lower_weight[:, 0])
    two_hot = two_hot.at[rows, flat_upper[:, 0].astype(jnp.int32)].add(flat_upper_weight[:, 0])
    target_shape = list(xc.shape)
    target_shape[-1] = BINS
    return two_hot.reshape(target_shape)

if __name__ == "__main__":
    import jax
    _d = setup_inputs()
    print(jax.jit(kernel)(*tuple(_d.values())))

</pallas_src>

<mosaic_0001>
#map = affine_map<(d0, d1) -> (0)>
#map1 = affine_map<(d0, d1) -> (0, 0)>
module attributes {stable_mosaic.version = 14 : i64} {
  func.func @_two_hot_sc(%arg0: i32, %arg1: i32, %arg2: memref<262144xf32, #tpu.memory_space<hbm>>, %arg3: memref<262144x255xf32, #tpu.memory_space<hbm>>, %arg4: memref<8192xf32, #tpu.memory_space<vmem>>, %arg5: memref<16x255xf32, #tpu.memory_space<vmem>>, %arg6: memref<16x255xf32, #tpu.memory_space<vmem>>, %arg7: memref<16x255xf32, #tpu.memory_space<vmem>>, %arg8: memref<16x255xf32, #tpu.memory_space<vmem>>, %arg9: memref<16x255xf32, #tpu.memory_space<vmem>>, %arg10: memref<16x255xf32, #tpu.memory_space<vmem>>, %arg11: memref<16x255xf32, #tpu.memory_space<vmem>>, %arg12: memref<16x255xf32, #tpu.memory_space<vmem>>, %arg13: memref<16x255xf32, #tpu.memory_space<vmem>>, %arg14: memref<16x255xf32, #tpu.memory_space<vmem>>, %arg15: memref<16x255xf32, #tpu.memory_space<vmem>>, %arg16: memref<16x255xf32, #tpu.memory_space<vmem>>, %arg17: memref<16x255xf32, #tpu.memory_space<vmem>>, %arg18: memref<16x255xf32, #tpu.memory_space<vmem>>, %arg19: memref<16x255xf32, #tpu.memory_space<vmem>>, %arg20: memref<16x255xf32, #tpu.memory_space<vmem>>, %arg21: memref<!tpu.dma_semaphore, #tpu.memory_space<semaphore_mem>>, %arg22: memref<!tpu.dma_semaphore, #tpu.memory_space<semaphore_mem>>, %arg23: memref<!tpu.dma_semaphore, #tpu.memory_space<semaphore_mem>>, %arg24: memref<!tpu.dma_semaphore, #tpu.memory_space<semaphore_mem>>, %arg25: memref<!tpu.dma_semaphore, #tpu.memory_space<semaphore_mem>>, %arg26: memref<!tpu.dma_semaphore, #tpu.memory_space<semaphore_mem>>, %arg27: memref<!tpu.dma_semaphore, #tpu.memory_space<semaphore_mem>>, %arg28: memref<!tpu.dma_semaphore, #tpu.memory_space<semaphore_mem>>, %arg29: memref<!tpu.dma_semaphore, #tpu.memory_space<semaphore_mem>>, %arg30: memref<!tpu.dma_semaphore, #tpu.memory_space<semaphore_mem>>, %arg31: memref<!tpu.dma_semaphore, #tpu.memory_space<semaphore_mem>>, %arg32: memref<!tpu.dma_semaphore, #tpu.memory_space<semaphore_mem>>, %arg33: memref<!tpu.dma_semaphore, #tpu.memory_space<semaphore_mem>>, %arg34: memref<!tpu.dma_semaphore, #tpu.memory_space<semaphore_mem>>, %arg35: memref<!tpu.dma_semaphore, #tpu.memory_space<semaphore_mem>>, %arg36: memref<!tpu.dma_semaphore, #tpu.memory_space<semaphore_mem>>) attributes {dimension_semantics = [#tpu.dimension_semantics<core_parallel>, #tpu.dimension_semantics<subcore_parallel>], iteration_bounds = array<i64: 2, 16>, scalar_prefetch = 0 : i64, scratch_operands = 33 : i64, tpu.core_type = #tpu.core_type<sc_vector_subcore>, window_params = [{transform_indices = #map}, {transform_indices = #map1}]} {
    %mul3A = arith.constant 2 : i32
    %mul3A_0 = arith.muli %arg1, %mul3A : i32
    %add3A = arith.addi %mul3A_0, %arg0 : i32
    %mul3A_1 = arith.constant 8192 : i32
    %mul3A_2 = arith.muli %add3A, %mul3A_1 : i32
    "tpu.region"() ({
      %run_scoped3A = tpu.sem_alloc : memref<!tpu.dma_semaphore, #tpu.memory_space<semaphore_mem>>
      %dma_start3A = tpu.memref_slice %arg2[%mul3A_2] : memref<262144xf32, #tpu.memory_space<hbm>> -> memref<8192xf32, #tpu.memory_space<hbm>>
      %dma_start3A_109 = tpu.memref_slice %arg2[%mul3A_2] : memref<262144xf32, #tpu.memory_space<hbm>> -> memref<8192xf32, #tpu.memory_space<hbm>>
      tpu.enqueue_dma source(%dma_start3A_109 : memref<8192xf32, #tpu.memory_space<hbm>>) target(%arg4 : memref<8192xf32, #tpu.memory_space<vmem>>) target_semaphore(%run_scoped3A : memref<!tpu.dma_semaphore, #tpu.memory_space<semaphore_mem>>)
      %dma_wait3A_110 = tpu.memref_slice %arg2[%mul3A_2] : memref<262144xf32, #tpu.memory_space<hbm>> -> memref<8192xf32, #tpu.memory_space<hbm>>
      %dma_wait3A_111 = tpu.memref_slice %arg2[%mul3A_2] : memref<262144xf32, #tpu.memory_space<hbm>> -> memref<8192xf32, #tpu.memory_space<hbm>>
      tpu.wait_dma2 semaphore(%run_scoped3A : memref<!tpu.dma_semaphore, #tpu.memory_space<semaphore_mem>>) src(%dma_wait3A_111 : memref<8192xf32, #tpu.memory_space<hbm>>) dst(%arg4 : memref<8192xf32, #tpu.memory_space<vmem>>)
      tpu.yield
    }) : () -> ()
    %scan3A = arith.constant 0 : i32
    %scan3A_3 = arith.constant 0 : i32
    %scan3A_4 = arith.constant 256 : i32
    %scan3A_5 = arith.addi %scan3A_3, %scan3A_4 : i32
    %scan3A_6 = arith.constant 1 : i32
    scf.for %scan3A_109 = %scan3A_3 to %scan3A_5 step %scan3A_6  : i32 {
      %broadcast_in_dim3A = arith.constant 0.000000e+00 : f32
      %broadcast_in_dim3A_110 = vector.broadcast %broadcast_in_dim3A : f32 to vector<16xf32>
      %jit3A = arith.constant 16 : i32
      %div3A = arith.divsi %scan3A_109, %jit3A : i32
      %sign3A = arith.constant 0 : i32
      %sign3A_111 = arith.cmpi sgt, %scan3A_109, %sign3A : i32
      %sign3A_112 = arith.extui %sign3A_111 : i1 to i32
      %sign3A_113 = arith.constant 0 : i32
      %sign3A_114 = arith.cmpi slt, %scan3A_109, %sign3A_113 : i32
      %sign3A_115 = arith.extui %sign3A_114 : i1 to i32
      %sign3A_116 = arith.subi %sign3A_112, %sign3A_115 : i32
      %sign3A_117 = arith.constant 0 : i32
      %sign3A_118 = arith.cmpi sgt, %jit3A, %sign3A_117 : i32
      %sign3A_119 = arith.extui %sign3A_118 : i1 to i32
      %sign3A_120 = arith.constant 0 : i32
      %sign3A_121 = arith.cmpi slt, %jit3A, %sign3A_120 : i32
      %sign3A_122 = arith.extui %sign3A_121 : i1 to i32
      %sign3A_123 = arith.subi %sign3A_119, %sign3A_122 : i32
      %ne3A = arith.cmpi ne, %sign3A_116, %sign3A_123 : i32
      %rem3A = arith.remsi %scan3A_109, %jit3A : i32
      %ne3A_124 = arith.constant 0 : i32
      %ne3A_125 = arith.cmpi ne, %rem3A, %ne3A_124 : i32
      %and3A = arith.andi %ne3A, %ne3A_125 : i1
      %sub3A = arith.constant 1 : i32
      %sub3A_126 = arith.subi %div3A, %sub3A : i32
      %select_n3A = arith.select %and3A, %sub3A_126, %div3A : i32
      %jit3A_127 = arith.constant 16 : i32
      %eq3A = arith.constant 0 : i32
      %eq3A_128 = arith.cmpi eq, %jit3A_127, %eq3A : i32
      %jit3A_129 = arith.constant 1 : i32
      %select_n3A_130 = arith.select %eq3A_128, %jit3A_129, %jit3A_127 : i32
      %rem3A_131 = arith.remsi %scan3A_109, %select_n3A_130 : i32
      %ne3A_132 = arith.constant 0 : i32
      %ne3A_133 = arith.cmpi ne, %rem3A_131, %ne3A_132 : i32
      %lt3A = arith.constant 0 : i32
      %lt3A_134 = arith.cmpi slt, %rem3A_131, %lt3A : i32
      %lt3A_135 = arith.constant 0 : i32
      %lt3A_136 = arith.cmpi slt, %select_n3A_130, %lt3A_135 : i32
      %ne3A_137 = arith.xori %lt3A_134, %lt3A_136 : i1
      %and3A_138 = arith.andi %ne3A_137, %ne3A_133 : i1
      %add3A_139 = arith.addi %rem3A_131, %select_n3A_130 : i32
      %select_n3A_140 = arith.select %and3A_138, %add3A_139, %rem3A_131 : i32
      %mul3A_141 = arith.constant 16 : i32
      %mul3A_142 = arith.muli %select_n3A_140, %mul3A_141 : i32
      %min3A = arith.constant 239 : i32
      %min3A_143 = arith.minsi %mul3A_142, %min3A : i32
      %broadcast_in_dim3A_144 = vector.broadcast %select_n3A : i32 to vector<16xi32>
      %iota3A = tpu.iota {dimensions = array<i32: 0>} : vector<16xi32>
      %add3A_145 = vector.broadcast %min3A_143 : i32 to vector<16xi32>
      %add3A_146 = arith.addi %add3A_145, %iota3A : vector<16xi32>
      tpu.vector_store_idx %arg5[%broadcast_in_dim3A_144, %add3A_146], %broadcast_in_dim3A_110 : memref<16x255xf32, #tpu.memory_space<vmem>>[vector<16xi32>, vector<16xi32>], vector<16xf32>,
      %broadcast_in_dim3A_147 = vector.broadcast %select_n3A : i32 to vector<16xi32>
      %iota3A_148 = tpu.iota {dimensions = array<i32: 0>} : vector<16xi32>
      %add3A_149 = vector.broadcast %min3A_143 : i32 to vector<16xi32>
      %add3A_150 = arith.addi %add3A_149, %iota3A_148 : vector<16xi32>
      tpu.vector_store_idx %arg6[%broadcast_in_dim3A_147, %add3A_150], %broadcast_in_dim3A_110 : memref<16x255xf32, #tpu.memory_space<vmem>>[vector<16xi32>, vector<16xi32>], vector<16xf32>,
      %broadcast_in_dim3A_151 = vector.broadcast %select_n3A : i32 to vector<16xi32>
      %iota3A_152 = tpu.iota {dimensions = array<i32: 0>} : vector<16xi32>
      %add3A_153 = vector.broadcast %min3A_143 : i32 to vector<16xi32>
      %add3A_154 = arith.addi %add3A_153, %iota3A_152 : vector<16xi32>
      tpu.vector_store_idx %arg7[%broadcast_in_dim3A_151, %add3A_154], %broadcast_in_dim3A_110 : memref<16x255xf32, #tpu.memory_space<vmem>>[vector<16xi32>, vector<16xi32>], vector<16xf32>,
      %broadcast_in_dim3A_155 = vector.broadcast %select_n3A : i32 to vector<16xi32>
      %iota3A_156 = tpu.iota {dimensions = array<i32: 0>} : vector<16xi32>
      %add3A_157 = vector.broadcast %min3A_143 : i32 to vector<16xi32>
      %add3A_158 = arith.addi %add3A_157, %iota3A_156 : vector<16xi32>
      tpu.vector_store_idx %arg8[%broadcast_in_dim3A_155, %add3A_158], %broadcast_in_dim3A_110 : memref<16x255xf32, #tpu.memory_space<vmem>>[vector<16xi32>, vector<16xi32>], vector<16xf32>,
      %broadcast_in_dim3A_159 = vector.broadcast %select_n3A : i32 to vector<16xi32>
      %iota3A_160 = tpu.iota {dimensions = array<i32: 0>} : vector<16xi32>
      %add3A_161 = vector.broadcast %min3A_143 : i32 to vector<16xi32>
      %add3A_162 = arith.addi %add3A_161, %iota3A_160 : vector<16xi32>
      tpu.vector_store_idx %arg9[%broadcast_in_dim3A_159, %add3A_162], %broadcast_in_dim3A_110 : memref<16x255xf32, #tpu.memory_space<vmem>>[vector<16xi32>, vector<16xi32>], vector<16xf32>,
      %broadcast_in_dim3A_163 = vector.broadcast %select_n3A : i32 to vector<16xi32>
      %iota3A_164 = tpu.iota {dimensions = array<i32: 0>} : vector<16xi32>
      %add3A_165 = vector.broadcast %min3A_143 : i32 to vector<16xi32>
      %add3A_166 = arith.addi %add3A_165, %iota3A_164 : vector<16xi32>
      tpu.vector_store_idx %arg10[%broadcast_in_dim3A_163, %add3A_166], %broadcast_in_dim3A_110 : memref<16x255xf32, #tpu.memory_space<vmem>>[vector<16xi32>, vector<16xi32>], vector<16xf32>,
      %broadcast_in_dim3A_167 = vector.broadcast %select_n3A : i32 to vector<16xi32>
      %iota3A_168 = tpu.iota {dimensions = array<i32: 0>} : vector<16xi32>
      %add3A_169 = vector.broadcast %min3A_143 : i32 to vector<16xi32>
      %add3A_170 = arith.addi %add3A_169, %iota3A_168 : vector<16xi32>
      tpu.vector_store_idx %arg11[%broadcast_in_dim3A_167, %add3A_170], %broadcast_in_dim3A_110 : memref<16x255xf32, #tpu.memory_space<vmem>>[vector<16xi32>, vector<16xi32>], vector<16xf32>,
      %broadcast_in_dim3A_171 = vector.broadcast %select_n3A : i32 to vector<16xi32>
      %iota3A_172 = tpu.iota {dimensions = array<i32: 0>} : vector<16xi32>
      %add3A_173 = vector.broadcast %min3A_143 : i32 to vector<16xi32>
      %add3A_174 = arith.addi %add3A_173, %iota3A_172 : vector<16xi32>
      tpu.vector_store_idx %arg12[%broadcast_in_dim3A_171, %add3A_174], %broadcast_in_dim3A_110 : memref<16x255xf32, #tpu.memory_space<vmem>>[vector<16xi32>, vector<16xi32>], vector<16xf32>,
      %broadcast_in_dim3A_175 = vector.broadcast %select_n3A : i32 to vector<16xi32>
      %iota3A_176 = tpu.iota {dimensions = array<i32: 0>} : vector<16xi32>
      %add3A_177 = vector.broadcast %min3A_143 : i32 to vector<16xi32>
      %add3A_178 = arith.addi %add3A_177, %iota3A_176 : vector<16xi32>
      tpu.vector_store_idx %arg13[%broadcast_in_dim3A_175, %add3A_178], %broadcast_in_dim3A_110 : memref<16x255xf32, #tpu.memory_space<vmem>>[vector<16xi32>, vector<16xi32>], vector<16xf32>,
      %broadcast_in_dim3A_179 = vector.broadcast %select_n3A : i32 to vector<16xi32>
      %iota3A_180 = tpu.iota {dimensions = array<i32: 0>} : vector<16xi32>
      %add3A_181 = vector.broadcast %min3A_143 : i32 to vector<16xi32>
      %add3A_182 = arith.addi %add3A_181, %iota3A_180 : vector<16xi32>
      tpu.vector_store_idx %arg14[%broadcast_in_dim3A_179, %add3A_182], %broadcast_in_dim3A_110 : memref<16x255xf32, #tpu.memory_space<vmem>>[vector<16xi32>, vector<16xi32>], vector<16xf32>,
      %broadcast_in_dim3A_183 = vector.broadcast %select_n3A : i32 to vector<16xi32>
      %iota3A_184 = tpu.iota {dimensions = array<i32: 0>} : vector<16xi32>
      %add3A_185 = vector.broadcast %min3A_143 : i32 to vector<16xi32>
      %add3A_186 = arith.addi %add3A_185, %iota3A_184 : vector<16xi32>
      tpu.vector_store_idx %arg15[%broadcast_in_dim3A_183, %add3A_186], %broadcast_in_dim3A_110 : memref<16x255xf32, #tpu.memory_space<vmem>>[vector<16xi32>, vector<16xi32>], vector<16xf32>,
      %broadcast_in_dim3A_187 = vector.broadcast %select_n3A : i32 to vector<16xi32>
      %iota3A_188 = tpu.iota {dimensions = array<i32: 0>} : vector<16xi32>
      %add3A_189 = vector.broadcast %min3A_143 : i32 to vector<16xi32>
      %add3A_190 = arith.addi %add3A_189, %iota3A_188 : vector<16xi32>
      tpu.vector_store_idx %arg16[%broadcast_in_dim3A_187, %add3A_190], %broadcast_in_dim3A_110 : memref<16x255xf32, #tpu.memory_space<vmem>>[vector<16xi32>, vector<16xi32>], vector<16xf32>,
      %broadcast_in_dim3A_191 = vector.broadcast %select_n3A : i32 to vector<16xi32>
      %iota3A_192 = tpu.iota {dimensions = array<i32: 0>} : vector<16xi32>
      %add3A_193 = vector.broadcast %min3A_143 : i32 to vector<16xi32>
      %add3A_194 = arith.addi %add3A_193, %iota3A_192 : vector<16xi32>
      tpu.vector_store_idx %arg17[%broadcast_in_dim3A_191, %add3A_194], %broadcast_in_dim3A_110 : memref<16x255xf32, #tpu.memory_space<vmem>>[vector<16xi32>, vector<16xi32>], vector<16xf32>,
      %broadcast_in_dim3A_195 = vector.broadcast %select_n3A : i32 to vector<16xi32>
      %iota3A_196 = tpu.iota {dimensions = array<i32: 0>} : vector<16xi32>
      %add3A_197 = vector.broadcast %min3A_143 : i32 to vector<16xi32>
      %add3A_198 = arith.addi %add3A_197, %iota3A_196 : vector<16xi32>
      tpu.vector_store_idx %arg18[%broadcast_in_dim3A_195, %add3A_198], %broadcast_in_dim3A_110 : memref<16x255xf32, #tpu.memory_space<vmem>>[vector<16xi32>, vector<16xi32>], vector<16xf32>,
      %broadcast_in_dim3A_199 = vector.broadcast %select_n3A : i32 to vector<16xi32>
      %iota3A_200 = tpu.iota {dimensions = array<i32: 0>} : vector<16xi32>
      %add3A_201 = vector.broadcast %min3A_143 : i32 to vector<16xi32>
      %add3A_202 = arith.addi %add3A_201, %iota3A_200 : vector<16xi32>
      tpu.vector_store_idx %arg19[%broadcast_in_dim3A_199, %add3A_202], %broadcast_in_dim3A_110 : memref<16x255xf32, #tpu.memory_space<vmem>>[vector<16xi32>, vector<16xi32>], vector<16xf32>,
      %broadcast_in_dim3A_203 = vector.broadcast %select_n3A : i32 to vector<16xi32>
      %iota3A_204 = tpu.iota {dimensions = array<i32: 0>} : vector<16xi32>
      %add3A_205 = vector.broadcast %min3A_143 : i32 to vector<16xi32>
      %add3A_206 = arith.addi %add3A_205, %iota3A_204 : vector<16xi32>
      tpu.vector_store_idx %arg20[%broadcast_in_dim3A_203, %add3A_206], %broadcast_in_dim3A_110 : memref<16x255xf32, #tpu.memory_space<vmem>>[vector<16xi32>, vector<16xi32>], vector<16xf32>,
    }
    %scan3A_7 = arith.constant 256 : i32
    %scan3A_8 = arith.constant 0 : i32
    %scan3A_9 = arith.constant 0 : i32
    %scan3A_10 = arith.constant 32 : i32
    %scan3A_11 = arith.addi %scan3A_9, %scan3A_10 : i32
    %scan3A_12 = arith.constant 1 : i32
    scf.for %scan3A_109 = %scan3A_9 to %scan3A_11 step %scan3A_12  : i32 {
      %mul3A_110 = arith.constant 16 : i32
      %mul3A_111 = arith.muli %scan3A_109, %mul3A_110 : i32
      %add3A_112 = arith.constant 0 : i32
      %add3A_113 = arith.addi %mul3A_111, %add3A_112 : i32
      %gt3A = arith.constant 0 : i32
      %gt3A_114 = arith.cmpi sgt, %scan3A_109, %gt3A : i32
      %convert_element_type3A = arith.extui %gt3A_114 : i1 to i32
      %cond3A = arith.constant 0 : i32
      %cond3A_115 = arith.cmpi ne, %convert_element_type3A, %cond3A : i32
      scf.if %cond3A_115 {
        %sub3A_900 = arith.constant 16 : i32
        %sub3A_901 = arith.subi %add3A_113, %sub3A_900 : i32
        %mul3A_902 = arith.constant 16 : i32
        %mul3A_903 = arith.muli %sub3A_901, %mul3A_902 : i32
        %add3A_904 = arith.addi %mul3A_2, %mul3A_903 : i32
        %dma_wait3A_905 = arith.constant 0 : i32
        %dma_wait3A_906 = tpu.memref_slice %arg3[%add3A_904, %dma_wait3A_905] : memref<262144x255xf32, #tpu.memory_space<hbm>> -> memref<16x255xf32, #tpu.memory_space<hbm>>
        %dma_wait3A_907 = arith.constant 0 : i32
        %dma_wait3A_908 = tpu.memref_slice %arg3[%add3A_904, %dma_wait3A_907] : memref<262144x255xf32, #tpu.memory_space<hbm>> -> memref<16x255xf32, #tpu.memory_space<hbm>>
        tpu.wait_dma2 semaphore(%arg21 : memref<!tpu.dma_semaphore, #tpu.memory_space<semaphore_mem>>) src(%arg5 : memref<16x255xf32, #tpu.memory_space<vmem>>) dst(%dma_wait3A_908 : memref<16x255xf32, #tpu.memory_space<hbm>>)
        %sub3A_909 = arith.constant 16 : i32
        %sub3A_910 = arith.subi %add3A_113, %sub3A_909 : i32
        %broadcast_in_dim3A = arith.constant 0.000000e+00 : f32
        %broadcast_in_dim3A_911 = vector.broadcast %broadcast_in_dim3A : f32 to vector<16xf32>
        %mul3A_912 = arith.constant 16 : i32
        %mul3A_913 = arith.muli %sub3A_910, %mul3A_912 : i32
        %add3A_914 = arith.constant 0 : i32
        %add3A_915 = arith.addi %mul3A_913, %add3A_914 : i32
        %get3A_916 = arith.index_cast %add3A_915 : i32 to index
        %get3A_917 = tpu.vector_load %arg4[%get3A_916] {strides = array<i32>} : memref<8192xf32, #tpu.memory_space<vmem>>, vector<16xf32>,
        %max3A_918 = arith.constant -2.000000e+01 : f32
        %max3A_919 = vector.broadcast %max3A_918 : f32 to vector<16xf32>
        %max3A_920 = arith.maximumf %get3A_917, %max3A_919 : vector<16xf32>
        %min3A_921 = arith.constant 2.000000e+01 : f32
        %min3A_922 = vector.broadcast %min3A_921 : f32 to vector<16xf32>
        %min3A_923 = arith.minimumf %max3A_920, %min3A_922 : vector<16xf32>
        %sub3A_924 = arith.constant -2.000000e+01 : f32
        %sub3A_925 = vector.broadcast %sub3A_924 : f32 to vector<16xf32>
        %sub3A_926 = arith.subf %min3A_923, %sub3A_925 : vector<16xf32>
        %div3A_927 = arith.constant 0.157480314 : f32
        %div3A_928 = vector.broadcast %div3A_927 : f32 to vector<16xf32>
        %div3A_929 = arith.divf %sub3A_926, %div3A_928 : vector<16xf32>
        %convert_element_type3A_930 = arith.fptosi %div3A_929 : vector<16xf32> to vector<16xi32>
        %convert_element_type3A_931 = arith.sitofp %convert_element_type3A_930 : vector<16xi32> to vector<16xf32>
        %sub3A_932 = arith.subf %div3A_929, %convert_element_type3A_931 : vector<16xf32>
        %sub3A_933 = arith.constant 1.000000e+00 : f32
        %sub3A_934 = vector.broadcast %sub3A_933 : f32 to vector<16xf32>
        %sub3A_935 = arith.subf %sub3A_934, %sub3A_932 : vector<16xf32>
        %add3A_936 = arith.constant 1 : i32
        %add3A_937 = vector.broadcast %add3A_936 : i32 to vector<16xi32>
        %add3A_938 = arith.addi %convert_element_type3A_930, %add3A_937 : vector<16xi32>
        %min3A_939 = arith.constant 254 : i32
        %min3A_940 = vector.broadcast %min3A_939 : i32 to vector<16xi32>
        %min3A_941 = arith.minsi %add3A_938, %min3A_940 : vector<16xi32>
        %iota3A_942 = tpu.iota {dimensions = array<i32: 0>} : vector<16xi32>
        %add3A_943 = arith.constant 0 : i32
        %add3A_944 = vector.broadcast %add3A_943 : i32 to vector<16xi32>
        %add3A_945 = arith.addi %iota3A_942, %add3A_944 : vector<16xi32>
        tpu.vector_store_idx %arg5[%add3A_945, %convert_element_type3A_930], %broadcast_in_dim3A_911 : memref<16x255xf32, #tpu.memory_space<vmem>>[vector<16xi32>, vector<16xi32>], vector<16xf32>,
        tpu.vector_store_idx %arg5[%add3A_945, %min3A_941], %broadcast_in_dim3A_911 : memref<16x255xf32, #tpu.memory_space<vmem>>[vector<16xi32>, vector<16xi32>], vector<16xf32>,
      } else {
      }
      %mul3A_116 = arith.constant 16 : i32
      %mul3A_117 = arith.muli %add3A_113, %mul3A_116 : i32
      %add3A_118 = arith.constant 0 : i32
      %add3A_119 = arith.addi %mul3A_117, %add3A_118 : i32
      %get3A = arith.index_cast %add3A_119 : i32 to index
      %get3A_120 = tpu.vector_load %arg4[%get3A] {strides = array<i32>} : memref<8192xf32, #tpu.memory_space<vmem>>, vector<16xf32>,
      %max3A = arith.constant -2.000000e+01 : f32
      %max3A_121 = vector.broadcast %max3A : f32 to vector<16xf32>
      %max3A_122 = arith.maximumf %get3A_120, %max3A_121 : vector<16xf32>
      %min3A = arith.constant 2.000000e+01 : f32
      %min3A_123 = vector.broadcast %min3A : f32 to vector<16xf32>
      %min3A_124 = arith.minimumf %max3A_122, %min3A_123 : vector<16xf32>
      %sub3A = arith.constant -2.000000e+01 : f32
      %sub3A_125 = vector.broadcast %sub3A : f32 to vector<16xf32>
      %sub3A_126 = arith.subf %min3A_124, %sub3A_125 : vector<16xf32>
      %div3A = arith.constant 0.157480314 : f32
      %div3A_127 = vector.broadcast %div3A : f32 to vector<16xf32>
      %div3A_128 = arith.divf %sub3A_126, %div3A_127 : vector<16xf32>
      %convert_element_type3A_129 = arith.fptosi %div3A_128 : vector<16xf32> to vector<16xi32>
      %convert_element_type3A_130 = arith.sitofp %convert_element_type3A_129 : vector<16xi32> to vector<16xf32>
      %sub3A_131 = arith.subf %div3A_128, %convert_element_type3A_130 : vector<16xf32>
      %sub3A_132 = arith.constant 1.000000e+00 : f32
      %sub3A_133 = vector.broadcast %sub3A_132 : f32 to vector<16xf32>
      %sub3A_134 = arith.subf %sub3A_133, %sub3A_131 : vector<16xf32>
      %add3A_135 = arith.constant 1 : i32
      %add3A_136 = vector.broadcast %add3A_135 : i32 to vector<16xi32>
      %add3A_137 = arith.addi %convert_element_type3A_129, %add3A_136 : vector<16xi32>
      %min3A_138 = arith.constant 254 : i32
      %min3A_139 = vector.broadcast %min3A_138 : i32 to vector<16xi32>
      %min3A_140 = arith.minsi %add3A_137, %min3A_139 : vector<16xi32>
      %iota3A = tpu.iota {dimensions = array<i32: 0>} : vector<16xi32>
      %add3A_141 = arith.constant 0 : i32
      %add3A_142 = vector.broadcast %add3A_141 : i32 to vector<16xi32>
      %add3A_143 = arith.addi %iota3A, %add3A_142 : vector<16xi32>
      tpu.vector_store_idx %arg5[%add3A_143, %convert_element_type3A_129], %sub3A_134 : memref<16x255xf32, #tpu.memory_space<vmem>>[vector<16xi32>, vector<16xi32>], vector<16xf32>,
      tpu.vector_store_idx %arg5[%add3A_143, %min3A_140], %sub3A_131 {add = true} : memref<16x255xf32, #tpu.memory_space<vmem>>[vector<16xi32>, vector<16xi32>], vector<16xf32>,
      %mul3A_144 = arith.constant 16 : i32
      %mul3A_145 = arith.muli %add3A_113, %mul3A_144 : i32
      %add3A_146 = arith.addi %mul3A_2, %mul3A_145 : i32
      %dma_start3A = arith.constant 0 : i32
      %dma_start3A_147 = tpu.memref_slice %arg3[%add3A_146, %dma_start3A] : memref<262144x255xf32, #tpu.memory_space<hbm>> -> memref<16x255xf32, #tpu.memory_space<hbm>>
      %dma_start3A_148 = arith.constant 0 : i32
      %dma_start3A_149 = tpu.memref_slice %arg3[%add3A_146, %dma_start3A_148] : memref<262144x255xf32, #tpu.memory_space<hbm>> -> memref<16x255xf32, #tpu.memory_space<hbm>>
      tpu.enqueue_dma source(%arg5 : memref<16x255xf32, #tpu.memory_space<vmem>>) target(%dma_start3A_149 : memref<16x255xf32, #tpu.memory_space<hbm>>) target_semaphore(%arg21 : memref<!tpu.dma_semaphore, #tpu.memory_space<semaphore_mem>>)
      %mul3A_150 = arith.constant 16 : i32
      %mul3A_151 = arith.muli %scan3A_109, %mul3A_150 : i32
      %add3A_152 = arith.constant 1 : i32
      %add3A_153 = arith.addi %mul3A_151, %add3A_152 : i32
      %gt3A_154 = arith.constant 0 : i32
      %gt3A_155 = arith.cmpi sgt, %scan3A_109, %gt3A_154 : i32
      %convert_element_type3A_156 = arith.extui %gt3A_155 : i1 to i32
      %cond3A_157 = arith.constant 0 : i32
      %cond3A_158 = arith.cmpi ne, %convert_element_type3A_156, %cond3A_157 : i32
      scf.if %cond3A_158 {
        %sub3A_900 = arith.constant 16 : i32
        %sub3A_901 = arith.subi %add3A_153, %sub3A_900 : i32
        %mul3A_902 = arith.constant 16 : i32
        %mul3A_903 = arith.muli %sub3A_901, %mul3A_902 : i32
        %add3A_904 = arith.addi %mul3A_2, %mul3A_903 : i32
        %dma_wait3A_905 = arith.constant 0 : i32
        %dma_wait3A_906 = tpu.memref_slice %arg3[%add3A_904, %dma_wait3A_905] : memref<262144x255xf32, #tpu.memory_space<hbm>> -> memref<16x255xf32, #tpu.memory_space<hbm>>
        %dma_wait3A_907 = arith.constant 0 : i32
        %dma_wait3A_908 = tpu.memref_slice %arg3[%add3A_904, %dma_wait3A_907] : memref<262144x255xf32, #tpu.memory_space<hbm>> -> memref<16x255xf32, #tpu.memory_space<hbm>>
        tpu.wait_dma2 semaphore(%arg22 : memref<!tpu.dma_semaphore, #tpu.memory_space<semaphore_mem>>) src(%arg6 : memref<16x255xf32, #tpu.memory_space<vmem>>) dst(%dma_wait3A_908 : memref<16x255xf32, #tpu.memory_space<hbm>>)
        %sub3A_909 = arith.constant 16 : i32
        %sub3A_910 = arith.subi %add3A_153, %sub3A_909 : i32
        %broadcast_in_dim3A = arith.constant 0.000000e+00 : f32
        %broadcast_in_dim3A_911 = vector.broadcast %broadcast_in_dim3A : f32 to vector<16xf32>
        %mul3A_912 = arith.constant 16 : i32
        %mul3A_913 = arith.muli %sub3A_910, %mul3A_912 : i32
        %add3A_914 = arith.constant 0 : i32
        %add3A_915 = arith.addi %mul3A_913, %add3A_914 : i32
        %get3A_916 = arith.index_cast %add3A_915 : i32 to index
        %get3A_917 = tpu.vector_load %arg4[%get3A_916] {strides = array<i32>} : memref<8192xf32, #tpu.memory_space<vmem>>, vector<16xf32>,
        %max3A_918 = arith.constant -2.000000e+01 : f32
        %max3A_919 = vector.broadcast %max3A_918 : f32 to vector<16xf32>
        %max3A_920 = arith.maximumf %get3A_917, %max3A_919 : vector<16xf32>
        %min3A_921 = arith.constant 2.000000e+01 : f32
        %min3A_922 = vector.broadcast %min3A_921 : f32 to vector<16xf32>
        %min3A_923 = arith.minimumf %max3A_920, %min3A_922 : vector<16xf32>
        %sub3A_924 = arith.constant -2.000000e+01 : f32
        %sub3A_925 = vector.broadcast %sub3A_924 : f32 to vector<16xf32>
        %sub3A_926 = arith.subf %min3A_923, %sub3A_925 : vector<16xf32>
        %div3A_927 = arith.constant 0.157480314 : f32
        %div3A_928 = vector.broadcast %div3A_927 : f32 to vector<16xf32>
        %div3A_929 = arith.divf %sub3A_926, %div3A_928 : vector<16xf32>
        %convert_element_type3A_930 = arith.fptosi %div3A_929 : vector<16xf32> to vector<16xi32>
        %convert_element_type3A_931 = arith.sitofp %convert_element_type3A_930 : vector<16xi32> to vector<16xf32>
        %sub3A_932 = arith.subf %div3A_929, %convert_element_type3A_931 : vector<16xf32>
        %sub3A_933 = arith.constant 1.000000e+00 : f32
        %sub3A_934 = vector.broadcast %sub3A_933 : f32 to vector<16xf32>
        %sub3A_935 = arith.subf %sub3A_934, %sub3A_932 : vector<16xf32>
        %add3A_936 = arith.constant 1 : i32
        %add3A_937 = vector.broadcast %add3A_936 : i32 to vector<16xi32>
        %add3A_938 = arith.addi %convert_element_type3A_930, %add3A_937 : vector<16xi32>
        %min3A_939 = arith.constant 254 : i32
        %min3A_940 = vector.broadcast %min3A_939 : i32 to vector<16xi32>
        %min3A_941 = arith.minsi %add3A_938, %min3A_940 : vector<16xi32>
        %iota3A_942 = tpu.iota {dimensions = array<i32: 0>} : vector<16xi32>
        %add3A_943 = arith.constant 0 : i32
        %add3A_944 = vector.broadcast %add3A_943 : i32 to vector<16xi32>
        %add3A_945 = arith.addi %iota3A_942, %add3A_944 : vector<16xi32>
        tpu.vector_store_idx %arg6[%add3A_945, %convert_element_type3A_930], %broadcast_in_dim3A_911 : memref<16x255xf32, #tpu.memory_space<vmem>>[vector<16xi32>, vector<16xi32>], vector<16xf32>,
        tpu.vector_store_idx %arg6[%add3A_945, %min3A_941], %broadcast_in_dim3A_911 : memref<16x255xf32, #tpu.memory_space<vmem>>[vector<16xi32>, vector<16xi32>], vector<16xf32>,
      } else {
      }
      %mul3A_159 = arith.constant 16 : i32
      %mul3A_160 = arith.muli %add3A_153, %mul3A_159 : i32
      %add3A_161 = arith.constant 0 : i32
      %add3A_162 = arith.addi %mul3A_160, %add3A_161 : i32
      %get3A_163 = arith.index_cast %add3A_162 : i32 to index
      %get3A_164 = tpu.vector_load %arg4[%get3A_163] {strides = array<i32>} : memref<8192xf32, #tpu.memory_space<vmem>>, vector<16xf32>,
      %max3A_165 = arith.constant -2.000000e+01 : f32
      %max3A_166 = vector.broadcast %max3A_165 : f32 to vector<16xf32>
      %max3A_167 = arith.maximumf %get3A_164, %max3A_166 : vector<16xf32>
      %min3A_168 = arith.constant 2.000000e+01 : f32
      %min3A_169 = vector.broadcast %min3A_168 : f32 to vector<16xf32>
      %min3A_170 = arith.minimumf %max3A_167, %min3A_169 : vector<16xf32>
      %sub3A_171 = arith.constant -2.000000e+01 : f32
      %sub3A_172 = vector.broadcast %sub3A_171 : f32 to vector<16xf32>
      %sub3A_173 = arith.subf %min3A_170, %sub3A_172 : vector<16xf32>
      %div3A_174 = arith.constant 0.157480314 : f32
      %div3A_175 = vector.broadcast %div3A_174 : f32 to vector<16xf32>
      %div3A_176 = arith.divf %sub3A_173, %div3A_175 : vector<16xf32>
      %convert_element_type3A_177 = arith.fptosi %div3A_176 : vector<16xf32> to vector<16xi32>
      %convert_element_type3A_178 = arith.sitofp %convert_element_type3A_177 : vector<16xi32> to vector<16xf32>
      %sub3A_179 = arith.subf %div3A_176, %convert_element_type3A_178 : vector<16xf32>
      %sub3A_180 = arith.constant 1.000000e+00 : f32
      %sub3A_181 = vector.broadcast %sub3A_180 : f32 to vector<16xf32>
      %sub3A_182 = arith.subf %sub3A_181, %sub3A_179 : vector<16xf32>
      %add3A_183 = arith.constant 1 : i32
      %add3A_184 = vector.broadcast %add3A_183 : i32 to vector<16xi32>
      %add3A_185 = arith.addi %convert_element_type3A_177, %add3A_184 : vector<16xi32>
      %min3A_186 = arith.constant 254 : i32
      %min3A_187 = vector.broadcast %min3A_186 : i32 to vector<16xi32>
      %min3A_188 = arith.minsi %add3A_185, %min3A_187 : vector<16xi32>
      %iota3A_189 = tpu.iota {dimensions = array<i32: 0>} : vector<16xi32>
      %add3A_190 = arith.constant 0 : i32
      %add3A_191 = vector.broadcast %add3A_190 : i32 to vector<16xi32>
      %add3A_192 = arith.addi %iota3A_189, %add3A_191 : vector<16xi32>
      tpu.vector_store_idx %arg6[%add3A_192, %convert_element_type3A_177], %sub3A_182 : memref<16x255xf32, #tpu.memory_space<vmem>>[vector<16xi32>, vector<16xi32>], vector<16xf32>,
      tpu.vector_store_idx %arg6[%add3A_192, %min3A_188], %sub3A_179 {add = true} : memref<16x255xf32, #tpu.memory_space<vmem>>[vector<16xi32>, vector<16xi32>], vector<16xf32>,
      %mul3A_193 = arith.constant 16 : i32
      %mul3A_194 = arith.muli %add3A_153, %mul3A_193 : i32
      %add3A_195 = arith.addi %mul3A_2, %mul3A_194 : i32
      %dma_start3A_196 = arith.constant 0 : i32
      %dma_start3A_197 = tpu.memref_slice %arg3[%add3A_195, %dma_start3A_196] : memref<262144x255xf32, #tpu.memory_space<hbm>> -> memref<16x255xf32, #tpu.memory_space<hbm>>
      %dma_start3A_198 = arith.constant 0 : i32
      %dma_start3A_199 = tpu.memref_slice %arg3[%add3A_195, %dma_start3A_198] : memref<262144x255xf32, #tpu.memory_space<hbm>> -> memref<16x255xf32, #tpu.memory_space<hbm>>
      tpu.enqueue_dma source(%arg6 : memref<16x255xf32, #tpu.memory_space<vmem>>) target(%dma_start3A_199 : memref<16x255xf32, #tpu.memory_space<hbm>>) target_semaphore(%arg22 : memref<!tpu.dma_semaphore, #tpu.memory_space<semaphore_mem>>)
      %mul3A_200 = arith.constant 16 : i32
      %mul3A_201 = arith.muli %scan3A_109, %mul3A_200 : i32
      %add3A_202 = arith.constant 2 : i32
      %add3A_203 = arith.addi %mul3A_201, %add3A_202 : i32
      %gt3A_204 = arith.constant 0 : i32
      %gt3A_205 = arith.cmpi sgt, %scan3A_109, %gt3A_204 : i32
      %convert_element_type3A_206 = arith.extui %gt3A_205 : i1 to i32
      %cond3A_207 = arith.constant 0 : i32
      %cond3A_208 = arith.cmpi ne, %convert_element_type3A_206, %cond3A_207 : i32
      scf.if %cond3A_208 {
        %sub3A_900 = arith.constant 16 : i32
        %sub3A_901 = arith.subi %add3A_203, %sub3A_900 : i32
        %mul3A_902 = arith.constant 16 : i32
        %mul3A_903 = arith.muli %sub3A_901, %mul3A_902 : i32
        %add3A_904 = arith.addi %mul3A_2, %mul3A_903 : i32
        %dma_wait3A_905 = arith.constant 0 : i32
        %dma_wait3A_906 = tpu.memref_slice %arg3[%add3A_904, %dma_wait3A_905] : memref<262144x255xf32, #tpu.memory_space<hbm>> -> memref<16x255xf32, #tpu.memory_space<hbm>>
        %dma_wait3A_907 = arith.constant 0 : i32
        %dma_wait3A_908 = tpu.memref_slice %arg3[%add3A_904, %dma_wait3A_907] : memref<262144x255xf32, #tpu.memory_space<hbm>> -> memref<16x255xf32, #tpu.memory_space<hbm>>
        tpu.wait_dma2 semaphore(%arg23 : memref<!tpu.dma_semaphore, #tpu.memory_space<semaphore_mem>>) src(%arg7 : memref<16x255xf32, #tpu.memory_space<vmem>>) dst(%dma_wait3A_908 : memref<16x255xf32, #tpu.memory_space<hbm>>)
        %sub3A_909 = arith.constant 16 : i32
        %sub3A_910 = arith.subi %add3A_203, %sub3A_909 : i32
        %broadcast_in_dim3A = arith.constant 0.000000e+00 : f32
        %broadcast_in_dim3A_911 = vector.broadcast %broadcast_in_dim3A : f32 to vector<16xf32>
        %mul3A_912 = arith.constant 16 : i32
        %mul3A_913 = arith.muli %sub3A_910, %mul3A_912 : i32
        %add3A_914 = arith.constant 0 : i32
        %add3A_915 = arith.addi %mul3A_913, %add3A_914 : i32
        %get3A_916 = arith.index_cast %add3A_915 : i32 to index
        %get3A_917 = tpu.vector_load %arg4[%get3A_916] {strides = array<i32>} : memref<8192xf32, #tpu.memory_space<vmem>>, vector<16xf32>,
        %max3A_918 = arith.constant -2.000000e+01 : f32
        %max3A_919 = vector.broadcast %max3A_918 : f32 to vector<16xf32>
        %max3A_920 = arith.maximumf %get3A_917, %max3A_919 : vector<16xf32>
        %min3A_921 = arith.constant 2.000000e+01 : f32
        %min3A_922 = vector.broadcast %min3A_921 : f32 to vector<16xf32>
        %min3A_923 = arith.minimumf %max3A_920, %min3A_922 : vector<16xf32>
        %sub3A_924 = arith.constant -2.000000e+01 : f32
        %sub3A_925 = vector.broadcast %sub3A_924 : f32 to vector<16xf32>
        %sub3A_926 = arith.subf %min3A_923, %sub3A_925 : vector<16xf32>
        %div3A_927 = arith.constant 0.157480314 : f32
        %div3A_928 = vector.broadcast %div3A_927 : f32 to vector<16xf32>
        %div3A_929 = arith.divf %sub3A_926, %div3A_928 : vector<16xf32>
        %convert_element_type3A_930 = arith.fptosi %div3A_929 : vector<16xf32> to vector<16xi32>
        %convert_element_type3A_931 = arith.sitofp %convert_element_type3A_930 : vector<16xi32> to vector<16xf32>
        %sub3A_932 = arith.subf %div3A_929, %convert_element_type3A_931 : vector<16xf32>
        %sub3A_933 = arith.constant 1.000000e+00 : f32
        %sub3A_934 = vector.broadcast %sub3A_933 : f32 to vector<16xf32>
        %sub3A_935 = arith.subf %sub3A_934, %sub3A_932 : vector<16xf32>
        %add3A_936 = arith.constant 1 : i32
        %add3A_937 = vector.broadcast %add3A_936 : i32 to vector<16xi32>
        %add3A_938 = arith.addi %convert_element_type3A_930, %add3A_937 : vector<16xi32>
        %min3A_939 = arith.constant 254 : i32
        %min3A_940 = vector.broadcast %min3A_939 : i32 to vector<16xi32>
        %min3A_941 = arith.minsi %add3A_938, %min3A_940 : vector<16xi32>
        %iota3A_942 = tpu.iota {dimensions = array<i32: 0>} : vector<16xi32>
        %add3A_943 = arith.constant 0 : i32
        %add3A_944 = vector.broadcast %add3A_943 : i32 to vector<16xi32>
        %add3A_945 = arith.addi %iota3A_942, %add3A_944 : vector<16xi32>
        tpu.vector_store_idx %arg7[%add3A_945, %convert_element_type3A_930], %broadcast_in_dim3A_911 : memref<16x255xf32, #tpu.memory_space<vmem>>[vector<16xi32>, vector<16xi32>], vector<16xf32>,
        tpu.vector_store_idx %arg7[%add3A_945, %min3A_941], %broadcast_in_dim3A_911 : memref<16x255xf32, #tpu.memory_space<vmem>>[vector<16xi32>, vector<16xi32>], vector<16xf32>,
      } else {
      }
      %mul3A_209 = arith.constant 16 : i32
      %mul3A_210 = arith.muli %add3A_203, %mul3A_209 : i32
      %add3A_211 = arith.constant 0 : i32
      %add3A_212 = arith.addi %mul3A_210, %add3A_211 : i32
      %get3A_213 = arith.index_cast %add3A_212 : i32 to index
      %get3A_214 = tpu.vector_load %arg4[%get3A_213] {strides = array<i32>} : memref<8192xf32, #tpu.memory_space<vmem>>, vector<16xf32>,
      %max3A_215 = arith.constant -2.000000e+01 : f32
      %max3A_216 = vector.broadcast %max3A_215 : f32 to vector<16xf32>
      %max3A_217 = arith.maximumf %get3A_214, %max3A_216 : vector<16xf32>
      %min3A_218 = arith.constant 2.000000e+01 : f32
      %min3A_219 = vector.broadcast %min3A_218 : f32 to vector<16xf32>
      %min3A_220 = arith.minimumf %max3A_217, %min3A_219 : vector<16xf32>
      %sub3A_221 = arith.constant -2.000000e+01 : f32
      %sub3A_222 = vector.broadcast %sub3A_221 : f32 to vector<16xf32>
      %sub3A_223 = arith.subf %min3A_220, %sub3A_222 : vector<16xf32>
      %div3A_224 = arith.constant 0.157480314 : f32
      %div3A_225 = vector.broadcast %div3A_224 : f32 to vector<16xf32>
      %div3A_226 = arith.divf %sub3A_223, %div3A_225 : vector<16xf32>
      %convert_element_type3A_227 = arith.fptosi %div3A_226 : vector<16xf32> to vector<16xi32>
      %convert_element_type3A_228 = arith.sitofp %convert_element_type3A_227 : vector<16xi32> to vector<16xf32>
      %sub3A_229 = arith.subf %div3A_226, %convert_element_type3A_228 : vector<16xf32>
      %sub3A_230 = arith.constant 1.000000e+00 : f32
      %sub3A_231 = vector.broadcast %sub3A_230 : f32 to vector<16xf32>
      %sub3A_232 = arith.subf %sub3A_231, %sub3A_229 : vector<16xf32>
      %add3A_233 = arith.constant 1 : i32
      %add3A_234 = vector.broadcast %add3A_233 : i32 to vector<16xi32>
      %add3A_235 = arith.addi %convert_element_type3A_227, %add3A_234 : vector<16xi32>
      %min3A_236 = arith.constant 254 : i32
      %min3A_237 = vector.broadcast %min3A_236 : i32 to vector<16xi32>
      %min3A_238 = arith.minsi %add3A_235, %min3A_237 : vector<16xi32>
      %iota3A_239 = tpu.iota {dimensions = array<i32: 0>} : vector<16xi32>
      %add3A_240 = arith.constant 0 : i32
      %add3A_241 = vector.broadcast %add3A_240 : i32 to vector<16xi32>
      %add3A_242 = arith.addi %iota3A_239, %add3A_241 : vector<16xi32>
      tpu.vector_store_idx %arg7[%add3A_242, %convert_element_type3A_227], %sub3A_232 : memref<16x255xf32, #tpu.memory_space<vmem>>[vector<16xi32>, vector<16xi32>], vector<16xf32>,
      tpu.vector_store_idx %arg7[%add3A_242, %min3A_238], %sub3A_229 {add = true} : memref<16x255xf32, #tpu.memory_space<vmem>>[vector<16xi32>, vector<16xi32>], vector<16xf32>,
      %mul3A_243 = arith.constant 16 : i32
      %mul3A_244 = arith.muli %add3A_203, %mul3A_243 : i32
      %add3A_245 = arith.addi %mul3A_2, %mul3A_244 : i32
      %dma_start3A_246 = arith.constant 0 : i32
      %dma_start3A_247 = tpu.memref_slice %arg3[%add3A_245, %dma_start3A_246] : memref<262144x255xf32, #tpu.memory_space<hbm>> -> memref<16x255xf32, #tpu.memory_space<hbm>>
      %dma_start3A_248 = arith.constant 0 : i32
      %dma_start3A_249 = tpu.memref_slice %arg3[%add3A_245, %dma_start3A_248] : memref<262144x255xf32, #tpu.memory_space<hbm>> -> memref<16x255xf32, #tpu.memory_space<hbm>>
      tpu.enqueue_dma source(%arg7 : memref<16x255xf32, #tpu.memory_space<vmem>>) target(%dma_start3A_249 : memref<16x255xf32, #tpu.memory_space<hbm>>) target_semaphore(%arg23 : memref<!tpu.dma_semaphore, #tpu.memory_space<semaphore_mem>>)
      %mul3A_250 = arith.constant 16 : i32
      %mul3A_251 = arith.muli %scan3A_109, %mul3A_250 : i32
      %add3A_252 = arith.constant 3 : i32
      %add3A_253 = arith.addi %mul3A_251, %add3A_252 : i32
      %gt3A_254 = arith.constant 0 : i32
      %gt3A_255 = arith.cmpi sgt, %scan3A_109, %gt3A_254 : i32
      %convert_element_type3A_256 = arith.extui %gt3A_255 : i1 to i32
      %cond3A_257 = arith.constant 0 : i32
      %cond3A_258 = arith.cmpi ne, %convert_element_type3A_256, %cond3A_257 : i32
      scf.if %cond3A_258 {
        %sub3A_900 = arith.constant 16 : i32
        %sub3A_901 = arith.subi %add3A_253, %sub3A_900 : i32
        %mul3A_902 = arith.constant 16 : i32
        %mul3A_903 = arith.muli %sub3A_901, %mul3A_902 : i32
        %add3A_904 = arith.addi %mul3A_2, %mul3A_903 : i32
        %dma_wait3A_905 = arith.constant 0 : i32
        %dma_wait3A_906 = tpu.memref_slice %arg3[%add3A_904, %dma_wait3A_905] : memref<262144x255xf32, #tpu.memory_space<hbm>> -> memref<16x255xf32, #tpu.memory_space<hbm>>
        %dma_wait3A_907 = arith.constant 0 : i32
        %dma_wait3A_908 = tpu.memref_slice %arg3[%add3A_904, %dma_wait3A_907] : memref<262144x255xf32, #tpu.memory_space<hbm>> -> memref<16x255xf32, #tpu.memory_space<hbm>>
        tpu.wait_dma2 semaphore(%arg24 : memref<!tpu.dma_semaphore, #tpu.memory_space<semaphore_mem>>) src(%arg8 : memref<16x255xf32, #tpu.memory_space<vmem>>) dst(%dma_wait3A_908 : memref<16x255xf32, #tpu.memory_space<hbm>>)
        %sub3A_909 = arith.constant 16 : i32
        %sub3A_910 = arith.subi %add3A_253, %sub3A_909 : i32
        %broadcast_in_dim3A = arith.constant 0.000000e+00 : f32
        %broadcast_in_dim3A_911 = vector.broadcast %broadcast_in_dim3A : f32 to vector<16xf32>
        %mul3A_912 = arith.constant 16 : i32
        %mul3A_913 = arith.muli %sub3A_910, %mul3A_912 : i32
        %add3A_914 = arith.constant 0 : i32
        %add3A_915 = arith.addi %mul3A_913, %add3A_914 : i32
        %get3A_916 = arith.index_cast %add3A_915 : i32 to index
        %get3A_917 = tpu.vector_load %arg4[%get3A_916] {strides = array<i32>} : memref<8192xf32, #tpu.memory_space<vmem>>, vector<16xf32>,
        %max3A_918 = arith.constant -2.000000e+01 : f32
        %max3A_919 = vector.broadcast %max3A_918 : f32 to vector<16xf32>
        %max3A_920 = arith.maximumf %get3A_917, %max3A_919 : vector<16xf32>
        %min3A_921 = arith.constant 2.000000e+01 : f32
        %min3A_922 = vector.broadcast %min3A_921 : f32 to vector<16xf32>
        %min3A_923 = arith.minimumf %max3A_920, %min3A_922 : vector<16xf32>
        %sub3A_924 = arith.constant -2.000000e+01 : f32
        %sub3A_925 = vector.broadcast %sub3A_924 : f32 to vector<16xf32>
        %sub3A_926 = arith.subf %min3A_923, %sub3A_925 : vector<16xf32>
        %div3A_927 = arith.constant 0.157480314 : f32
        %div3A_928 = vector.broadcast %div3A_927 : f32 to vector<16xf32>
        %div3A_929 = arith.divf %sub3A_926, %div3A_928 : vector<16xf32>
        %convert_element_type3A_930 = arith.fptosi %div3A_929 : vector<16xf32> to vector<16xi32>
        %convert_element_type3A_931 = arith.sitofp %convert_element_type3A_930 : vector<16xi32> to vector<16xf32>
        %sub3A_932 = arith.subf %div3A_929, %convert_element_type3A_931 : vector<16xf32>
        %sub3A_933 = arith.constant 1.000000e+00 : f32
        %sub3A_934 = vector.broadcast %sub3A_933 : f32 to vector<16xf32>
        %sub3A_935 = arith.subf %sub3A_934, %sub3A_932 : vector<16xf32>
        %add3A_936 = arith.constant 1 : i32
        %add3A_937 = vector.broadcast %add3A_936 : i32 to vector<16xi32>
        %add3A_938 = arith.addi %convert_element_type3A_930, %add3A_937 : vector<16xi32>
        %min3A_939 = arith.constant 254 : i32
        %min3A_940 = vector.broadcast %min3A_939 : i32 to vector<16xi32>
        %min3A_941 = arith.minsi %add3A_938, %min3A_940 : vector<16xi32>
        %iota3A_942 = tpu.iota {dimensions = array<i32: 0>} : vector<16xi32>
        %add3A_943 = arith.constant 0 : i32
        %add3A_944 = vector.broadcast %add3A_943 : i32 to vector<16xi32>
        %add3A_945 = arith.addi %iota3A_942, %add3A_944 : vector<16xi32>
        tpu.vector_store_idx %arg8[%add3A_945, %convert_element_type3A_930], %broadcast_in_dim3A_911 : memref<16x255xf32, #tpu.memory_space<vmem>>[vector<16xi32>, vector<16xi32>], vector<16xf32>,
        tpu.vector_store_idx %arg8[%add3A_945, %min3A_941], %broadcast_in_dim3A_911 : memref<16x255xf32, #tpu.memory_space<vmem>>[vector<16xi32>, vector<16xi32>], vector<16xf32>,
      } else {
      }
      %mul3A_259 = arith.constant 16 : i32
      %mul3A_260 = arith.muli %add3A_253, %mul3A_259 : i32
      %add3A_261 = arith.constant 0 : i32
      %add3A_262 = arith.addi %mul3A_260, %add3A_261 : i32
      %get3A_263 = arith.index_cast %add3A_262 : i32 to index
      %get3A_264 = tpu.vector_load %arg4[%get3A_263] {strides = array<i32>} : memref<8192xf32, #tpu.memory_space<vmem>>, vector<16xf32>,
      %max3A_265 = arith.constant -2.000000e+01 : f32
      %max3A_266 = vector.broadcast %max3A_265 : f32 to vector<16xf32>
      %max3A_267 = arith.maximumf %get3A_264, %max3A_266 : vector<16xf32>
      %min3A_268 = arith.constant 2.000000e+01 : f32
      %min3A_269 = vector.broadcast %min3A_268 : f32 to vector<16xf32>
      %min3A_270 = arith.minimumf %max3A_267, %min3A_269 : vector<16xf32>
      %sub3A_271 = arith.constant -2.000000e+01 : f32
      %sub3A_272 = vector.broadcast %sub3A_271 : f32 to vector<16xf32>
      %sub3A_273 = arith.subf %min3A_270, %sub3A_272 : vector<16xf32>
      %div3A_274 = arith.constant 0.157480314 : f32
      %div3A_275 = vector.broadcast %div3A_274 : f32 to vector<16xf32>
      %div3A_276 = arith.divf %sub3A_273, %div3A_275 : vector<16xf32>
      %convert_element_type3A_277 = arith.fptosi %div3A_276 : vector<16xf32> to vector<16xi32>
      %convert_element_type3A_278 = arith.sitofp %convert_element_type3A_277 : vector<16xi32> to vector<16xf32>
      %sub3A_279 = arith.subf %div3A_276, %convert_element_type3A_278 : vector<16xf32>
      %sub3A_280 = arith.constant 1.000000e+00 : f32
      %sub3A_281 = vector.broadcast %sub3A_280 : f32 to vector<16xf32>
      %sub3A_282 = arith.subf %sub3A_281, %sub3A_279 : vector<16xf32>
      %add3A_283 = arith.constant 1 : i32
      %add3A_284 = vector.broadcast %add3A_283 : i32 to vector<16xi32>
      %add3A_285 = arith.addi %convert_element_type3A_277, %add3A_284 : vector<16xi32>
      %min3A_286 = arith.constant 254 : i32
      %min3A_287 = vector.broadcast %min3A_286 : i32 to vector<16xi32>
      %min3A_288 = arith.minsi %add3A_285, %min3A_287 : vector<16xi32>
      %iota3A_289 = tpu.iota {dimensions = array<i32: 0>} : vector<16xi32>
      %add3A_290 = arith.constant 0 : i32
      %add3A_291 = vector.broadcast %add3A_290 : i32 to vector<16xi32>
      %add3A_292 = arith.addi %iota3A_289, %add3A_291 : vector<16xi32>
      tpu.vector_store_idx %arg8[%add3A_292, %convert_element_type3A_277], %sub3A_282 : memref<16x255xf32, #tpu.memory_space<vmem>>[vector<16xi32>, vector<16xi32>], vector<16xf32>,
      tpu.vector_store_idx %arg8[%add3A_292, %min3A_288], %sub3A_279 {add = true} : memref<16x255xf32, #tpu.memory_space<vmem>>[vector<16xi32>, vector<16xi32>], vector<16xf32>,
      %mul3A_293 = arith.constant 16 : i32
      %mul3A_294 = arith.muli %add3A_253, %mul3A_293 : i32
      %add3A_295 = arith.addi %mul3A_2, %mul3A_294 : i32
      %dma_start3A_296 = arith.constant 0 : i32
      %dma_start3A_297 = tpu.memref_slice %arg3[%add3A_295, %dma_start3A_296] : memref<262144x255xf32, #tpu.memory_space<hbm>> -> memref<16x255xf32, #tpu.memory_space<hbm>>
      %dma_start3A_298 = arith.constant 0 : i32
      %dma_start3A_299 = tpu.memref_slice %arg3[%add3A_295, %dma_start3A_298] : memref<262144x255xf32, #tpu.memory_space<hbm>> -> memref<16x255xf32, #tpu.memory_space<hbm>>
      tpu.enqueue_dma source(%arg8 : memref<16x255xf32, #tpu.memory_space<vmem>>) target(%dma_start3A_299 : memref<16x255xf32, #tpu.memory_space<hbm>>) target_semaphore(%arg24 : memref<!tpu.dma_semaphore, #tpu.memory_space<semaphore_mem>>)
      %mul3A_300 = arith.constant 16 : i32
      %mul3A_301 = arith.muli %scan3A_109, %mul3A_300 : i32
      %add3A_302 = arith.constant 4 : i32
      %add3A_303 = arith.addi %mul3A_301, %add3A_302 : i32
      %gt3A_304 = arith.constant 0 : i32
      %gt3A_305 = arith.cmpi sgt, %scan3A_109, %gt3A_304 : i32
      %convert_element_type3A_306 = arith.extui %gt3A_305 : i1 to i32
      %cond3A_307 = arith.constant 0 : i32
      %cond3A_308 = arith.cmpi ne, %convert_element_type3A_306, %cond3A_307 : i32
      scf.if %cond3A_308 {
        %sub3A_900 = arith.constant 16 : i32
        %sub3A_901 = arith.subi %add3A_303, %sub3A_900 : i32
        %mul3A_902 = arith.constant 16 : i32
        %mul3A_903 = arith.muli %sub3A_901, %mul3A_902 : i32
        %add3A_904 = arith.addi %mul3A_2, %mul3A_903 : i32
        %dma_wait3A_905 = arith.constant 0 : i32
        %dma_wait3A_906 = tpu.memref_slice %arg3[%add3A_904, %dma_wait3A_905] : memref<262144x255xf32, #tpu.memory_space<hbm>> -> memref<16x255xf32, #tpu.memory_space<hbm>>
        %dma_wait3A_907 = arith.constant 0 : i32
        %dma_wait3A_908 = tpu.memref_slice %arg3[%add3A_904, %dma_wait3A_907] : memref<262144x255xf32, #tpu.memory_space<hbm>> -> memref<16x255xf32, #tpu.memory_space<hbm>>
        tpu.wait_dma2 semaphore(%arg25 : memref<!tpu.dma_semaphore, #tpu.memory_space<semaphore_mem>>) src(%arg9 : memref<16x255xf32, #tpu.memory_space<vmem>>) dst(%dma_wait3A_908 : memref<16x255xf32, #tpu.memory_space<hbm>>)
        %sub3A_909 = arith.constant 16 : i32
        %sub3A_910 = arith.subi %add3A_303, %sub3A_909 : i32
        %broadcast_in_dim3A = arith.constant 0.000000e+00 : f32
        %broadcast_in_dim3A_911 = vector.broadcast %broadcast_in_dim3A : f32 to vector<16xf32>
        %mul3A_912 = arith.constant 16 : i32
        %mul3A_913 = arith.muli %sub3A_910, %mul3A_912 : i32
        %add3A_914 = arith.constant 0 : i32
        %add3A_915 = arith.addi %mul3A_913, %add3A_914 : i32
        %get3A_916 = arith.index_cast %add3A_915 : i32 to index
        %get3A_917 = tpu.vector_load %arg4[%get3A_916] {strides = array<i32>} : memref<8192xf32, #tpu.memory_space<vmem>>, vector<16xf32>,
        %max3A_918 = arith.constant -2.000000e+01 : f32
        %max3A_919 = vector.broadcast %max3A_918 : f32 to vector<16xf32>
        %max3A_920 = arith.maximumf %get3A_917, %max3A_919 : vector<16xf32>
        %min3A_921 = arith.constant 2.000000e+01 : f32
        %min3A_922 = vector.broadcast %min3A_921 : f32 to vector<16xf32>
        %min3A_923 = arith.minimumf %max3A_920, %min3A_922 : vector<16xf32>
        %sub3A_924 = arith.constant -2.000000e+01 : f32
        %sub3A_925 = vector.broadcast %sub3A_924 : f32 to vector<16xf32>
        %sub3A_926 = arith.subf %min3A_923, %sub3A_925 : vector<16xf32>
        %div3A_927 = arith.constant 0.157480314 : f32
        %div3A_928 = vector.broadcast %div3A_927 : f32 to vector<16xf32>
        %div3A_929 = arith.divf %sub3A_926, %div3A_928 : vector<16xf32>
        %convert_element_type3A_930 = arith.fptosi %div3A_929 : vector<16xf32> to vector<16xi32>
        %convert_element_type3A_931 = arith.sitofp %convert_element_type3A_930 : vector<16xi32> to vector<16xf32>
        %sub3A_932 = arith.subf %div3A_929, %convert_element_type3A_931 : vector<16xf32>
        %sub3A_933 = arith.constant 1.000000e+00 : f32
        %sub3A_934 = vector.broadcast %sub3A_933 : f32 to vector<16xf32>
        %sub3A_935 = arith.subf %sub3A_934, %sub3A_932 : vector<16xf32>
        %add3A_936 = arith.constant 1 : i32
        %add3A_937 = vector.broadcast %add3A_936 : i32 to vector<16xi32>
        %add3A_938 = arith.addi %convert_element_type3A_930, %add3A_937 : vector<16xi32>
        %min3A_939 = arith.constant 254 : i32
        %min3A_940 = vector.broadcast %min3A_939 : i32 to vector<16xi32>
        %min3A_941 = arith.minsi %add3A_938, %min3A_940 : vector<16xi32>
        %iota3A_942 = tpu.iota {dimensions = array<i32: 0>} : vector<16xi32>
        %add3A_943 = arith.constant 0 : i32
        %add3A_944 = vector.broadcast %add3A_943 : i32 to vector<16xi32>
        %add3A_945 = arith.addi %iota3A_942, %add3A_944 : vector<16xi32>
        tpu.vector_store_idx %arg9[%add3A_945, %convert_element_type3A_930], %broadcast_in_dim3A_911 : memref<16x255xf32, #tpu.memory_space<vmem>>[vector<16xi32>, vector<16xi32>], vector<16xf32>,
        tpu.vector_store_idx %arg9[%add3A_945, %min3A_941], %broadcast_in_dim3A_911 : memref<16x255xf32, #tpu.memory_space<vmem>>[vector<16xi32>, vector<16xi32>], vector<16xf32>,
      } else {
      }
      %mul3A_309 = arith.constant 16 : i32
      %mul3A_310 = arith.muli %add3A_303, %mul3A_309 : i32
      %add3A_311 = arith.constant 0 : i32
      %add3A_312 = arith.addi %mul3A_310, %add3A_311 : i32
      %get3A_313 = arith.index_cast %add3A_312 : i32 to index
      %get3A_314 = tpu.vector_load %arg4[%get3A_313] {strides = array<i32>} : memref<8192xf32, #tpu.memory_space<vmem>>, vector<16xf32>,
      %max3A_315 = arith.constant -2.000000e+01 : f32
      %max3A_316 = vector.broadcast %max3A_315 : f32 to vector<16xf32>
      %max3A_317 = arith.maximumf %get3A_314, %max3A_316 : vector<16xf32>
      %min3A_318 = arith.constant 2.000000e+01 : f32
      %min3A_319 = vector.broadcast %min3A_318 : f32 to vector<16xf32>
      %min3A_320 = arith.minimumf %max3A_317, %min3A_319 : vector<16xf32>
      %sub3A_321 = arith.constant -2.000000e+01 : f32
      %sub3A_322 = vector.broadcast %sub3A_321 : f32 to vector<16xf32>
      %sub3A_323 = arith.subf %min3A_320, %sub3A_322 : vector<16xf32>
      %div3A_324 = arith.constant 0.157480314 : f32
      %div3A_325 = vector.broadcast %div3A_324 : f32 to vector<16xf32>
      %div3A_326 = arith.divf %sub3A_323, %div3A_325 : vector<16xf32>
      %convert_element_type3A_327 = arith.fptosi %div3A_326 : vector<16xf32> to vector<16xi32>
      %convert_element_type3A_328 = arith.sitofp %convert_element_type3A_327 : vector<16xi32> to vector<16xf32>
      %sub3A_329 = arith.subf %div3A_326, %convert_element_type3A_328 : vector<16xf32>
      %sub3A_330 = arith.constant 1.000000e+00 : f32
      %sub3A_331 = vector.broadcast %sub3A_330 : f32 to vector<16xf32>
      %sub3A_332 = arith.subf %sub3A_331, %sub3A_329 : vector<16xf32>
      %add3A_333 = arith.constant 1 : i32
      %add3A_334 = vector.broadcast %add3A_333 : i32 to vector<16xi32>
      %add3A_335 = arith.addi %convert_element_type3A_327, %add3A_334 : vector<16xi32>
      %min3A_336 = arith.constant 254 : i32
      %min3A_337 = vector.broadcast %min3A_336 : i32 to vector<16xi32>
      %min3A_338 = arith.minsi %add3A_335, %min3A_337 : vector<16xi32>
      %iota3A_339 = tpu.iota {dimensions = array<i32: 0>} : vector<16xi32>
      %add3A_340 = arith.constant 0 : i32
      %add3A_341 = vector.broadcast %add3A_340 : i32 to vector<16xi32>
      %add3A_342 = arith.addi %iota3A_339, %add3A_341 : vector<16xi32>
      tpu.vector_store_idx %arg9[%add3A_342, %convert_element_type3A_327], %sub3A_332 : memref<16x255xf32, #tpu.memory_space<vmem>>[vector<16xi32>, vector<16xi32>], vector<16xf32>,
      tpu.vector_store_idx %arg9[%add3A_342, %min3A_338], %sub3A_329 {add = true} : memref<16x255xf32, #tpu.memory_space<vmem>>[vector<16xi32>, vector<16xi32>], vector<16xf32>,
      %mul3A_343 = arith.constant 16 : i32
      %mul3A_344 = arith.muli %add3A_303, %mul3A_343 : i32
      %add3A_345 = arith.addi %mul3A_2, %mul3A_344 : i32
      %dma_start3A_346 = arith.constant 0 : i32
      %dma_start3A_347 = tpu.memref_slice %arg3[%add3A_345, %dma_start3A_346] : memref<262144x255xf32, #tpu.memory_space<hbm>> -> memref<16x255xf32, #tpu.memory_space<hbm>>
      %dma_start3A_348 = arith.constant 0 : i32
      %dma_start3A_349 = tpu.memref_slice %arg3[%add3A_345, %dma_start3A_348] : memref<262144x255xf32, #tpu.memory_space<hbm>> -> memref<16x255xf32, #tpu.memory_space<hbm>>
      tpu.enqueue_dma source(%arg9 : memref<16x255xf32, #tpu.memory_space<vmem>>) target(%dma_start3A_349 : memref<16x255xf32, #tpu.memory_space<hbm>>) target_semaphore(%arg25 : memref<!tpu.dma_semaphore, #tpu.memory_space<semaphore_mem>>)
      %mul3A_350 = arith.constant 16 : i32
      %mul3A_351 = arith.muli %scan3A_109, %mul3A_350 : i32
      %add3A_352 = arith.constant 5 : i32
      %add3A_353 = arith.addi %mul3A_351, %add3A_352 : i32
      %gt3A_354 = arith.constant 0 : i32
      %gt3A_355 = arith.cmpi sgt, %scan3A_109, %gt3A_354 : i32
      %convert_element_type3A_356 = arith.extui %gt3A_355 : i1 to i32
      %cond3A_357 = arith.constant 0 : i32
      %cond3A_358 = arith.cmpi ne, %convert_element_type3A_356, %cond3A_357 : i32
      scf.if %cond3A_358 {
        %sub3A_900 = arith.constant 16 : i32
        %sub3A_901 = arith.subi %add3A_353, %sub3A_900 : i32
        %mul3A_902 = arith.constant 16 : i32
        %mul3A_903 = arith.muli %sub3A_901, %mul3A_902 : i32
        %add3A_904 = arith.addi %mul3A_2, %mul3A_903 : i32
        %dma_wait3A_905 = arith.constant 0 : i32
        %dma_wait3A_906 = tpu.memref_slice %arg3[%add3A_904, %dma_wait3A_905] : memref<262144x255xf32, #tpu.memory_space<hbm>> -> memref<16x255xf32, #tpu.memory_space<hbm>>
        %dma_wait3A_907 = arith.constant 0 : i32
        %dma_wait3A_908 = tpu.memref_slice %arg3[%add3A_904, %dma_wait3A_907] : memref<262144x255xf32, #tpu.memory_space<hbm>> -> memref<16x255xf32, #tpu.memory_space<hbm>>
        tpu.wait_dma2 semaphore(%arg26 : memref<!tpu.dma_semaphore, #tpu.memory_space<semaphore_mem>>) src(%arg10 : memref<16x255xf32, #tpu.memory_space<vmem>>) dst(%dma_wait3A_908 : memref<16x255xf32, #tpu.memory_space<hbm>>)
        %sub3A_909 = arith.constant 16 : i32
        %sub3A_910 = arith.subi %add3A_353, %sub3A_909 : i32
        %broadcast_in_dim3A = arith.constant 0.000000e+00 : f32
        %broadcast_in_dim3A_911 = vector.broadcast %broadcast_in_dim3A : f32 to vector<16xf32>
        %mul3A_912 = arith.constant 16 : i32
        %mul3A_913 = arith.muli %sub3A_910, %mul3A_912 : i32
        %add3A_914 = arith.constant 0 : i32
        %add3A_915 = arith.addi %mul3A_913, %add3A_914 : i32
        %get3A_916 = arith.index_cast %add3A_915 : i32 to index
        %get3A_917 = tpu.vector_load %arg4[%get3A_916] {strides = array<i32>} : memref<8192xf32, #tpu.memory_space<vmem>>, vector<16xf32>,
        %max3A_918 = arith.constant -2.000000e+01 : f32
        %max3A_919 = vector.broadcast %max3A_918 : f32 to vector<16xf32>
        %max3A_920 = arith.maximumf %get3A_917, %max3A_919 : vector<16xf32>
        %min3A_921 = arith.constant 2.000000e+01 : f32
        %min3A_922 = vector.broadcast %min3A_921 : f32 to vector<16xf32>
        %min3A_923 = arith.minimumf %max3A_920, %min3A_922 : vector<16xf32>
        %sub3A_924 = arith.constant -2.000000e+01 : f32
        %sub3A_925 = vector.broadcast %sub3A_924 : f32 to vector<16xf32>
        %sub3A_926 = arith.subf %min3A_923, %sub3A_925 : vector<16xf32>
        %div3A_927 = arith.constant 0.157480314 : f32
        %div3A_928 = vector.broadcast %div3A_927 : f32 to vector<16xf32>
        %div3A_929 = arith.divf %sub3A_926, %div3A_928 : vector<16xf32>
        %convert_element_type3A_930 = arith.fptosi %div3A_929 : vector<16xf32> to vector<16xi32>
        %convert_element_type3A_931 = arith.sitofp %convert_element_type3A_930 : vector<16xi32> to vector<16xf32>
        %sub3A_932 = arith.subf %div3A_929, %convert_element_type3A_931 : vector<16xf32>
        %sub3A_933 = arith.constant 1.000000e+00 : f32
        %sub3A_934 = vector.broadcast %sub3A_933 : f32 to vector<16xf32>
        %sub3A_935 = arith.subf %sub3A_934, %sub3A_932 : vector<16xf32>
        %add3A_936 = arith.constant 1 : i32
        %add3A_937 = vector.broadcast %add3A_936 : i32 to vector<16xi32>
        %add3A_938 = arith.addi %convert_element_type3A_930, %add3A_937 : vector<16xi32>
        %min3A_939 = arith.constant 254 : i32
        %min3A_940 = vector.broadcast %min3A_939 : i32 to vector<16xi32>
        %min3A_941 = arith.minsi %add3A_938, %min3A_940 : vector<16xi32>
        %iota3A_942 = tpu.iota {dimensions = array<i32: 0>} : vector<16xi32>
        %add3A_943 = arith.constant 0 : i32
        %add3A_944 = vector.broadcast %add3A_943 : i32 to vector<16xi32>
        %add3A_945 = arith.addi %iota3A_942, %add3A_944 : vector<16xi32>
        tpu.vector_store_idx %arg10[%add3A_945, %convert_element_type3A_930], %broadcast_in_dim3A_911 : memref<16x255xf32, #tpu.memory_space<vmem>>[vector<16xi32>, vector<16xi32>], vector<16xf32>,
        tpu.vector_store_idx %arg10[%add3A_945, %min3A_941], %broadcast_in_dim3A_911 : memref<16x255xf32, #tpu.memory_space<vmem>>[vector<16xi32>, vector<16xi32>], vector<16xf32>,
      } else {
      }
      %mul3A_359 = arith.constant 16 : i32
      %mul3A_360 = arith.muli %add3A_353, %mul3A_359 : i32
      %add3A_361 = arith.constant 0 : i32
      %add3A_362 = arith.addi %mul3A_360, %add3A_361 : i32
      %get3A_363 = arith.index_cast %add3A_362 : i32 to index
      %get3A_364 = tpu.vector_load %arg4[%get3A_363] {strides = array<i32>} : memref<8192xf32, #tpu.memory_space<vmem>>, vector<16xf32>,
      %max3A_365 = arith.constant -2.000000e+01 : f32
      %max3A_366 = vector.broadcast %max3A_365 : f32 to vector<16xf32>
      %max3A_367 = arith.maximumf %get3A_364, %max3A_366 : vector<16xf32>
      %min3A_368 = arith.constant 2.000000e+01 : f32
      %min3A_369 = vector.broadcast %min3A_368 : f32 to vector<16xf32>
      %min3A_370 = arith.minimumf %max3A_367, %min3A_369 : vector<16xf32>
      %sub3A_371 = arith.constant -2.000000e+01 : f32
      %sub3A_372 = vector.broadcast %sub3A_371 : f32 to vector<16xf32>
      %sub3A_373 = arith.subf %min3A_370, %sub3A_372 : vector<16xf32>
      %div3A_374 = arith.constant 0.157480314 : f32
      %div3A_375 = vector.broadcast %div3A_374 : f32 to vector<16xf32>
      %div3A_376 = arith.divf %sub3A_373, %div3A_375 : vector<16xf32>
      %convert_element_type3A_377 = arith.fptosi %div3A_376 : vector<16xf32> to vector<16xi32>
      %convert_element_type3A_378 = arith.sitofp %convert_element_type3A_377 : vector<16xi32> to vector<16xf32>
      %sub3A_379 = arith.subf %div3A_376, %convert_element_type3A_378 : vector<16xf32>
      %sub3A_380 = arith.constant 1.000000e+00 : f32
      %sub3A_381 = vector.broadcast %sub3A_380 : f32 to vector<16xf32>
      %sub3A_382 = arith.subf %sub3A_381, %sub3A_379 : vector<16xf32>
      %add3A_383 = arith.constant 1 : i32
      %add3A_384 = vector.broadcast %add3A_383 : i32 to vector<16xi32>
      %add3A_385 = arith.addi %convert_element_type3A_377, %add3A_384 : vector<16xi32>
      %min3A_386 = arith.constant 254 : i32
      %min3A_387 = vector.broadcast %min3A_386 : i32 to vector<16xi32>
      %min3A_388 = arith.minsi %add3A_385, %min3A_387 : vector<16xi32>
      %iota3A_389 = tpu.iota {dimensions = array<i32: 0>} : vector<16xi32>
      %add3A_390 = arith.constant 0 : i32
      %add3A_391 = vector.broadcast %add3A_390 : i32 to vector<16xi32>
      %add3A_392 = arith.addi %iota3A_389, %add3A_391 : vector<16xi32>
      tpu.vector_store_idx %arg10[%add3A_392, %convert_element_type3A_377], %sub3A_382 : memref<16x255xf32, #tpu.memory_space<vmem>>[vector<16xi32>, vector<16xi32>], vector<16xf32>,
      tpu.vector_store_idx %arg10[%add3A_392, %min3A_388], %sub3A_379 {add = true} : memref<16x255xf32, #tpu.memory_space<vmem>>[vector<16xi32>, vector<16xi32>], vector<16xf32>,
      %mul3A_393 = arith.constant 16 : i32
      %mul3A_394 = arith.muli %add3A_353, %mul3A_393 : i32
      %add3A_395 = arith.addi %mul3A_2, %mul3A_394 : i32
      %dma_start3A_396 = arith.constant 0 : i32
      %dma_start3A_397 = tpu.memref_slice %arg3[%add3A_395, %dma_start3A_396] : memref<262144x255xf32, #tpu.memory_space<hbm>> -> memref<16x255xf32, #tpu.memory_space<hbm>>
      %dma_start3A_398 = arith.constant 0 : i32
      %dma_start3A_399 = tpu.memref_slice %arg3[%add3A_395, %dma_start3A_398] : memref<262144x255xf32, #tpu.memory_space<hbm>> -> memref<16x255xf32, #tpu.memory_space<hbm>>
      tpu.enqueue_dma source(%arg10 : memref<16x255xf32, #tpu.memory_space<vmem>>) target(%dma_start3A_399 : memref<16x255xf32, #tpu.memory_space<hbm>>) target_semaphore(%arg26 : memref<!tpu.dma_semaphore, #tpu.memory_space<semaphore_mem>>)
      %mul3A_400 = arith.constant 16 : i32
      %mul3A_401 = arith.muli %scan3A_109, %mul3A_400 : i32
      %add3A_402 = arith.constant 6 : i32
      %add3A_403 = arith.addi %mul3A_401, %add3A_402 : i32
      %gt3A_404 = arith.constant 0 : i32
      %gt3A_405 = arith.cmpi sgt, %scan3A_109, %gt3A_404 : i32
      %convert_element_type3A_406 = arith.extui %gt3A_405 : i1 to i32
      %cond3A_407 = arith.constant 0 : i32
      %cond3A_408 = arith.cmpi ne, %convert_element_type3A_406, %cond3A_407 : i32
      scf.if %cond3A_408 {
        %sub3A_900 = arith.constant 16 : i32
        %sub3A_901 = arith.subi %add3A_403, %sub3A_900 : i32
        %mul3A_902 = arith.constant 16 : i32
        %mul3A_903 = arith.muli %sub3A_901, %mul3A_902 : i32
        %add3A_904 = arith.addi %mul3A_2, %mul3A_903 : i32
        %dma_wait3A_905 = arith.constant 0 : i32
        %dma_wait3A_906 = tpu.memref_slice %arg3[%add3A_904, %dma_wait3A_905] : memref<262144x255xf32, #tpu.memory_space<hbm>> -> memref<16x255xf32, #tpu.memory_space<hbm>>
        %dma_wait3A_907 = arith.constant 0 : i32
        %dma_wait3A_908 = tpu.memref_slice %arg3[%add3A_904, %dma_wait3A_907] : memref<262144x255xf32, #tpu.memory_space<hbm>> -> memref<16x255xf32, #tpu.memory_space<hbm>>
        tpu.wait_dma2 semaphore(%arg27 : memref<!tpu.dma_semaphore, #tpu.memory_space<semaphore_mem>>) src(%arg11 : memref<16x255xf32, #tpu.memory_space<vmem>>) dst(%dma_wait3A_908 : memref<16x255xf32, #tpu.memory_space<hbm>>)
        %sub3A_909 = arith.constant 16 : i32
        %sub3A_910 = arith.subi %add3A_403, %sub3A_909 : i32
        %broadcast_in_dim3A = arith.constant 0.000000e+00 : f32
        %broadcast_in_dim3A_911 = vector.broadcast %broadcast_in_dim3A : f32 to vector<16xf32>
        %mul3A_912 = arith.constant 16 : i32
        %mul3A_913 = arith.muli %sub3A_910, %mul3A_912 : i32
        %add3A_914 = arith.constant 0 : i32
        %add3A_915 = arith.addi %mul3A_913, %add3A_914 : i32
        %get3A_916 = arith.index_cast %add3A_915 : i32 to index
        %get3A_917 = tpu.vector_load %arg4[%get3A_916] {strides = array<i32>} : memref<8192xf32, #tpu.memory_space<vmem>>, vector<16xf32>,
        %max3A_918 = arith.constant -2.000000e+01 : f32
        %max3A_919 = vector.broadcast %max3A_918 : f32 to vector<16xf32>
        %max3A_920 = arith.maximumf %get3A_917, %max3A_919 : vector<16xf32>
        %min3A_921 = arith.constant 2.000000e+01 : f32
        %min3A_922 = vector.broadcast %min3A_921 : f32 to vector<16xf32>
        %min3A_923 = arith.minimumf %max3A_920, %min3A_922 : vector<16xf32>
        %sub3A_924 = arith.constant -2.000000e+01 : f32
        %sub3A_925 = vector.broadcast %sub3A_924 : f32 to vector<16xf32>
        %sub3A_926 = arith.subf %min3A_923, %sub3A_925 : vector<16xf32>
        %div3A_927 = arith.constant 0.157480314 : f32
        %div3A_928 = vector.broadcast %div3A_927 : f32 to vector<16xf32>
        %div3A_929 = arith.divf %sub3A_926, %div3A_928 : vector<16xf32>
        %convert_element_type3A_930 = arith.fptosi %div3A_929 : vector<16xf32> to vector<16xi32>
        %convert_element_type3A_931 = arith.sitofp %convert_element_type3A_930 : vector<16xi32> to vector<16xf32>
        %sub3A_932 = arith.subf %div3A_929, %convert_element_type3A_931 : vector<16xf32>
        %sub3A_933 = arith.constant 1.000000e+00 : f32
        %sub3A_934 = vector.broadcast %sub3A_933 : f32 to vector<16xf32>
        %sub3A_935 = arith.subf %sub3A_934, %sub3A_932 : vector<16xf32>
        %add3A_936 = arith.constant 1 : i32
        %add3A_937 = vector.broadcast %add3A_936 : i32 to vector<16xi32>
        %add3A_938 = arith.addi %convert_element_type3A_930, %add3A_937 : vector<16xi32>
        %min3A_939 = arith.constant 254 : i32
        %min3A_940 = vector.broadcast %min3A_939 : i32 to vector<16xi32>
        %min3A_941 = arith.minsi %add3A_938, %min3A_940 : vector<16xi32>
        %iota3A_942 = tpu.iota {dimensions = array<i32: 0>} : vector<16xi32>
        %add3A_943 = arith.constant 0 : i32
        %add3A_944 = vector.broadcast %add3A_943 : i32 to vector<16xi32>
        %add3A_945 = arith.addi %iota3A_942, %add3A_944 : vector<16xi32>
        tpu.vector_store_idx %arg11[%add3A_945, %convert_element_type3A_930], %broadcast_in_dim3A_911 : memref<16x255xf32, #tpu.memory_space<vmem>>[vector<16xi32>, vector<16xi32>], vector<16xf32>,
        tpu.vector_store_idx %arg11[%add3A_945, %min3A_941], %broadcast_in_dim3A_911 : memref<16x255xf32, #tpu.memory_space<vmem>>[vector<16xi32>, vector<16xi32>], vector<16xf32>,
      } else {
      }
      %mul3A_409 = arith.constant 16 : i32
      %mul3A_410 = arith.muli %add3A_403, %mul3A_409 : i32
      %add3A_411 = arith.constant 0 : i32
      %add3A_412 = arith.addi %mul3A_410, %add3A_411 : i32
      %get3A_413 = arith.index_cast %add3A_412 : i32 to index
      %get3A_414 = tpu.vector_load %arg4[%get3A_413] {strides = array<i32>} : memref<8192xf32, #tpu.memory_space<vmem>>, vector<16xf32>,
      %max3A_415 = arith.constant -2.000000e+01 : f32
      %max3A_416 = vector.broadcast %max3A_415 : f32 to vector<16xf32>
      %max3A_417 = arith.maximumf %get3A_414, %max3A_416 : vector<16xf32>
      %min3A_418 = arith.constant 2.000000e+01 : f32
      %min3A_419 = vector.broadcast %min3A_418 : f32 to vector<16xf32>
      %min3A_420 = arith.minimumf %max3A_417, %min3A_419 : vector<16xf32>
      %sub3A_421 = arith.constant -2.000000e+01 : f32
      %sub3A_422 = vector.broadcast %sub3A_421 : f32 to vector<16xf32>
      %sub3A_423 = arith.subf %min3A_420, %sub3A_422 : vector<16xf32>
      %div3A_424 = arith.constant 0.157480314 : f32
      %div3A_425 = vector.broadcast %div3A_424 : f32 to vector<16xf32>
      %div3A_426 = arith.divf %sub3A_423, %div3A_425 : vector<16xf32>
      %convert_element_type3A_427 = arith.fptosi %div3A_426 : vector<16xf32> to vector<16xi32>
      %convert_element_type3A_428 = arith.sitofp %convert_element_type3A_427 : vector<16xi32> to vector<16xf32>
      %sub3A_429 = arith.subf %div3A_426, %convert_element_type3A_428 : vector<16xf32>
      %sub3A_430 = arith.constant 1.000000e+00 : f32
      %sub3A_431 = vector.broadcast %sub3A_430 : f32 to vector<16xf32>
      %sub3A_432 = arith.subf %sub3A_431, %sub3A_429 : vector<16xf32>
      %add3A_433 = arith.constant 1 : i32
      %add3A_434 = vector.broadcast %add3A_433 : i32 to vector<16xi32>
      %add3A_435 = arith.addi %convert_element_type3A_427, %add3A_434 : vector<16xi32>
      %min3A_436 = arith.constant 254 : i32
      %min3A_437 = vector.broadcast %min3A_436 : i32 to vector<16xi32>
      %min3A_438 = arith.minsi %add3A_435, %min3A_437 : vector<16xi32>
      %iota3A_439 = tpu.iota {dimensions = array<i32: 0>} : vector<16xi32>
      %add3A_440 = arith.constant 0 : i32
      %add3A_441 = vector.broadcast %add3A_440 : i32 to vector<16xi32>
      %add3A_442 = arith.addi %iota3A_439, %add3A_441 : vector<16xi32>
      tpu.vector_store_idx %arg11[%add3A_442, %convert_element_type3A_427], %sub3A_432 : memref<16x255xf32, #tpu.memory_space<vmem>>[vector<16xi32>, vector<16xi32>], vector<16xf32>,
      tpu.vector_store_idx %arg11[%add3A_442, %min3A_438], %sub3A_429 {add = true} : memref<16x255xf32, #tpu.memory_space<vmem>>[vector<16xi32>, vector<16xi32>], vector<16xf32>,
      %mul3A_443 = arith.constant 16 : i32
      %mul3A_444 = arith.muli %add3A_403, %mul3A_443 : i32
      %add3A_445 = arith.addi %mul3A_2, %mul3A_444 : i32
      %dma_start3A_446 = arith.constant 0 : i32
      %dma_start3A_447 = tpu.memref_slice %arg3[%add3A_445, %dma_start3A_446] : memref<262144x255xf32, #tpu.memory_space<hbm>> -> memref<16x255xf32, #tpu.memory_space<hbm>>
      %dma_start3A_448 = arith.constant 0 : i32
      %dma_start3A_449 = tpu.memref_slice %arg3[%add3A_445, %dma_start3A_448] : memref<262144x255xf32, #tpu.memory_space<hbm>> -> memref<16x255xf32, #tpu.memory_space<hbm>>
      tpu.enqueue_dma source(%arg11 : memref<16x255xf32, #tpu.memory_space<vmem>>) target(%dma_start3A_449 : memref<16x255xf32, #tpu.memory_space<hbm>>) target_semaphore(%arg27 : memref<!tpu.dma_semaphore, #tpu.memory_space<semaphore_mem>>)
      %mul3A_450 = arith.constant 16 : i32
      %mul3A_451 = arith.muli %scan3A_109, %mul3A_450 : i32
      %add3A_452 = arith.constant 7 : i32
      %add3A_453 = arith.addi %mul3A_451, %add3A_452 : i32
      %gt3A_454 = arith.constant 0 : i32
      %gt3A_455 = arith.cmpi sgt, %scan3A_109, %gt3A_454 : i32
      %convert_element_type3A_456 = arith.extui %gt3A_455 : i1 to i32
      %cond3A_457 = arith.constant 0 : i32
      %cond3A_458 = arith.cmpi ne, %convert_element_type3A_456, %cond3A_457 : i32
      scf.if %cond3A_458 {
        %sub3A_900 = arith.constant 16 : i32
        %sub3A_901 = arith.subi %add3A_453, %sub3A_900 : i32
        %mul3A_902 = arith.constant 16 : i32
        %mul3A_903 = arith.muli %sub3A_901, %mul3A_902 : i32
        %add3A_904 = arith.addi %mul3A_2, %mul3A_903 : i32
        %dma_wait3A_905 = arith.constant 0 : i32
        %dma_wait3A_906 = tpu.memref_slice %arg3[%add3A_904, %dma_wait3A_905] : memref<262144x255xf32, #tpu.memory_space<hbm>> -> memref<16x255xf32, #tpu.memory_space<hbm>>
        %dma_wait3A_907 = arith.constant 0 : i32
        %dma_wait3A_908 = tpu.memref_slice %arg3[%add3A_904, %dma_wait3A_907] : memref<262144x255xf32, #tpu.memory_space<hbm>> -> memref<16x255xf32, #tpu.memory_space<hbm>>
        tpu.wait_dma2 semaphore(%arg28 : memref<!tpu.dma_semaphore, #tpu.memory_space<semaphore_mem>>) src(%arg12 : memref<16x255xf32, #tpu.memory_space<vmem>>) dst(%dma_wait3A_908 : memref<16x255xf32, #tpu.memory_space<hbm>>)
        %sub3A_909 = arith.constant 16 : i32
        %sub3A_910 = arith.subi %add3A_453, %sub3A_909 : i32
        %broadcast_in_dim3A = arith.constant 0.000000e+00 : f32
        %broadcast_in_dim3A_911 = vector.broadcast %broadcast_in_dim3A : f32 to vector<16xf32>
        %mul3A_912 = arith.constant 16 : i32
        %mul3A_913 = arith.muli %sub3A_910, %mul3A_912 : i32
        %add3A_914 = arith.constant 0 : i32
        %add3A_915 = arith.addi %mul3A_913, %add3A_914 : i32
        %get3A_916 = arith.index_cast %add3A_915 : i32 to index
        %get3A_917 = tpu.vector_load %arg4[%get3A_916] {strides = array<i32>} : memref<8192xf32, #tpu.memory_space<vmem>>, vector<16xf32>,
        %max3A_918 = arith.constant -2.000000e+01 : f32
        %max3A_919 = vector.broadcast %max3A_918 : f32 to vector<16xf32>
        %max3A_920 = arith.maximumf %get3A_917, %max3A_919 : vector<16xf32>
        %min3A_921 = arith.constant 2.000000e+01 : f32
        %min3A_922 = vector.broadcast %min3A_921 : f32 to vector<16xf32>
        %min3A_923 = arith.minimumf %max3A_920, %min3A_922 : vector<16xf32>
        %sub3A_924 = arith.constant -2.000000e+01 : f32
        %sub3A_925 = vector.broadcast %sub3A_924 : f32 to vector<16xf32>
        %sub3A_926 = arith.subf %min3A_923, %sub3A_925 : vector<16xf32>
        %div3A_927 = arith.constant 0.157480314 : f32
        %div3A_928 = vector.broadcast %div3A_927 : f32 to vector<16xf32>
        %div3A_929 = arith.divf %sub3A_926, %div3A_928 : vector<16xf32>
        %convert_element_type3A_930 = arith.fptosi %div3A_929 : vector<16xf32> to vector<16xi32>
        %convert_element_type3A_931 = arith.sitofp %convert_element_type3A_930 : vector<16xi32> to vector<16xf32>
        %sub3A_932 = arith.subf %div3A_929, %convert_element_type3A_931 : vector<16xf32>
        %sub3A_933 = arith.constant 1.000000e+00 : f32
        %sub3A_934 = vector.broadcast %sub3A_933 : f32 to vector<16xf32>
        %sub3A_935 = arith.subf %sub3A_934, %sub3A_932 : vector<16xf32>
        %add3A_936 = arith.constant 1 : i32
        %add3A_937 = vector.broadcast %add3A_936 : i32 to vector<16xi32>
        %add3A_938 = arith.addi %convert_element_type3A_930, %add3A_937 : vector<16xi32>
        %min3A_939 = arith.constant 254 : i32
        %min3A_940 = vector.broadcast %min3A_939 : i32 to vector<16xi32>
        %min3A_941 = arith.minsi %add3A_938, %min3A_940 : vector<16xi32>
        %iota3A_942 = tpu.iota {dimensions = array<i32: 0>} : vector<16xi32>
        %add3A_943 = arith.constant 0 : i32
        %add3A_944 = vector.broadcast %add3A_943 : i32 to vector<16xi32>
        %add3A_945 = arith.addi %iota3A_942, %add3A_944 : vector<16xi32>
        tpu.vector_store_idx %arg12[%add3A_945, %convert_element_type3A_930], %broadcast_in_dim3A_911 : memref<16x255xf32, #tpu.memory_space<vmem>>[vector<16xi32>, vector<16xi32>], vector<16xf32>,
        tpu.vector_store_idx %arg12[%add3A_945, %min3A_941], %broadcast_in_dim3A_911 : memref<16x255xf32, #tpu.memory_space<vmem>>[vector<16xi32>, vector<16xi32>], vector<16xf32>,
      } else {
      }
      %mul3A_459 = arith.constant 16 : i32
      %mul3A_460 = arith.muli %add3A_453, %mul3A_459 : i32
      %add3A_461 = arith.constant 0 : i32
      %add3A_462 = arith.addi %mul3A_460, %add3A_461 : i32
      %get3A_463 = arith.index_cast %add3A_462 : i32 to index
      %get3A_464 = tpu.vector_load %arg4[%get3A_463] {strides = array<i32>} : memref<8192xf32, #tpu.memory_space<vmem>>, vector<16xf32>,
      %max3A_465 = arith.constant -2.000000e+01 : f32
      %max3A_466 = vector.broadcast %max3A_465 : f32 to vector<16xf32>
      %max3A_467 = arith.maximumf %get3A_464, %max3A_466 : vector<16xf32>
      %min3A_468 = arith.constant 2.000000e+01 : f32
      %min3A_469 = vector.broadcast %min3A_468 : f32 to vector<16xf32>
      %min3A_470 = arith.minimumf %max3A_467, %min3A_469 : vector<16xf32>
      %sub3A_471 = arith.constant -2.000000e+01 : f32
      %sub3A_472 = vector.broadcast %sub3A_471 : f32 to vector<16xf32>
      %sub3A_473 = arith.subf %min3A_470, %sub3A_472 : vector<16xf32>
      %div3A_474 = arith.constant 0.157480314 : f32
      %div3A_475 = vector.broadcast %div3A_474 : f32 to vector<16xf32>
      %div3A_476 = arith.divf %sub3A_473, %div3A_475 : vector<16xf32>
      %convert_element_type3A_477 = arith.fptosi %div3A_476 : vector<16xf32> to vector<16xi32>
      %convert_element_type3A_478 = arith.sitofp %convert_element_type3A_477 : vector<16xi32> to vector<16xf32>
      %sub3A_479 = arith.subf %div3A_476, %convert_element_type3A_478 : vector<16xf32>
      %sub3A_480 = arith.constant 1.000000e+00 : f32
      %sub3A_481 = vector.broadcast %sub3A_480 : f32 to vector<16xf32>
      %sub3A_482 = arith.subf %sub3A_481, %sub3A_479 : vector<16xf32>
      %add3A_483 = arith.constant 1 : i32
      %add3A_484 = vector.broadcast %add3A_483 : i32 to vector<16xi32>
      %add3A_485 = arith.addi %convert_element_type3A_477, %add3A_484 : vector<16xi32>
      %min3A_486 = arith.constant 254 : i32
      %min3A_487 = vector.broadcast %min3A_486 : i32 to vector<16xi32>
      %min3A_488 = arith.minsi %add3A_485, %min3A_487 : vector<16xi32>
      %iota3A_489 = tpu.iota {dimensions = array<i32: 0>} : vector<16xi32>
      %add3A_490 = arith.constant 0 : i32
      %add3A_491 = vector.broadcast %add3A_490 : i32 to vector<16xi32>
      %add3A_492 = arith.addi %iota3A_489, %add3A_491 : vector<16xi32>
      tpu.vector_store_idx %arg12[%add3A_492, %convert_element_type3A_477], %sub3A_482 : memref<16x255xf32, #tpu.memory_space<vmem>>[vector<16xi32>, vector<16xi32>], vector<16xf32>,
      tpu.vector_store_idx %arg12[%add3A_492, %min3A_488], %sub3A_479 {add = true} : memref<16x255xf32, #tpu.memory_space<vmem>>[vector<16xi32>, vector<16xi32>], vector<16xf32>,
      %mul3A_493 = arith.constant 16 : i32
      %mul3A_494 = arith.muli %add3A_453, %mul3A_493 : i32
      %add3A_495 = arith.addi %mul3A_2, %mul3A_494 : i32
      %dma_start3A_496 = arith.constant 0 : i32
      %dma_start3A_497 = tpu.memref_slice %arg3[%add3A_495, %dma_start3A_496] : memref<262144x255xf32, #tpu.memory_space<hbm>> -> memref<16x255xf32, #tpu.memory_space<hbm>>
      %dma_start3A_498 = arith.constant 0 : i32
      %dma_start3A_499 = tpu.memref_slice %arg3[%add3A_495, %dma_start3A_498] : memref<262144x255xf32, #tpu.memory_space<hbm>> -> memref<16x255xf32, #tpu.memory_space<hbm>>
      tpu.enqueue_dma source(%arg12 : memref<16x255xf32, #tpu.memory_space<vmem>>) target(%dma_start3A_499 : memref<16x255xf32, #tpu.memory_space<hbm>>) target_semaphore(%arg28 : memref<!tpu.dma_semaphore, #tpu.memory_space<semaphore_mem>>)
      %mul3A_500 = arith.constant 16 : i32
      %mul3A_501 = arith.muli %scan3A_109, %mul3A_500 : i32
      %add3A_502 = arith.constant 8 : i32
      %add3A_503 = arith.addi %mul3A_501, %add3A_502 : i32
      %gt3A_504 = arith.constant 0 : i32
      %gt3A_505 = arith.cmpi sgt, %scan3A_109, %gt3A_504 : i32
      %convert_element_type3A_506 = arith.extui %gt3A_505 : i1 to i32
      %cond3A_507 = arith.constant 0 : i32
      %cond3A_508 = arith.cmpi ne, %convert_element_type3A_506, %cond3A_507 : i32
      scf.if %cond3A_508 {
        %sub3A_900 = arith.constant 16 : i32
        %sub3A_901 = arith.subi %add3A_503, %sub3A_900 : i32
        %mul3A_902 = arith.constant 16 : i32
        %mul3A_903 = arith.muli %sub3A_901, %mul3A_902 : i32
        %add3A_904 = arith.addi %mul3A_2, %mul3A_903 : i32
        %dma_wait3A_905 = arith.constant 0 : i32
        %dma_wait3A_906 = tpu.memref_slice %arg3[%add3A_904, %dma_wait3A_905] : memref<262144x255xf32, #tpu.memory_space<hbm>> -> memref<16x255xf32, #tpu.memory_space<hbm>>
        %dma_wait3A_907 = arith.constant 0 : i32
        %dma_wait3A_908 = tpu.memref_slice %arg3[%add3A_904, %dma_wait3A_907] : memref<262144x255xf32, #tpu.memory_space<hbm>> -> memref<16x255xf32, #tpu.memory_space<hbm>>
        tpu.wait_dma2 semaphore(%arg29 : memref<!tpu.dma_semaphore, #tpu.memory_space<semaphore_mem>>) src(%arg13 : memref<16x255xf32, #tpu.memory_space<vmem>>) dst(%dma_wait3A_908 : memref<16x255xf32, #tpu.memory_space<hbm>>)
        %sub3A_909 = arith.constant 16 : i32
        %sub3A_910 = arith.subi %add3A_503, %sub3A_909 : i32
        %broadcast_in_dim3A = arith.constant 0.000000e+00 : f32
        %broadcast_in_dim3A_911 = vector.broadcast %broadcast_in_dim3A : f32 to vector<16xf32>
        %mul3A_912 = arith.constant 16 : i32
        %mul3A_913 = arith.muli %sub3A_910, %mul3A_912 : i32
        %add3A_914 = arith.constant 0 : i32
        %add3A_915 = arith.addi %mul3A_913, %add3A_914 : i32
        %get3A_916 = arith.index_cast %add3A_915 : i32 to index
        %get3A_917 = tpu.vector_load %arg4[%get3A_916] {strides = array<i32>} : memref<8192xf32, #tpu.memory_space<vmem>>, vector<16xf32>,
        %max3A_918 = arith.constant -2.000000e+01 : f32
        %max3A_919 = vector.broadcast %max3A_918 : f32 to vector<16xf32>
        %max3A_920 = arith.maximumf %get3A_917, %max3A_919 : vector<16xf32>
        %min3A_921 = arith.constant 2.000000e+01 : f32
        %min3A_922 = vector.broadcast %min3A_921 : f32 to vector<16xf32>
        %min3A_923 = arith.minimumf %max3A_920, %min3A_922 : vector<16xf32>
        %sub3A_924 = arith.constant -2.000000e+01 : f32
        %sub3A_925 = vector.broadcast %sub3A_924 : f32 to vector<16xf32>
        %sub3A_926 = arith.subf %min3A_923, %sub3A_925 : vector<16xf32>
        %div3A_927 = arith.constant 0.157480314 : f32
        %div3A_928 = vector.broadcast %div3A_927 : f32 to vector<16xf32>
        %div3A_929 = arith.divf %sub3A_926, %div3A_928 : vector<16xf32>
        %convert_element_type3A_930 = arith.fptosi %div3A_929 : vector<16xf32> to vector<16xi32>
        %convert_element_type3A_931 = arith.sitofp %convert_element_type3A_930 : vector<16xi32> to vector<16xf32>
        %sub3A_932 = arith.subf %div3A_929, %convert_element_type3A_931 : vector<16xf32>
        %sub3A_933 = arith.constant 1.000000e+00 : f32
        %sub3A_934 = vector.broadcast %sub3A_933 : f32 to vector<16xf32>
        %sub3A_935 = arith.subf %sub3A_934, %sub3A_932 : vector<16xf32>
        %add3A_936 = arith.constant 1 : i32
        %add3A_937 = vector.broadcast %add3A_936 : i32 to vector<16xi32>
        %add3A_938 = arith.addi %convert_element_type3A_930, %add3A_937 : vector<16xi32>
        %min3A_939 = arith.constant 254 : i32
        %min3A_940 = vector.broadcast %min3A_939 : i32 to vector<16xi32>
        %min3A_941 = arith.minsi %add3A_938, %min3A_940 : vector<16xi32>
        %iota3A_942 = tpu.iota {dimensions = array<i32: 0>} : vector<16xi32>
        %add3A_943 = arith.constant 0 : i32
        %add3A_944 = vector.broadcast %add3A_943 : i32 to vector<16xi32>
        %add3A_945 = arith.addi %iota3A_942, %add3A_944 : vector<16xi32>
        tpu.vector_store_idx %arg13[%add3A_945, %convert_element_type3A_930], %broadcast_in_dim3A_911 : memref<16x255xf32, #tpu.memory_space<vmem>>[vector<16xi32>, vector<16xi32>], vector<16xf32>,
        tpu.vector_store_idx %arg13[%add3A_945, %min3A_941], %broadcast_in_dim3A_911 : memref<16x255xf32, #tpu.memory_space<vmem>>[vector<16xi32>, vector<16xi32>], vector<16xf32>,
      } else {
      }
      %mul3A_509 = arith.constant 16 : i32
      %mul3A_510 = arith.muli %add3A_503, %mul3A_509 : i32
      %add3A_511 = arith.constant 0 : i32
      %add3A_512 = arith.addi %mul3A_510, %add3A_511 : i32
      %get3A_513 = arith.index_cast %add3A_512 : i32 to index
      %get3A_514 = tpu.vector_load %arg4[%get3A_513] {strides = array<i32>} : memref<8192xf32, #tpu.memory_space<vmem>>, vector<16xf32>,
      %max3A_515 = arith.constant -2.000000e+01 : f32
      %max3A_516 = vector.broadcast %max3A_515 : f32 to vector<16xf32>
      %max3A_517 = arith.maximumf %get3A_514, %max3A_516 : vector<16xf32>
      %min3A_518 = arith.constant 2.000000e+01 : f32
      %min3A_519 = vector.broadcast %min3A_518 : f32 to vector<16xf32>
      %min3A_520 = arith.minimumf %max3A_517, %min3A_519 : vector<16xf32>
      %sub3A_521 = arith.constant -2.000000e+01 : f32
      %sub3A_522 = vector.broadcast %sub3A_521 : f32 to vector<16xf32>
      %sub3A_523 = arith.subf %min3A_520, %sub3A_522 : vector<16xf32>
      %div3A_524 = arith.constant 0.157480314 : f32
      %div3A_525 = vector.broadcast %div3A_524 : f32 to vector<16xf32>
      %div3A_526 = arith.divf %sub3A_523, %div3A_525 : vector<16xf32>
      %convert_element_type3A_527 = arith.fptosi %div3A_526 : vector<16xf32> to vector<16xi32>
      %convert_element_type3A_528 = arith.sitofp %convert_element_type3A_527 : vector<16xi32> to vector<16xf32>
      %sub3A_529 = arith.subf %div3A_526, %convert_element_type3A_528 : vector<16xf32>
      %sub3A_530 = arith.constant 1.000000e+00 : f32
      %sub3A_531 = vector.broadcast %sub3A_530 : f32 to vector<16xf32>
      %sub3A_532 = arith.subf %sub3A_531, %sub3A_529 : vector<16xf32>
      %add3A_533 = arith.constant 1 : i32
      %add3A_534 = vector.broadcast %add3A_533 : i32 to vector<16xi32>
      %add3A_535 = arith.addi %convert_element_type3A_527, %add3A_534 : vector<16xi32>
      %min3A_536 = arith.constant 254 : i32
      %min3A_537 = vector.broadcast %min3A_536 : i32 to vector<16xi32>
      %min3A_538 = arith.minsi %add3A_535, %min3A_537 : vector<16xi32>
      %iota3A_539 = tpu.iota {dimensions = array<i32: 0>} : vector<16xi32>
      %add3A_540 = arith.constant 0 : i32
      %add3A_541 = vector.broadcast %add3A_540 : i32 to vector<16xi32>
      %add3A_542 = arith.addi %iota3A_539, %add3A_541 : vector<16xi32>
      tpu.vector_store_idx %arg13[%add3A_542, %convert_element_type3A_527], %sub3A_532 : memref<16x255xf32, #tpu.memory_space<vmem>>[vector<16xi32>, vector<16xi32>], vector<16xf32>,
      tpu.vector_store_idx %arg13[%add3A_542, %min3A_538], %sub3A_529 {add = true} : memref<16x255xf32, #tpu.memory_space<vmem>>[vector<16xi32>, vector<16xi32>], vector<16xf32>,
      %mul3A_543 = arith.constant 16 : i32
      %mul3A_544 = arith.muli %add3A_503, %mul3A_543 : i32
      %add3A_545 = arith.addi %mul3A_2, %mul3A_544 : i32
      %dma_start3A_546 = arith.constant 0 : i32
      %dma_start3A_547 = tpu.memref_slice %arg3[%add3A_545, %dma_start3A_546] : memref<262144x255xf32, #tpu.memory_space<hbm>> -> memref<16x255xf32, #tpu.memory_space<hbm>>
      %dma_start3A_548 = arith.constant 0 : i32
      %dma_start3A_549 = tpu.memref_slice %arg3[%add3A_545, %dma_start3A_548] : memref<262144x255xf32, #tpu.memory_space<hbm>> -> memref<16x255xf32, #tpu.memory_space<hbm>>
      tpu.enqueue_dma source(%arg13 : memref<16x255xf32, #tpu.memory_space<vmem>>) target(%dma_start3A_549 : memref<16x255xf32, #tpu.memory_space<hbm>>) target_semaphore(%arg29 : memref<!tpu.dma_semaphore, #tpu.memory_space<semaphore_mem>>)
      %mul3A_550 = arith.constant 16 : i32
      %mul3A_551 = arith.muli %scan3A_109, %mul3A_550 : i32
      %add3A_552 = arith.constant 9 : i32
      %add3A_553 = arith.addi %mul3A_551, %add3A_552 : i32
      %gt3A_554 = arith.constant 0 : i32
      %gt3A_555 = arith.cmpi sgt, %scan3A_109, %gt3A_554 : i32
      %convert_element_type3A_556 = arith.extui %gt3A_555 : i1 to i32
      %cond3A_557 = arith.constant 0 : i32
      %cond3A_558 = arith.cmpi ne, %convert_element_type3A_556, %cond3A_557 : i32
      scf.if %cond3A_558 {
        %sub3A_900 = arith.constant 16 : i32
        %sub3A_901 = arith.subi %add3A_553, %sub3A_900 : i32
        %mul3A_902 = arith.constant 16 : i32
        %mul3A_903 = arith.muli %sub3A_901, %mul3A_902 : i32
        %add3A_904 = arith.addi %mul3A_2, %mul3A_903 : i32
        %dma_wait3A_905 = arith.constant 0 : i32
        %dma_wait3A_906 = tpu.memref_slice %arg3[%add3A_904, %dma_wait3A_905] : memref<262144x255xf32, #tpu.memory_space<hbm>> -> memref<16x255xf32, #tpu.memory_space<hbm>>
        %dma_wait3A_907 = arith.constant 0 : i32
        %dma_wait3A_908 = tpu.memref_slice %arg3[%add3A_904, %dma_wait3A_907] : memref<262144x255xf32, #tpu.memory_space<hbm>> -> memref<16x255xf32, #tpu.memory_space<hbm>>
        tpu.wait_dma2 semaphore(%arg30 : memref<!tpu.dma_semaphore, #tpu.memory_space<semaphore_mem>>) src(%arg14 : memref<16x255xf32, #tpu.memory_space<vmem>>) dst(%dma_wait3A_908 : memref<16x255xf32, #tpu.memory_space<hbm>>)
        %sub3A_909 = arith.constant 16 : i32
        %sub3A_910 = arith.subi %add3A_553, %sub3A_909 : i32
        %broadcast_in_dim3A = arith.constant 0.000000e+00 : f32
        %broadcast_in_dim3A_911 = vector.broadcast %broadcast_in_dim3A : f32 to vector<16xf32>
        %mul3A_912 = arith.constant 16 : i32
        %mul3A_913 = arith.muli %sub3A_910, %mul3A_912 : i32
        %add3A_914 = arith.constant 0 : i32
        %add3A_915 = arith.addi %mul3A_913, %add3A_914 : i32
        %get3A_916 = arith.index_cast %add3A_915 : i32 to index
        %get3A_917 = tpu.vector_load %arg4[%get3A_916] {strides = array<i32>} : memref<8192xf32, #tpu.memory_space<vmem>>, vector<16xf32>,
        %max3A_918 = arith.constant -2.000000e+01 : f32
        %max3A_919 = vector.broadcast %max3A_918 : f32 to vector<16xf32>
        %max3A_920 = arith.maximumf %get3A_917, %max3A_919 : vector<16xf32>
        %min3A_921 = arith.constant 2.000000e+01 : f32
        %min3A_922 = vector.broadcast %min3A_921 : f32 to vector<16xf32>
        %min3A_923 = arith.minimumf %max3A_920, %min3A_922 : vector<16xf32>
        %sub3A_924 = arith.constant -2.000000e+01 : f32
        %sub3A_925 = vector.broadcast %sub3A_924 : f32 to vector<16xf32>
        %sub3A_926 = arith.subf %min3A_923, %sub3A_925 : vector<16xf32>
        %div3A_927 = arith.constant 0.157480314 : f32
        %div3A_928 = vector.broadcast %div3A_927 : f32 to vector<16xf32>
        %div3A_929 = arith.divf %sub3A_926, %div3A_928 : vector<16xf32>
        %convert_element_type3A_930 = arith.fptosi %div3A_929 : vector<16xf32> to vector<16xi32>
        %convert_element_type3A_931 = arith.sitofp %convert_element_type3A_930 : vector<16xi32> to vector<16xf32>
        %sub3A_932 = arith.subf %div3A_929, %convert_element_type3A_931 : vector<16xf32>
        %sub3A_933 = arith.constant 1.000000e+00 : f32
        %sub3A_934 = vector.broadcast %sub3A_933 : f32 to vector<16xf32>
        %sub3A_935 = arith.subf %sub3A_934, %sub3A_932 : vector<16xf32>
        %add3A_936 = arith.constant 1 : i32
        %add3A_937 = vector.broadcast %add3A_936 : i32 to vector<16xi32>
        %add3A_938 = arith.addi %convert_element_type3A_930, %add3A_937 : vector<16xi32>
        %min3A_939 = arith.constant 254 : i32
        %min3A_940 = vector.broadcast %min3A_939 : i32 to vector<16xi32>
        %min3A_941 = arith.minsi %add3A_938, %min3A_940 : vector<16xi32>
        %iota3A_942 = tpu.iota {dimensions = array<i32: 0>} : vector<16xi32>
        %add3A_943 = arith.constant 0 : i32
        %add3A_944 = vector.broadcast %add3A_943 : i32 to vector<16xi32>
        %add3A_945 = arith.addi %iota3A_942, %add3A_944 : vector<16xi32>
        tpu.vector_store_idx %arg14[%add3A_945, %convert_element_type3A_930], %broadcast_in_dim3A_911 : memref<16x255xf32, #tpu.memory_space<vmem>>[vector<16xi32>, vector<16xi32>], vector<16xf32>,
        tpu.vector_store_idx %arg14[%add3A_945, %min3A_941], %broadcast_in_dim3A_911 : memref<16x255xf32, #tpu.memory_space<vmem>>[vector<16xi32>, vector<16xi32>], vector<16xf32>,
      } else {
      }
      %mul3A_559 = arith.constant 16 : i32
      %mul3A_560 = arith.muli %add3A_553, %mul3A_559 : i32
      %add3A_561 = arith.constant 0 : i32
      %add3A_562 = arith.addi %mul3A_560, %add3A_561 : i32
      %get3A_563 = arith.index_cast %add3A_562 : i32 to index
      %get3A_564 = tpu.vector_load %arg4[%get3A_563] {strides = array<i32>} : memref<8192xf32, #tpu.memory_space<vmem>>, vector<16xf32>,
      %max3A_565 = arith.constant -2.000000e+01 : f32
      %max3A_566 = vector.broadcast %max3A_565 : f32 to vector<16xf32>
      %max3A_567 = arith.maximumf %get3A_564, %max3A_566 : vector<16xf32>
      %min3A_568 = arith.constant 2.000000e+01 : f32
      %min3A_569 = vector.broadcast %min3A_568 : f32 to vector<16xf32>
      %min3A_570 = arith.minimumf %max3A_567, %min3A_569 : vector<16xf32>
      %sub3A_571 = arith.constant -2.000000e+01 : f32
      %sub3A_572 = vector.broadcast %sub3A_571 : f32 to vector<16xf32>
      %sub3A_573 = arith.subf %min3A_570, %sub3A_572 : vector<16xf32>
      %div3A_574 = arith.constant 0.157480314 : f32
      %div3A_575 = vector.broadcast %div3A_574 : f32 to vector<16xf32>
      %div3A_576 = arith.divf %sub3A_573, %div3A_575 : vector<16xf32>
      %convert_element_type3A_577 = arith.fptosi %div3A_576 : vector<16xf32> to vector<16xi32>
      %convert_element_type3A_578 = arith.sitofp %convert_element_type3A_577 : vector<16xi32> to vector<16xf32>
      %sub3A_579 = arith.subf %div3A_576, %convert_element_type3A_578 : vector<16xf32>
      %sub3A_580 = arith.constant 1.000000e+00 : f32
      %sub3A_581 = vector.broadcast %sub3A_580 : f32 to vector<16xf32>
      %sub3A_582 = arith.subf %sub3A_581, %sub3A_579 : vector<16xf32>
      %add3A_583 = arith.constant 1 : i32
      %add3A_584 = vector.broadcast %add3A_583 : i32 to vector<16xi32>
      %add3A_585 = arith.addi %convert_element_type3A_577, %add3A_584 : vector<16xi32>
      %min3A_586 = arith.constant 254 : i32
      %min3A_587 = vector.broadcast %min3A_586 : i32 to vector<16xi32>
      %min3A_588 = arith.minsi %add3A_585, %min3A_587 : vector<16xi32>
      %iota3A_589 = tpu.iota {dimensions = array<i32: 0>} : vector<16xi32>
      %add3A_590 = arith.constant 0 : i32
      %add3A_591 = vector.broadcast %add3A_590 : i32 to vector<16xi32>
      %add3A_592 = arith.addi %iota3A_589, %add3A_591 : vector<16xi32>
      tpu.vector_store_idx %arg14[%add3A_592, %convert_element_type3A_577], %sub3A_582 : memref<16x255xf32, #tpu.memory_space<vmem>>[vector<16xi32>, vector<16xi32>], vector<16xf32>,
      tpu.vector_store_idx %arg14[%add3A_592, %min3A_588], %sub3A_579 {add = true} : memref<16x255xf32, #tpu.memory_space<vmem>>[vector<16xi32>, vector<16xi32>], vector<16xf32>,
      %mul3A_593 = arith.constant 16 : i32
      %mul3A_594 = arith.muli %add3A_553, %mul3A_593 : i32
      %add3A_595 = arith.addi %mul3A_2, %mul3A_594 : i32
      %dma_start3A_596 = arith.constant 0 : i32
      %dma_start3A_597 = tpu.memref_slice %arg3[%add3A_595, %dma_start3A_596] : memref<262144x255xf32, #tpu.memory_space<hbm>> -> memref<16x255xf32, #tpu.memory_space<hbm>>
      %dma_start3A_598 = arith.constant 0 : i32
      %dma_start3A_599 = tpu.memref_slice %arg3[%add3A_595, %dma_start3A_598] : memref<262144x255xf32, #tpu.memory_space<hbm>> -> memref<16x255xf32, #tpu.memory_space<hbm>>
      tpu.enqueue_dma source(%arg14 : memref<16x255xf32, #tpu.memory_space<vmem>>) target(%dma_start3A_599 : memref<16x255xf32, #tpu.memory_space<hbm>>) target_semaphore(%arg30 : memref<!tpu.dma_semaphore, #tpu.memory_space<semaphore_mem>>)
      %mul3A_600 = arith.constant 16 : i32
      %mul3A_601 = arith.muli %scan3A_109, %mul3A_600 : i32
      %add3A_602 = arith.constant 10 : i32
      %add3A_603 = arith.addi %mul3A_601, %add3A_602 : i32
      %gt3A_604 = arith.constant 0 : i32
      %gt3A_605 = arith.cmpi sgt, %scan3A_109, %gt3A_604 : i32
      %convert_element_type3A_606 = arith.extui %gt3A_605 : i1 to i32
      %cond3A_607 = arith.constant 0 : i32
      %cond3A_608 = arith.cmpi ne, %convert_element_type3A_606, %cond3A_607 : i32
      scf.if %cond3A_608 {
        %sub3A_900 = arith.constant 16 : i32
        %sub3A_901 = arith.subi %add3A_603, %sub3A_900 : i32
        %mul3A_902 = arith.constant 16 : i32
        %mul3A_903 = arith.muli %sub3A_901, %mul3A_902 : i32
        %add3A_904 = arith.addi %mul3A_2, %mul3A_903 : i32
        %dma_wait3A_905 = arith.constant 0 : i32
        %dma_wait3A_906 = tpu.memref_slice %arg3[%add3A_904, %dma_wait3A_905] : memref<262144x255xf32, #tpu.memory_space<hbm>> -> memref<16x255xf32, #tpu.memory_space<hbm>>
        %dma_wait3A_907 = arith.constant 0 : i32
        %dma_wait3A_908 = tpu.memref_slice %arg3[%add3A_904, %dma_wait3A_907] : memref<262144x255xf32, #tpu.memory_space<hbm>> -> memref<16x255xf32, #tpu.memory_space<hbm>>
        tpu.wait_dma2 semaphore(%arg31 : memref<!tpu.dma_semaphore, #tpu.memory_space<semaphore_mem>>) src(%arg15 : memref<16x255xf32, #tpu.memory_space<vmem>>) dst(%dma_wait3A_908 : memref<16x255xf32, #tpu.memory_space<hbm>>)
        %sub3A_909 = arith.constant 16 : i32
        %sub3A_910 = arith.subi %add3A_603, %sub3A_909 : i32
        %broadcast_in_dim3A = arith.constant 0.000000e+00 : f32
        %broadcast_in_dim3A_911 = vector.broadcast %broadcast_in_dim3A : f32 to vector<16xf32>
        %mul3A_912 = arith.constant 16 : i32
        %mul3A_913 = arith.muli %sub3A_910, %mul3A_912 : i32
        %add3A_914 = arith.constant 0 : i32
        %add3A_915 = arith.addi %mul3A_913, %add3A_914 : i32
        %get3A_916 = arith.index_cast %add3A_915 : i32 to index
        %get3A_917 = tpu.vector_load %arg4[%get3A_916] {strides = array<i32>} : memref<8192xf32, #tpu.memory_space<vmem>>, vector<16xf32>,
        %max3A_918 = arith.constant -2.000000e+01 : f32
        %max3A_919 = vector.broadcast %max3A_918 : f32 to vector<16xf32>
        %max3A_920 = arith.maximumf %get3A_917, %max3A_919 : vector<16xf32>
        %min3A_921 = arith.constant 2.000000e+01 : f32
        %min3A_922 = vector.broadcast %min3A_921 : f32 to vector<16xf32>
        %min3A_923 = arith.minimumf %max3A_920, %min3A_922 : vector<16xf32>
        %sub3A_924 = arith.constant -2.000000e+01 : f32
        %sub3A_925 = vector.broadcast %sub3A_924 : f32 to vector<16xf32>
        %sub3A_926 = arith.subf %min3A_923, %sub3A_925 : vector<16xf32>
        %div3A_927 = arith.constant 0.157480314 : f32
        %div3A_928 = vector.broadcast %div3A_927 : f32 to vector<16xf32>
        %div3A_929 = arith.divf %sub3A_926, %div3A_928 : vector<16xf32>
        %convert_element_type3A_930 = arith.fptosi %div3A_929 : vector<16xf32> to vector<16xi32>
        %convert_element_type3A_931 = arith.sitofp %convert_element_type3A_930 : vector<16xi32> to vector<16xf32>
        %sub3A_932 = arith.subf %div3A_929, %convert_element_type3A_931 : vector<16xf32>
        %sub3A_933 = arith.constant 1.000000e+00 : f32
        %sub3A_934 = vector.broadcast %sub3A_933 : f32 to vector<16xf32>
        %sub3A_935 = arith.subf %sub3A_934, %sub3A_932 : vector<16xf32>
        %add3A_936 = arith.constant 1 : i32
        %add3A_937 = vector.broadcast %add3A_936 : i32 to vector<16xi32>
        %add3A_938 = arith.addi %convert_element_type3A_930, %add3A_937 : vector<16xi32>
        %min3A_939 = arith.constant 254 : i32
        %min3A_940 = vector.broadcast %min3A_939 : i32 to vector<16xi32>
        %min3A_941 = arith.minsi %add3A_938, %min3A_940 : vector<16xi32>
        %iota3A_942 = tpu.iota {dimensions = array<i32: 0>} : vector<16xi32>
        %add3A_943 = arith.constant 0 : i32
        %add3A_944 = vector.broadcast %add3A_943 : i32 to vector<16xi32>
        %add3A_945 = arith.addi %iota3A_942, %add3A_944 : vector<16xi32>
        tpu.vector_store_idx %arg15[%add3A_945, %convert_element_type3A_930], %broadcast_in_dim3A_911 : memref<16x255xf32, #tpu.memory_space<vmem>>[vector<16xi32>, vector<16xi32>], vector<16xf32>,
        tpu.vector_store_idx %arg15[%add3A_945, %min3A_941], %broadcast_in_dim3A_911 : memref<16x255xf32, #tpu.memory_space<vmem>>[vector<16xi32>, vector<16xi32>], vector<16xf32>,
      } else {
      }
      %mul3A_609 = arith.constant 16 : i32
      %mul3A_610 = arith.muli %add3A_603, %mul3A_609 : i32
      %add3A_611 = arith.constant 0 : i32
      %add3A_612 = arith.addi %mul3A_610, %add3A_611 : i32
      %get3A_613 = arith.index_cast %add3A_612 : i32 to index
      %get3A_614 = tpu.vector_load %arg4[%get3A_613] {strides = array<i32>} : memref<8192xf32, #tpu.memory_space<vmem>>, vector<16xf32>,
      %max3A_615 = arith.constant -2.000000e+01 : f32
      %max3A_616 = vector.broadcast %max3A_615 : f32 to vector<16xf32>
      %max3A_617 = arith.maximumf %get3A_614, %max3A_616 : vector<16xf32>
      %min3A_618 = arith.constant 2.000000e+01 : f32
      %min3A_619 = vector.broadcast %min3A_618 : f32 to vector<16xf32>
      %min3A_620 = arith.minimumf %max3A_617, %min3A_619 : vector<16xf32>
      %sub3A_621 = arith.constant -2.000000e+01 : f32
      %sub3A_622 = vector.broadcast %sub3A_621 : f32 to vector<16xf32>
      %sub3A_623 = arith.subf %min3A_620, %sub3A_622 : vector<16xf32>
      %div3A_624 = arith.constant 0.157480314 : f32
      %div3A_625 = vector.broadcast %div3A_624 : f32 to vector<16xf32>
      %div3A_626 = arith.divf %sub3A_623, %div3A_625 : vector<16xf32>
      %convert_element_type3A_627 = arith.fptosi %div3A_626 : vector<16xf32> to vector<16xi32>
      %convert_element_type3A_628 = arith.sitofp %convert_element_type3A_627 : vector<16xi32> to vector<16xf32>
      %sub3A_629 = arith.subf %div3A_626, %convert_element_type3A_628 : vector<16xf32>
      %sub3A_630 = arith.constant 1.000000e+00 : f32
      %sub3A_631 = vector.broadcast %sub3A_630 : f32 to vector<16xf32>
      %sub3A_632 = arith.subf %sub3A_631, %sub3A_629 : vector<16xf32>
      %add3A_633 = arith.constant 1 : i32
      %add3A_634 = vector.broadcast %add3A_633 : i32 to vector<16xi32>
      %add3A_635 = arith.addi %convert_element_type3A_627, %add3A_634 : vector<16xi32>
      %min3A_636 = arith.constant 254 : i32
      %min3A_637 = vector.broadcast %min3A_636 : i32 to vector<16xi32>
      %min3A_638 = arith.minsi %add3A_635, %min3A_637 : vector<16xi32>
      %iota3A_639 = tpu.iota {dimensions = array<i32: 0>} : vector<16xi32>
      %add3A_640 = arith.constant 0 : i32
      %add3A_641 = vector.broadcast %add3A_640 : i32 to vector<16xi32>
      %add3A_642 = arith.addi %iota3A_639, %add3A_641 : vector<16xi32>
      tpu.vector_store_idx %arg15[%add3A_642, %convert_element_type3A_627], %sub3A_632 : memref<16x255xf32, #tpu.memory_space<vmem>>[vector<16xi32>, vector<16xi32>], vector<16xf32>,
      tpu.vector_store_idx %arg15[%add3A_642, %min3A_638], %sub3A_629 {add = true} : memref<16x255xf32, #tpu.memory_space<vmem>>[vector<16xi32>, vector<16xi32>], vector<16xf32>,
      %mul3A_643 = arith.constant 16 : i32
      %mul3A_644 = arith.muli %add3A_603, %mul3A_643 : i32
      %add3A_645 = arith.addi %mul3A_2, %mul3A_644 : i32
      %dma_start3A_646 = arith.constant 0 : i32
      %dma_start3A_647 = tpu.memref_slice %arg3[%add3A_645, %dma_start3A_646] : memref<262144x255xf32, #tpu.memory_space<hbm>> -> memref<16x255xf32, #tpu.memory_space<hbm>>
      %dma_start3A_648 = arith.constant 0 : i32
      %dma_start3A_649 = tpu.memref_slice %arg3[%add3A_645, %dma_start3A_648] : memref<262144x255xf32, #tpu.memory_space<hbm>> -> memref<16x255xf32, #tpu.memory_space<hbm>>
      tpu.enqueue_dma source(%arg15 : memref<16x255xf32, #tpu.memory_space<vmem>>) target(%dma_start3A_649 : memref<16x255xf32, #tpu.memory_space<hbm>>) target_semaphore(%arg31 : memref<!tpu.dma_semaphore, #tpu.memory_space<semaphore_mem>>)
      %mul3A_650 = arith.constant 16 : i32
      %mul3A_651 = arith.muli %scan3A_109, %mul3A_650 : i32
      %add3A_652 = arith.constant 11 : i32
      %add3A_653 = arith.addi %mul3A_651, %add3A_652 : i32
      %gt3A_654 = arith.constant 0 : i32
      %gt3A_655 = arith.cmpi sgt, %scan3A_109, %gt3A_654 : i32
      %convert_element_type3A_656 = arith.extui %gt3A_655 : i1 to i32
      %cond3A_657 = arith.constant 0 : i32
      %cond3A_658 = arith.cmpi ne, %convert_element_type3A_656, %cond3A_657 : i32
      scf.if %cond3A_658 {
        %sub3A_900 = arith.constant 16 : i32
        %sub3A_901 = arith.subi %add3A_653, %sub3A_900 : i32
        %mul3A_902 = arith.constant 16 : i32
        %mul3A_903 = arith.muli %sub3A_901, %mul3A_902 : i32
        %add3A_904 = arith.addi %mul3A_2, %mul3A_903 : i32
        %dma_wait3A_905 = arith.constant 0 : i32
        %dma_wait3A_906 = tpu.memref_slice %arg3[%add3A_904, %dma_wait3A_905] : memref<262144x255xf32, #tpu.memory_space<hbm>> -> memref<16x255xf32, #tpu.memory_space<hbm>>
        %dma_wait3A_907 = arith.constant 0 : i32
        %dma_wait3A_908 = tpu.memref_slice %arg3[%add3A_904, %dma_wait3A_907] : memref<262144x255xf32, #tpu.memory_space<hbm>> -> memref<16x255xf32, #tpu.memory_space<hbm>>
        tpu.wait_dma2 semaphore(%arg32 : memref<!tpu.dma_semaphore, #tpu.memory_space<semaphore_mem>>) src(%arg16 : memref<16x255xf32, #tpu.memory_space<vmem>>) dst(%dma_wait3A_908 : memref<16x255xf32, #tpu.memory_space<hbm>>)
        %sub3A_909 = arith.constant 16 : i32
        %sub3A_910 = arith.subi %add3A_653, %sub3A_909 : i32
        %broadcast_in_dim3A = arith.constant 0.000000e+00 : f32
        %broadcast_in_dim3A_911 = vector.broadcast %broadcast_in_dim3A : f32 to vector<16xf32>
        %mul3A_912 = arith.constant 16 : i32
        %mul3A_913 = arith.muli %sub3A_910, %mul3A_912 : i32
        %add3A_914 = arith.constant 0 : i32
        %add3A_915 = arith.addi %mul3A_913, %add3A_914 : i32
        %get3A_916 = arith.index_cast %add3A_915 : i32 to index
        %get3A_917 = tpu.vector_load %arg4[%get3A_916] {strides = array<i32>} : memref<8192xf32, #tpu.memory_space<vmem>>, vector<16xf32>,
        %max3A_918 = arith.constant -2.000000e+01 : f32
        %max3A_919 = vector.broadcast %max3A_918 : f32 to vector<16xf32>
        %max3A_920 = arith.maximumf %get3A_917, %max3A_919 : vector<16xf32>
        %min3A_921 = arith.constant 2.000000e+01 : f32
        %min3A_922 = vector.broadcast %min3A_921 : f32 to vector<16xf32>
        %min3A_923 = arith.minimumf %max3A_920, %min3A_922 : vector<16xf32>
        %sub3A_924 = arith.constant -2.000000e+01 : f32
        %sub3A_925 = vector.broadcast %sub3A_924 : f32 to vector<16xf32>
        %sub3A_926 = arith.subf %min3A_923, %sub3A_925 : vector<16xf32>
        %div3A_927 = arith.constant 0.157480314 : f32
        %div3A_928 = vector.broadcast %div3A_927 : f32 to vector<16xf32>
        %div3A_929 = arith.divf %sub3A_926, %div3A_928 : vector<16xf32>
        %convert_element_type3A_930 = arith.fptosi %div3A_929 : vector<16xf32> to vector<16xi32>
        %convert_element_type3A_931 = arith.sitofp %convert_element_type3A_930 : vector<16xi32> to vector<16xf32>
        %sub3A_932 = arith.subf %div3A_929, %convert_element_type3A_931 : vector<16xf32>
        %sub3A_933 = arith.constant 1.000000e+00 : f32
        %sub3A_934 = vector.broadcast %sub3A_933 : f32 to vector<16xf32>
        %sub3A_935 = arith.subf %sub3A_934, %sub3A_932 : vector<16xf32>
        %add3A_936 = arith.constant 1 : i32
        %add3A_937 = vector.broadcast %add3A_936 : i32 to vector<16xi32>
        %add3A_938 = arith.addi %convert_element_type3A_930, %add3A_937 : vector<16xi32>
        %min3A_939 = arith.constant 254 : i32
        %min3A_940 = vector.broadcast %min3A_939 : i32 to vector<16xi32>
        %min3A_941 = arith.minsi %add3A_938, %min3A_940 : vector<16xi32>
        %iota3A_942 = tpu.iota {dimensions = array<i32: 0>} : vector<16xi32>
        %add3A_943 = arith.constant 0 : i32
        %add3A_944 = vector.broadcast %add3A_943 : i32 to vector<16xi32>
        %add3A_945 = arith.addi %iota3A_942, %add3A_944 : vector<16xi32>
        tpu.vector_store_idx %arg16[%add3A_945, %convert_element_type3A_930], %broadcast_in_dim3A_911 : memref<16x255xf32, #tpu.memory_space<vmem>>[vector<16xi32>, vector<16xi32>], vector<16xf32>,
        tpu.vector_store_idx %arg16[%add3A_945, %min3A_941], %broadcast_in_dim3A_911 : memref<16x255xf32, #tpu.memory_space<vmem>>[vector<16xi32>, vector<16xi32>], vector<16xf32>,
      } else {
      }
      %mul3A_659 = arith.constant 16 : i32
      %mul3A_660 = arith.muli %add3A_653, %mul3A_659 : i32
      %add3A_661 = arith.constant 0 : i32
      %add3A_662 = arith.addi %mul3A_660, %add3A_661 : i32
      %get3A_663 = arith.index_cast %add3A_662 : i32 to index
      %get3A_664 = tpu.vector_load %arg4[%get3A_663] {strides = array<i32>} : memref<8192xf32, #tpu.memory_space<vmem>>, vector<16xf32>,
      %max3A_665 = arith.constant -2.000000e+01 : f32
      %max3A_666 = vector.broadcast %max3A_665 : f32 to vector<16xf32>
      %max3A_667 = arith.maximumf %get3A_664, %max3A_666 : vector<16xf32>
      %min3A_668 = arith.constant 2.000000e+01 : f32
      %min3A_669 = vector.broadcast %min3A_668 : f32 to vector<16xf32>
      %min3A_670 = arith.minimumf %max3A_667, %min3A_669 : vector<16xf32>
      %sub3A_671 = arith.constant -2.000000e+01 : f32
      %sub3A_672 = vector.broadcast %sub3A_671 : f32 to vector<16xf32>
      %sub3A_673 = arith.subf %min3A_670, %sub3A_672 : vector<16xf32>
      %div3A_674 = arith.constant 0.157480314 : f32
      %div3A_675 = vector.broadcast %div3A_674 : f32 to vector<16xf32>
      %div3A_676 = arith.divf %sub3A_673, %div3A_675 : vector<16xf32>
      %convert_element_type3A_677 = arith.fptosi %div3A_676 : vector<16xf32> to vector<16xi32>
      %convert_element_type3A_678 = arith.sitofp %convert_element_type3A_677 : vector<16xi32> to vector<16xf32>
      %sub3A_679 = arith.subf %div3A_676, %convert_element_type3A_678 : vector<16xf32>
      %sub3A_680 = arith.constant 1.000000e+00 : f32
      %sub3A_681 = vector.broadcast %sub3A_680 : f32 to vector<16xf32>
      %sub3A_682 = arith.subf %sub3A_681, %sub3A_679 : vector<16xf32>
      %add3A_683 = arith.constant 1 : i32
      %add3A_684 = vector.broadcast %add3A_683 : i32 to vector<16xi32>
      %add3A_685 = arith.addi %convert_element_type3A_677, %add3A_684 : vector<16xi32>
      %min3A_686 = arith.constant 254 : i32
      %min3A_687 = vector.broadcast %min3A_686 : i32 to vector<16xi32>
      %min3A_688 = arith.minsi %add3A_685, %min3A_687 : vector<16xi32>
      %iota3A_689 = tpu.iota {dimensions = array<i32: 0>} : vector<16xi32>
      %add3A_690 = arith.constant 0 : i32
      %add3A_691 = vector.broadcast %add3A_690 : i32 to vector<16xi32>
      %add3A_692 = arith.addi %iota3A_689, %add3A_691 : vector<16xi32>
      tpu.vector_store_idx %arg16[%add3A_692, %convert_element_type3A_677], %sub3A_682 : memref<16x255xf32, #tpu.memory_space<vmem>>[vector<16xi32>, vector<16xi32>], vector<16xf32>,
      tpu.vector_store_idx %arg16[%add3A_692, %min3A_688], %sub3A_679 {add = true} : memref<16x255xf32, #tpu.memory_space<vmem>>[vector<16xi32>, vector<16xi32>], vector<16xf32>,
      %mul3A_693 = arith.constant 16 : i32
      %mul3A_694 = arith.muli %add3A_653, %mul3A_693 : i32
      %add3A_695 = arith.addi %mul3A_2, %mul3A_694 : i32
      %dma_start3A_696 = arith.constant 0 : i32
      %dma_start3A_697 = tpu.memref_slice %arg3[%add3A_695, %dma_start3A_696] : memref<262144x255xf32, #tpu.memory_space<hbm>> -> memref<16x255xf32, #tpu.memory_space<hbm>>
      %dma_start3A_698 = arith.constant 0 : i32
      %dma_start3A_699 = tpu.memref_slice %arg3[%add3A_695, %dma_start3A_698] : memref<262144x255xf32, #tpu.memory_space<hbm>> -> memref<16x255xf32, #tpu.memory_space<hbm>>
      tpu.enqueue_dma source(%arg16 : memref<16x255xf32, #tpu.memory_space<vmem>>) target(%dma_start3A_699 : memref<16x255xf32, #tpu.memory_space<hbm>>) target_semaphore(%arg32 : memref<!tpu.dma_semaphore, #tpu.memory_space<semaphore_mem>>)
      %mul3A_700 = arith.constant 16 : i32
      %mul3A_701 = arith.muli %scan3A_109, %mul3A_700 : i32
      %add3A_702 = arith.constant 12 : i32
      %add3A_703 = arith.addi %mul3A_701, %add3A_702 : i32
      %gt3A_704 = arith.constant 0 : i32
      %gt3A_705 = arith.cmpi sgt, %scan3A_109, %gt3A_704 : i32
      %convert_element_type3A_706 = arith.extui %gt3A_705 : i1 to i32
      %cond3A_707 = arith.constant 0 : i32
      %cond3A_708 = arith.cmpi ne, %convert_element_type3A_706, %cond3A_707 : i32
      scf.if %cond3A_708 {
        %sub3A_900 = arith.constant 16 : i32
        %sub3A_901 = arith.subi %add3A_703, %sub3A_900 : i32
        %mul3A_902 = arith.constant 16 : i32
        %mul3A_903 = arith.muli %sub3A_901, %mul3A_902 : i32
        %add3A_904 = arith.addi %mul3A_2, %mul3A_903 : i32
        %dma_wait3A_905 = arith.constant 0 : i32
        %dma_wait3A_906 = tpu.memref_slice %arg3[%add3A_904, %dma_wait3A_905] : memref<262144x255xf32, #tpu.memory_space<hbm>> -> memref<16x255xf32, #tpu.memory_space<hbm>>
        %dma_wait3A_907 = arith.constant 0 : i32
        %dma_wait3A_908 = tpu.memref_slice %arg3[%add3A_904, %dma_wait3A_907] : memref<262144x255xf32, #tpu.memory_space<hbm>> -> memref<16x255xf32, #tpu.memory_space<hbm>>
        tpu.wait_dma2 semaphore(%arg33 : memref<!tpu.dma_semaphore, #tpu.memory_space<semaphore_mem>>) src(%arg17 : memref<16x255xf32, #tpu.memory_space<vmem>>) dst(%dma_wait3A_908 : memref<16x255xf32, #tpu.memory_space<hbm>>)
        %sub3A_909 = arith.constant 16 : i32
        %sub3A_910 = arith.subi %add3A_703, %sub3A_909 : i32
        %broadcast_in_dim3A = arith.constant 0.000000e+00 : f32
        %broadcast_in_dim3A_911 = vector.broadcast %broadcast_in_dim3A : f32 to vector<16xf32>
        %mul3A_912 = arith.constant 16 : i32
        %mul3A_913 = arith.muli %sub3A_910, %mul3A_912 : i32
        %add3A_914 = arith.constant 0 : i32
        %add3A_915 = arith.addi %mul3A_913, %add3A_914 : i32
        %get3A_916 = arith.index_cast %add3A_915 : i32 to index
        %get3A_917 = tpu.vector_load %arg4[%get3A_916] {strides = array<i32>} : memref<8192xf32, #tpu.memory_space<vmem>>, vector<16xf32>,
        %max3A_918 = arith.constant -2.000000e+01 : f32
        %max3A_919 = vector.broadcast %max3A_918 : f32 to vector<16xf32>
        %max3A_920 = arith.maximumf %get3A_917, %max3A_919 : vector<16xf32>
        %min3A_921 = arith.constant 2.000000e+01 : f32
        %min3A_922 = vector.broadcast %min3A_921 : f32 to vector<16xf32>
        %min3A_923 = arith.minimumf %max3A_920, %min3A_922 : vector<16xf32>
        %sub3A_924 = arith.constant -2.000000e+01 : f32
        %sub3A_925 = vector.broadcast %sub3A_924 : f32 to vector<16xf32>
        %sub3A_926 = arith.subf %min3A_923, %sub3A_925 : vector<16xf32>
        %div3A_927 = arith.constant 0.157480314 : f32
        %div3A_928 = vector.broadcast %div3A_927 : f32 to vector<16xf32>
        %div3A_929 = arith.divf %sub3A_926, %div3A_928 : vector<16xf32>
        %convert_element_type3A_930 = arith.fptosi %div3A_929 : vector<16xf32> to vector<16xi32>
        %convert_element_type3A_931 = arith.sitofp %convert_element_type3A_930 : vector<16xi32> to vector<16xf32>
        %sub3A_932 = arith.subf %div3A_929, %convert_element_type3A_931 : vector<16xf32>
        %sub3A_933 = arith.constant 1.000000e+00 : f32
        %sub3A_934 = vector.broadcast %sub3A_933 : f32 to vector<16xf32>
        %sub3A_935 = arith.subf %sub3A_934, %sub3A_932 : vector<16xf32>
        %add3A_936 = arith.constant 1 : i32
        %add3A_937 = vector.broadcast %add3A_936 : i32 to vector<16xi32>
        %add3A_938 = arith.addi %convert_element_type3A_930, %add3A_937 : vector<16xi32>
        %min3A_939 = arith.constant 254 : i32
        %min3A_940 = vector.broadcast %min3A_939 : i32 to vector<16xi32>
        %min3A_941 = arith.minsi %add3A_938, %min3A_940 : vector<16xi32>
        %iota3A_942 = tpu.iota {dimensions = array<i32: 0>} : vector<16xi32>
        %add3A_943 = arith.constant 0 : i32
        %add3A_944 = vector.broadcast %add3A_943 : i32 to vector<16xi32>
        %add3A_945 = arith.addi %iota3A_942, %add3A_944 : vector<16xi32>
        tpu.vector_store_idx %arg17[%add3A_945, %convert_element_type3A_930], %broadcast_in_dim3A_911 : memref<16x255xf32, #tpu.memory_space<vmem>>[vector<16xi32>, vector<16xi32>], vector<16xf32>,
        tpu.vector_store_idx %arg17[%add3A_945, %min3A_941], %broadcast_in_dim3A_911 : memref<16x255xf32, #tpu.memory_space<vmem>>[vector<16xi32>, vector<16xi32>], vector<16xf32>,
      } else {
      }
      %mul3A_709 = arith.constant 16 : i32
      %mul3A_710 = arith.muli %add3A_703, %mul3A_709 : i32
      %add3A_711 = arith.constant 0 : i32
      %add3A_712 = arith.addi %mul3A_710, %add3A_711 : i32
      %get3A_713 = arith.index_cast %add3A_712 : i32 to index
      %get3A_714 = tpu.vector_load %arg4[%get3A_713] {strides = array<i32>} : memref<8192xf32, #tpu.memory_space<vmem>>, vector<16xf32>,
      %max3A_715 = arith.constant -2.000000e+01 : f32
      %max3A_716 = vector.broadcast %max3A_715 : f32 to vector<16xf32>
      %max3A_717 = arith.maximumf %get3A_714, %max3A_716 : vector<16xf32>
      %min3A_718 = arith.constant 2.000000e+01 : f32
      %min3A_719 = vector.broadcast %min3A_718 : f32 to vector<16xf32>
      %min3A_720 = arith.minimumf %max3A_717, %min3A_719 : vector<16xf32>
      %sub3A_721 = arith.constant -2.000000e+01 : f32
      %sub3A_722 = vector.broadcast %sub3A_721 : f32 to vector<16xf32>
      %sub3A_723 = arith.subf %min3A_720, %sub3A_722 : vector<16xf32>
      %div3A_724 = arith.constant 0.157480314 : f32
      %div3A_725 = vector.broadcast %div3A_724 : f32 to vector<16xf32>
      %div3A_726 = arith.divf %sub3A_723, %div3A_725 : vector<16xf32>
      %convert_element_type3A_727 = arith.fptosi %div3A_726 : vector<16xf32> to vector<16xi32>
      %convert_element_type3A_728 = arith.sitofp %convert_element_type3A_727 : vector<16xi32> to vector<16xf32>
      %sub3A_729 = arith.subf %div3A_726, %convert_element_type3A_728 : vector<16xf32>
      %sub3A_730 = arith.constant 1.000000e+00 : f32
      %sub3A_731 = vector.broadcast %sub3A_730 : f32 to vector<16xf32>
      %sub3A_732 = arith.subf %sub3A_731, %sub3A_729 : vector<16xf32>
      %add3A_733 = arith.constant 1 : i32
      %add3A_734 = vector.broadcast %add3A_733 : i32 to vector<16xi32>
      %add3A_735 = arith.addi %convert_element_type3A_727, %add3A_734 : vector<16xi32>
      %min3A_736 = arith.constant 254 : i32
      %min3A_737 = vector.broadcast %min3A_736 : i32 to vector<16xi32>
      %min3A_738 = arith.minsi %add3A_735, %min3A_737 : vector<16xi32>
      %iota3A_739 = tpu.iota {dimensions = array<i32: 0>} : vector<16xi32>
      %add3A_740 = arith.constant 0 : i32
      %add3A_741 = vector.broadcast %add3A_740 : i32 to vector<16xi32>
      %add3A_742 = arith.addi %iota3A_739, %add3A_741 : vector<16xi32>
      tpu.vector_store_idx %arg17[%add3A_742, %convert_element_type3A_727], %sub3A_732 : memref<16x255xf32, #tpu.memory_space<vmem>>[vector<16xi32>, vector<16xi32>], vector<16xf32>,
      tpu.vector_store_idx %arg17[%add3A_742, %min3A_738], %sub3A_729 {add = true} : memref<16x255xf32, #tpu.memory_space<vmem>>[vector<16xi32>, vector<16xi32>], vector<16xf32>,
      %mul3A_743 = arith.constant 16 : i32
      %mul3A_744 = arith.muli %add3A_703, %mul3A_743 : i32
      %add3A_745 = arith.addi %mul3A_2, %mul3A_744 : i32
      %dma_start3A_746 = arith.constant 0 : i32
      %dma_start3A_747 = tpu.memref_slice %arg3[%add3A_745, %dma_start3A_746] : memref<262144x255xf32, #tpu.memory_space<hbm>> -> memref<16x255xf32, #tpu.memory_space<hbm>>
      %dma_start3A_748 = arith.constant 0 : i32
      %dma_start3A_749 = tpu.memref_slice %arg3[%add3A_745, %dma_start3A_748] : memref<262144x255xf32, #tpu.memory_space<hbm>> -> memref<16x255xf32, #tpu.memory_space<hbm>>
      tpu.enqueue_dma source(%arg17 : memref<16x255xf32, #tpu.memory_space<vmem>>) target(%dma_start3A_749 : memref<16x255xf32, #tpu.memory_space<hbm>>) target_semaphore(%arg33 : memref<!tpu.dma_semaphore, #tpu.memory_space<semaphore_mem>>)
      %mul3A_750 = arith.constant 16 : i32
      %mul3A_751 = arith.muli %scan3A_109, %mul3A_750 : i32
      %add3A_752 = arith.constant 13 : i32
      %add3A_753 = arith.addi %mul3A_751, %add3A_752 : i32
      %gt3A_754 = arith.constant 0 : i32
      %gt3A_755 = arith.cmpi sgt, %scan3A_109, %gt3A_754 : i32
      %convert_element_type3A_756 = arith.extui %gt3A_755 : i1 to i32
      %cond3A_757 = arith.constant 0 : i32
      %cond3A_758 = arith.cmpi ne, %convert_element_type3A_756, %cond3A_757 : i32
      scf.if %cond3A_758 {
        %sub3A_900 = arith.constant 16 : i32
        %sub3A_901 = arith.subi %add3A_753, %sub3A_900 : i32
        %mul3A_902 = arith.constant 16 : i32
        %mul3A_903 = arith.muli %sub3A_901, %mul3A_902 : i32
        %add3A_904 = arith.addi %mul3A_2, %mul3A_903 : i32
        %dma_wait3A_905 = arith.constant 0 : i32
        %dma_wait3A_906 = tpu.memref_slice %arg3[%add3A_904, %dma_wait3A_905] : memref<262144x255xf32, #tpu.memory_space<hbm>> -> memref<16x255xf32, #tpu.memory_space<hbm>>
        %dma_wait3A_907 = arith.constant 0 : i32
        %dma_wait3A_908 = tpu.memref_slice %arg3[%add3A_904, %dma_wait3A_907] : memref<262144x255xf32, #tpu.memory_space<hbm>> -> memref<16x255xf32, #tpu.memory_space<hbm>>
        tpu.wait_dma2 semaphore(%arg34 : memref<!tpu.dma_semaphore, #tpu.memory_space<semaphore_mem>>) src(%arg18 : memref<16x255xf32, #tpu.memory_space<vmem>>) dst(%dma_wait3A_908 : memref<16x255xf32, #tpu.memory_space<hbm>>)
        %sub3A_909 = arith.constant 16 : i32
        %sub3A_910 = arith.subi %add3A_753, %sub3A_909 : i32
        %broadcast_in_dim3A = arith.constant 0.000000e+00 : f32
        %broadcast_in_dim3A_911 = vector.broadcast %broadcast_in_dim3A : f32 to vector<16xf32>
        %mul3A_912 = arith.constant 16 : i32
        %mul3A_913 = arith.muli %sub3A_910, %mul3A_912 : i32
        %add3A_914 = arith.constant 0 : i32
        %add3A_915 = arith.addi %mul3A_913, %add3A_914 : i32
        %get3A_916 = arith.index_cast %add3A_915 : i32 to index
        %get3A_917 = tpu.vector_load %arg4[%get3A_916] {strides = array<i32>} : memref<8192xf32, #tpu.memory_space<vmem>>, vector<16xf32>,
        %max3A_918 = arith.constant -2.000000e+01 : f32
        %max3A_919 = vector.broadcast %max3A_918 : f32 to vector<16xf32>
        %max3A_920 = arith.maximumf %get3A_917, %max3A_919 : vector<16xf32>
        %min3A_921 = arith.constant 2.000000e+01 : f32
        %min3A_922 = vector.broadcast %min3A_921 : f32 to vector<16xf32>
        %min3A_923 = arith.minimumf %max3A_920, %min3A_922 : vector<16xf32>
        %sub3A_924 = arith.constant -2.000000e+01 : f32
        %sub3A_925 = vector.broadcast %sub3A_924 : f32 to vector<16xf32>
        %sub3A_926 = arith.subf %min3A_923, %sub3A_925 : vector<16xf32>
        %div3A_927 = arith.constant 0.157480314 : f32
        %div3A_928 = vector.broadcast %div3A_927 : f32 to vector<16xf32>
        %div3A_929 = arith.divf %sub3A_926, %div3A_928 : vector<16xf32>
        %convert_element_type3A_930 = arith.fptosi %div3A_929 : vector<16xf32> to vector<16xi32>
        %convert_element_type3A_931 = arith.sitofp %convert_element_type3A_930 : vector<16xi32> to vector<16xf32>
        %sub3A_932 = arith.subf %div3A_929, %convert_element_type3A_931 : vector<16xf32>
        %sub3A_933 = arith.constant 1.000000e+00 : f32
        %sub3A_934 = vector.broadcast %sub3A_933 : f32 to vector<16xf32>
        %sub3A_935 = arith.subf %sub3A_934, %sub3A_932 : vector<16xf32>
        %add3A_936 = arith.constant 1 : i32
        %add3A_937 = vector.broadcast %add3A_936 : i32 to vector<16xi32>
        %add3A_938 = arith.addi %convert_element_type3A_930, %add3A_937 : vector<16xi32>
        %min3A_939 = arith.constant 254 : i32
        %min3A_940 = vector.broadcast %min3A_939 : i32 to vector<16xi32>
        %min3A_941 = arith.minsi %add3A_938, %min3A_940 : vector<16xi32>
        %iota3A_942 = tpu.iota {dimensions = array<i32: 0>} : vector<16xi32>
        %add3A_943 = arith.constant 0 : i32
        %add3A_944 = vector.broadcast %add3A_943 : i32 to vector<16xi32>
        %add3A_945 = arith.addi %iota3A_942, %add3A_944 : vector<16xi32>
        tpu.vector_store_idx %arg18[%add3A_945, %convert_element_type3A_930], %broadcast_in_dim3A_911 : memref<16x255xf32, #tpu.memory_space<vmem>>[vector<16xi32>, vector<16xi32>], vector<16xf32>,
        tpu.vector_store_idx %arg18[%add3A_945, %min3A_941], %broadcast_in_dim3A_911 : memref<16x255xf32, #tpu.memory_space<vmem>>[vector<16xi32>, vector<16xi32>], vector<16xf32>,
      } else {
      }
      %mul3A_759 = arith.constant 16 : i32
      %mul3A_760 = arith.muli %add3A_753, %mul3A_759 : i32
      %add3A_761 = arith.constant 0 : i32
      %add3A_762 = arith.addi %mul3A_760, %add3A_761 : i32
      %get3A_763 = arith.index_cast %add3A_762 : i32 to index
      %get3A_764 = tpu.vector_load %arg4[%get3A_763] {strides = array<i32>} : memref<8192xf32, #tpu.memory_space<vmem>>, vector<16xf32>,
      %max3A_765 = arith.constant -2.000000e+01 : f32
      %max3A_766 = vector.broadcast %max3A_765 : f32 to vector<16xf32>
      %max3A_767 = arith.maximumf %get3A_764, %max3A_766 : vector<16xf32>
      %min3A_768 = arith.constant 2.000000e+01 : f32
      %min3A_769 = vector.broadcast %min3A_768 : f32 to vector<16xf32>
      %min3A_770 = arith.minimumf %max3A_767, %min3A_769 : vector<16xf32>
      %sub3A_771 = arith.constant -2.000000e+01 : f32
      %sub3A_772 = vector.broadcast %sub3A_771 : f32 to vector<16xf32>
      %sub3A_773 = arith.subf %min3A_770, %sub3A_772 : vector<16xf32>
      %div3A_774 = arith.constant 0.157480314 : f32
      %div3A_775 = vector.broadcast %div3A_774 : f32 to vector<16xf32>
      %div3A_776 = arith.divf %sub3A_773, %div3A_775 : vector<16xf32>
      %convert_element_type3A_777 = arith.fptosi %div3A_776 : vector<16xf32> to vector<16xi32>
      %convert_element_type3A_778 = arith.sitofp %convert_element_type3A_777 : vector<16xi32> to vector<16xf32>
      %sub3A_779 = arith.subf %div3A_776, %convert_element_type3A_778 : vector<16xf32>
      %sub3A_780 = arith.constant 1.000000e+00 : f32
      %sub3A_781 = vector.broadcast %sub3A_780 : f32 to vector<16xf32>
      %sub3A_782 = arith.subf %sub3A_781, %sub3A_779 : vector<16xf32>
      %add3A_783 = arith.constant 1 : i32
      %add3A_784 = vector.broadcast %add3A_783 : i32 to vector<16xi32>
      %add3A_785 = arith.addi %convert_element_type3A_777, %add3A_784 : vector<16xi32>
      %min3A_786 = arith.constant 254 : i32
      %min3A_787 = vector.broadcast %min3A_786 : i32 to vector<16xi32>
      %min3A_788 = arith.minsi %add3A_785, %min3A_787 : vector<16xi32>
      %iota3A_789 = tpu.iota {dimensions = array<i32: 0>} : vector<16xi32>
      %add3A_790 = arith.constant 0 : i32
      %add3A_791 = vector.broadcast %add3A_790 : i32 to vector<16xi32>
      %add3A_792 = arith.addi %iota3A_789, %add3A_791 : vector<16xi32>
      tpu.vector_store_idx %arg18[%add3A_792, %convert_element_type3A_777], %sub3A_782 : memref<16x255xf32, #tpu.memory_space<vmem>>[vector<16xi32>, vector<16xi32>], vector<16xf32>,
      tpu.vector_store_idx %arg18[%add3A_792, %min3A_788], %sub3A_779 {add = true} : memref<16x255xf32, #tpu.memory_space<vmem>>[vector<16xi32>, vector<16xi32>], vector<16xf32>,
      %mul3A_793 = arith.constant 16 : i32
      %mul3A_794 = arith.muli %add3A_753, %mul3A_793 : i32
      %add3A_795 = arith.addi %mul3A_2, %mul3A_794 : i32
      %dma_start3A_796 = arith.constant 0 : i32
      %dma_start3A_797 = tpu.memref_slice %arg3[%add3A_795, %dma_start3A_796] : memref<262144x255xf32, #tpu.memory_space<hbm>> -> memref<16x255xf32, #tpu.memory_space<hbm>>
      %dma_start3A_798 = arith.constant 0 : i32
      %dma_start3A_799 = tpu.memref_slice %arg3[%add3A_795, %dma_start3A_798] : memref<262144x255xf32, #tpu.memory_space<hbm>> -> memref<16x255xf32, #tpu.memory_space<hbm>>
      tpu.enqueue_dma source(%arg18 : memref<16x255xf32, #tpu.memory_space<vmem>>) target(%dma_start3A_799 : memref<16x255xf32, #tpu.memory_space<hbm>>) target_semaphore(%arg34 : memref<!tpu.dma_semaphore, #tpu.memory_space<semaphore_mem>>)
      %mul3A_800 = arith.constant 16 : i32
      %mul3A_801 = arith.muli %scan3A_109, %mul3A_800 : i32
      %add3A_802 = arith.constant 14 : i32
      %add3A_803 = arith.addi %mul3A_801, %add3A_802 : i32
      %gt3A_804 = arith.constant 0 : i32
      %gt3A_805 = arith.cmpi sgt, %scan3A_109, %gt3A_804 : i32
      %convert_element_type3A_806 = arith.extui %gt3A_805 : i1 to i32
      %cond3A_807 = arith.constant 0 : i32
      %cond3A_808 = arith.cmpi ne, %convert_element_type3A_806, %cond3A_807 : i32
      scf.if %cond3A_808 {
        %sub3A_900 = arith.constant 16 : i32
        %sub3A_901 = arith.subi %add3A_803, %sub3A_900 : i32
        %mul3A_902 = arith.constant 16 : i32
        %mul3A_903 = arith.muli %sub3A_901, %mul3A_902 : i32
        %add3A_904 = arith.addi %mul3A_2, %mul3A_903 : i32
        %dma_wait3A_905 = arith.constant 0 : i32
        %dma_wait3A_906 = tpu.memref_slice %arg3[%add3A_904, %dma_wait3A_905] : memref<262144x255xf32, #tpu.memory_space<hbm>> -> memref<16x255xf32, #tpu.memory_space<hbm>>
        %dma_wait3A_907 = arith.constant 0 : i32
        %dma_wait3A_908 = tpu.memref_slice %arg3[%add3A_904, %dma_wait3A_907] : memref<262144x255xf32, #tpu.memory_space<hbm>> -> memref<16x255xf32, #tpu.memory_space<hbm>>
        tpu.wait_dma2 semaphore(%arg35 : memref<!tpu.dma_semaphore, #tpu.memory_space<semaphore_mem>>) src(%arg19 : memref<16x255xf32, #tpu.memory_space<vmem>>) dst(%dma_wait3A_908 : memref<16x255xf32, #tpu.memory_space<hbm>>)
        %sub3A_909 = arith.constant 16 : i32
        %sub3A_910 = arith.subi %add3A_803, %sub3A_909 : i32
        %broadcast_in_dim3A = arith.constant 0.000000e+00 : f32
        %broadcast_in_dim3A_911 = vector.broadcast %broadcast_in_dim3A : f32 to vector<16xf32>
        %mul3A_912 = arith.constant 16 : i32
        %mul3A_913 = arith.muli %sub3A_910, %mul3A_912 : i32
        %add3A_914 = arith.constant 0 : i32
        %add3A_915 = arith.addi %mul3A_913, %add3A_914 : i32
        %get3A_916 = arith.index_cast %add3A_915 : i32 to index
        %get3A_917 = tpu.vector_load %arg4[%get3A_916] {strides = array<i32>} : memref<8192xf32, #tpu.memory_space<vmem>>, vector<16xf32>,
        %max3A_918 = arith.constant -2.000000e+01 : f32
        %max3A_919 = vector.broadcast %max3A_918 : f32 to vector<16xf32>
        %max3A_920 = arith.maximumf %get3A_917, %max3A_919 : vector<16xf32>
        %min3A_921 = arith.constant 2.000000e+01 : f32
        %min3A_922 = vector.broadcast %min3A_921 : f32 to vector<16xf32>
        %min3A_923 = arith.minimumf %max3A_920, %min3A_922 : vector<16xf32>
        %sub3A_924 = arith.constant -2.000000e+01 : f32
        %sub3A_925 = vector.broadcast %sub3A_924 : f32 to vector<16xf32>
        %sub3A_926 = arith.subf %min3A_923, %sub3A_925 : vector<16xf32>
        %div3A_927 = arith.constant 0.157480314 : f32
        %div3A_928 = vector.broadcast %div3A_927 : f32 to vector<16xf32>
        %div3A_929 = arith.divf %sub3A_926, %div3A_928 : vector<16xf32>
        %convert_element_type3A_930 = arith.fptosi %div3A_929 : vector<16xf32> to vector<16xi32>
        %convert_element_type3A_931 = arith.sitofp %convert_element_type3A_930 : vector<16xi32> to vector<16xf32>
        %sub3A_932 = arith.subf %div3A_929, %convert_element_type3A_931 : vector<16xf32>
        %sub3A_933 = arith.constant 1.000000e+00 : f32
        %sub3A_934 = vector.broadcast %sub3A_933 : f32 to vector<16xf32>
        %sub3A_935 = arith.subf %sub3A_934, %sub3A_932 : vector<16xf32>
        %add3A_936 = arith.constant 1 : i32
        %add3A_937 = vector.broadcast %add3A_936 : i32 to vector<16xi32>
        %add3A_938 = arith.addi %convert_element_type3A_930, %add3A_937 : vector<16xi32>
        %min3A_939 = arith.constant 254 : i32
        %min3A_940 = vector.broadcast %min3A_939 : i32 to vector<16xi32>
        %min3A_941 = arith.minsi %add3A_938, %min3A_940 : vector<16xi32>
        %iota3A_942 = tpu.iota {dimensions = array<i32: 0>} : vector<16xi32>
        %add3A_943 = arith.constant 0 : i32
        %add3A_944 = vector.broadcast %add3A_943 : i32 to vector<16xi32>
        %add3A_945 = arith.addi %iota3A_942, %add3A_944 : vector<16xi32>
        tpu.vector_store_idx %arg19[%add3A_945, %convert_element_type3A_930], %broadcast_in_dim3A_911 : memref<16x255xf32, #tpu.memory_space<vmem>>[vector<16xi32>, vector<16xi32>], vector<16xf32>,
        tpu.vector_store_idx %arg19[%add3A_945, %min3A_941], %broadcast_in_dim3A_911 : memref<16x255xf32, #tpu.memory_space<vmem>>[vector<16xi32>, vector<16xi32>], vector<16xf32>,
      } else {
      }
      %mul3A_809 = arith.constant 16 : i32
      %mul3A_810 = arith.muli %add3A_803, %mul3A_809 : i32
      %add3A_811 = arith.constant 0 : i32
      %add3A_812 = arith.addi %mul3A_810, %add3A_811 : i32
      %get3A_813 = arith.index_cast %add3A_812 : i32 to index
      %get3A_814 = tpu.vector_load %arg4[%get3A_813] {strides = array<i32>} : memref<8192xf32, #tpu.memory_space<vmem>>, vector<16xf32>,
      %max3A_815 = arith.constant -2.000000e+01 : f32
      %max3A_816 = vector.broadcast %max3A_815 : f32 to vector<16xf32>
      %max3A_817 = arith.maximumf %get3A_814, %max3A_816 : vector<16xf32>
      %min3A_818 = arith.constant 2.000000e+01 : f32
      %min3A_819 = vector.broadcast %min3A_818 : f32 to vector<16xf32>
      %min3A_820 = arith.minimumf %max3A_817, %min3A_819 : vector<16xf32>
      %sub3A_821 = arith.constant -2.000000e+01 : f32
      %sub3A_822 = vector.broadcast %sub3A_821 : f32 to vector<16xf32>
      %sub3A_823 = arith.subf %min3A_820, %sub3A_822 : vector<16xf32>
      %div3A_824 = arith.constant 0.157480314 : f32
      %div3A_825 = vector.broadcast %div3A_824 : f32 to vector<16xf32>
      %div3A_826 = arith.divf %sub3A_823, %div3A_825 : vector<16xf32>
      %convert_element_type3A_827 = arith.fptosi %div3A_826 : vector<16xf32> to vector<16xi32>
      %convert_element_type3A_828 = arith.sitofp %convert_element_type3A_827 : vector<16xi32> to vector<16xf32>
      %sub3A_829 = arith.subf %div3A_826, %convert_element_type3A_828 : vector<16xf32>
      %sub3A_830 = arith.constant 1.000000e+00 : f32
      %sub3A_831 = vector.broadcast %sub3A_830 : f32 to vector<16xf32>
      %sub3A_832 = arith.subf %sub3A_831, %sub3A_829 : vector<16xf32>
      %add3A_833 = arith.constant 1 : i32
      %add3A_834 = vector.broadcast %add3A_833 : i32 to vector<16xi32>
      %add3A_835 = arith.addi %convert_element_type3A_827, %add3A_834 : vector<16xi32>
      %min3A_836 = arith.constant 254 : i32
      %min3A_837 = vector.broadcast %min3A_836 : i32 to vector<16xi32>
      %min3A_838 = arith.minsi %add3A_835, %min3A_837 : vector<16xi32>
      %iota3A_839 = tpu.iota {dimensions = array<i32: 0>} : vector<16xi32>
      %add3A_840 = arith.constant 0 : i32
      %add3A_841 = vector.broadcast %add3A_840 : i32 to vector<16xi32>
      %add3A_842 = arith.addi %iota3A_839, %add3A_841 : vector<16xi32>
      tpu.vector_store_idx %arg19[%add3A_842, %convert_element_type3A_827], %sub3A_832 : memref<16x255xf32, #tpu.memory_space<vmem>>[vector<16xi32>, vector<16xi32>], vector<16xf32>,
      tpu.vector_store_idx %arg19[%add3A_842, %min3A_838], %sub3A_829 {add = true} : memref<16x255xf32, #tpu.memory_space<vmem>>[vector<16xi32>, vector<16xi32>], vector<16xf32>,
      %mul3A_843 = arith.constant 16 : i32
      %mul3A_844 = arith.muli %add3A_803, %mul3A_843 : i32
      %add3A_845 = arith.addi %mul3A_2, %mul3A_844 : i32
      %dma_start3A_846 = arith.constant 0 : i32
      %dma_start3A_847 = tpu.memref_slice %arg3[%add3A_845, %dma_start3A_846] : memref<262144x255xf32, #tpu.memory_space<hbm>> -> memref<16x255xf32, #tpu.memory_space<hbm>>
      %dma_start3A_848 = arith.constant 0 : i32
      %dma_start3A_849 = tpu.memref_slice %arg3[%add3A_845, %dma_start3A_848] : memref<262144x255xf32, #tpu.memory_space<hbm>> -> memref<16x255xf32, #tpu.memory_space<hbm>>
      tpu.enqueue_dma source(%arg19 : memref<16x255xf32, #tpu.memory_space<vmem>>) target(%dma_start3A_849 : memref<16x255xf32, #tpu.memory_space<hbm>>) target_semaphore(%arg35 : memref<!tpu.dma_semaphore, #tpu.memory_space<semaphore_mem>>)
      %mul3A_850 = arith.constant 16 : i32
      %mul3A_851 = arith.muli %scan3A_109, %mul3A_850 : i32
      %add3A_852 = arith.constant 15 : i32
      %add3A_853 = arith.addi %mul3A_851, %add3A_852 : i32
      %gt3A_854 = arith.constant 0 : i32
      %gt3A_855 = arith.cmpi sgt, %scan3A_109, %gt3A_854 : i32
      %convert_element_type3A_856 = arith.extui %gt3A_855 : i1 to i32
      %cond3A_857 = arith.constant 0 : i32
      %cond3A_858 = arith.cmpi ne, %convert_element_type3A_856, %cond3A_857 : i32
      scf.if %cond3A_858 {
        %sub3A_900 = arith.constant 16 : i32
        %sub3A_901 = arith.subi %add3A_853, %sub3A_900 : i32
        %mul3A_902 = arith.constant 16 : i32
        %mul3A_903 = arith.muli %sub3A_901, %mul3A_902 : i32
        %add3A_904 = arith.addi %mul3A_2, %mul3A_903 : i32
        %dma_wait3A_905 = arith.constant 0 : i32
        %dma_wait3A_906 = tpu.memref_slice %arg3[%add3A_904, %dma_wait3A_905] : memref<262144x255xf32, #tpu.memory_space<hbm>> -> memref<16x255xf32, #tpu.memory_space<hbm>>
        %dma_wait3A_907 = arith.constant 0 : i32
        %dma_wait3A_908 = tpu.memref_slice %arg3[%add3A_904, %dma_wait3A_907] : memref<262144x255xf32, #tpu.memory_space<hbm>> -> memref<16x255xf32, #tpu.memory_space<hbm>>
        tpu.wait_dma2 semaphore(%arg36 : memref<!tpu.dma_semaphore, #tpu.memory_space<semaphore_mem>>) src(%arg20 : memref<16x255xf32, #tpu.memory_space<vmem>>) dst(%dma_wait3A_908 : memref<16x255xf32, #tpu.memory_space<hbm>>)
        %sub3A_909 = arith.constant 16 : i32
        %sub3A_910 = arith.subi %add3A_853, %sub3A_909 : i32
        %broadcast_in_dim3A = arith.constant 0.000000e+00 : f32
        %broadcast_in_dim3A_911 = vector.broadcast %broadcast_in_dim3A : f32 to vector<16xf32>
        %mul3A_912 = arith.constant 16 : i32
        %mul3A_913 = arith.muli %sub3A_910, %mul3A_912 : i32
        %add3A_914 = arith.constant 0 : i32
        %add3A_915 = arith.addi %mul3A_913, %add3A_914 : i32
        %get3A_916 = arith.index_cast %add3A_915 : i32 to index
        %get3A_917 = tpu.vector_load %arg4[%get3A_916] {strides = array<i32>} : memref<8192xf32, #tpu.memory_space<vmem>>, vector<16xf32>,
        %max3A_918 = arith.constant -2.000000e+01 : f32
        %max3A_919 = vector.broadcast %max3A_918 : f32 to vector<16xf32>
        %max3A_920 = arith.maximumf %get3A_917, %max3A_919 : vector<16xf32>
        %min3A_921 = arith.constant 2.000000e+01 : f32
        %min3A_922 = vector.broadcast %min3A_921 : f32 to vector<16xf32>
        %min3A_923 = arith.minimumf %max3A_920, %min3A_922 : vector<16xf32>
        %sub3A_924 = arith.constant -2.000000e+01 : f32
        %sub3A_925 = vector.broadcast %sub3A_924 : f32 to vector<16xf32>
        %sub3A_926 = arith.subf %min3A_923, %sub3A_925 : vector<16xf32>
        %div3A_927 = arith.constant 0.157480314 : f32
        %div3A_928 = vector.broadcast %div3A_927 : f32 to vector<16xf32>
        %div3A_929 = arith.divf %sub3A_926, %div3A_928 : vector<16xf32>
        %convert_element_type3A_930 = arith.fptosi %div3A_929 : vector<16xf32> to vector<16xi32>
        %convert_element_type3A_931 = arith.sitofp %convert_element_type3A_930 : vector<16xi32> to vector<16xf32>
        %sub3A_932 = arith.subf %div3A_929, %convert_element_type3A_931 : vector<16xf32>
        %sub3A_933 = arith.constant 1.000000e+00 : f32
        %sub3A_934 = vector.broadcast %sub3A_933 : f32 to vector<16xf32>
        %sub3A_935 = arith.subf %sub3A_934, %sub3A_932 : vector<16xf32>
        %add3A_936 = arith.constant 1 : i32
        %add3A_937 = vector.broadcast %add3A_936 : i32 to vector<16xi32>
        %add3A_938 = arith.addi %convert_element_type3A_930, %add3A_937 : vector<16xi32>
        %min3A_939 = arith.constant 254 : i32
        %min3A_940 = vector.broadcast %min3A_939 : i32 to vector<16xi32>
        %min3A_941 = arith.minsi %add3A_938, %min3A_940 : vector<16xi32>
        %iota3A_942 = tpu.iota {dimensions = array<i32: 0>} : vector<16xi32>
        %add3A_943 = arith.constant 0 : i32
        %add3A_944 = vector.broadcast %add3A_943 : i32 to vector<16xi32>
        %add3A_945 = arith.addi %iota3A_942, %add3A_944 : vector<16xi32>
        tpu.vector_store_idx %arg20[%add3A_945, %convert_element_type3A_930], %broadcast_in_dim3A_911 : memref<16x255xf32, #tpu.memory_space<vmem>>[vector<16xi32>, vector<16xi32>], vector<16xf32>,
        tpu.vector_store_idx %arg20[%add3A_945, %min3A_941], %broadcast_in_dim3A_911 : memref<16x255xf32, #tpu.memory_space<vmem>>[vector<16xi32>, vector<16xi32>], vector<16xf32>,
      } else {
      }
      %mul3A_859 = arith.constant 16 : i32
      %mul3A_860 = arith.muli %add3A_853, %mul3A_859 : i32
      %add3A_861 = arith.constant 0 : i32
      %add3A_862 = arith.addi %mul3A_860, %add3A_861 : i32
      %get3A_863 = arith.index_cast %add3A_862 : i32 to index
      %get3A_864 = tpu.vector_load %arg4[%get3A_863] {strides = array<i32>} : memref<8192xf32, #tpu.memory_space<vmem>>, vector<16xf32>,
      %max3A_865 = arith.constant -2.000000e+01 : f32
      %max3A_866 = vector.broadcast %max3A_865 : f32 to vector<16xf32>
      %max3A_867 = arith.maximumf %get3A_864, %max3A_866 : vector<16xf32>
      %min3A_868 = arith.constant 2.000000e+01 : f32
      %min3A_869 = vector.broadcast %min3A_868 : f32 to vector<16xf32>
      %min3A_870 = arith.minimumf %max3A_867, %min3A_869 : vector<16xf32>
      %sub3A_871 = arith.constant -2.000000e+01 : f32
      %sub3A_872 = vector.broadcast %sub3A_871 : f32 to vector<16xf32>
      %sub3A_873 = arith.subf %min3A_870, %sub3A_872 : vector<16xf32>
      %div3A_874 = arith.constant 0.157480314 : f32
      %div3A_875 = vector.broadcast %div3A_874 : f32 to vector<16xf32>
      %div3A_876 = arith.divf %sub3A_873, %div3A_875 : vector<16xf32>
      %convert_element_type3A_877 = arith.fptosi %div3A_876 : vector<16xf32> to vector<16xi32>
      %convert_element_type3A_878 = arith.sitofp %convert_element_type3A_877 : vector<16xi32> to vector<16xf32>
      %sub3A_879 = arith.subf %div3A_876, %convert_element_type3A_878 : vector<16xf32>
      %sub3A_880 = arith.constant 1.000000e+00 : f32
      %sub3A_881 = vector.broadcast %sub3A_880 : f32 to vector<16xf32>
      %sub3A_882 = arith.subf %sub3A_881, %sub3A_879 : vector<16xf32>
      %add3A_883 = arith.constant 1 : i32
      %add3A_884 = vector.broadcast %add3A_883 : i32 to vector<16xi32>
      %add3A_885 = arith.addi %convert_element_type3A_877, %add3A_884 : vector<16xi32>
      %min3A_886 = arith.constant 254 : i32
      %min3A_887 = vector.broadcast %min3A_886 : i32 to vector<16xi32>
      %min3A_888 = arith.minsi %add3A_885, %min3A_887 : vector<16xi32>
      %iota3A_889 = tpu.iota {dimensions = array<i32: 0>} : vector<16xi32>
      %add3A_890 = arith.constant 0 : i32
      %add3A_891 = vector.broadcast %add3A_890 : i32 to vector<16xi32>
      %add3A_892 = arith.addi %iota3A_889, %add3A_891 : vector<16xi32>
      tpu.vector_store_idx %arg20[%add3A_892, %convert_element_type3A_877], %sub3A_882 : memref<16x255xf32, #tpu.memory_space<vmem>>[vector<16xi32>, vector<16xi32>], vector<16xf32>,
      tpu.vector_store_idx %arg20[%add3A_892, %min3A_888], %sub3A_879 {add = true} : memref<16x255xf32, #tpu.memory_space<vmem>>[vector<16xi32>, vector<16xi32>], vector<16xf32>,
      %mul3A_893 = arith.constant 16 : i32
      %mul3A_894 = arith.muli %add3A_853, %mul3A_893 : i32
      %add3A_895 = arith.addi %mul3A_2, %mul3A_894 : i32
      %dma_start3A_896 = arith.constant 0 : i32
      %dma_start3A_897 = tpu.memref_slice %arg3[%add3A_895, %dma_start3A_896] : memref<262144x255xf32, #tpu.memory_space<hbm>> -> memref<16x255xf32, #tpu.memory_space<hbm>>
      %dma_start3A_898 = arith.constant 0 : i32
      %dma_start3A_899 = tpu.memref_slice %arg3[%add3A_895, %dma_start3A_898] : memref<262144x255xf32, #tpu.memory_space<hbm>> -> memref<16x255xf32, #tpu.memory_space<hbm>>
      tpu.enqueue_dma source(%arg20 : memref<16x255xf32, #tpu.memory_space<vmem>>) target(%dma_start3A_899 : memref<16x255xf32, #tpu.memory_space<hbm>>) target_semaphore(%arg36 : memref<!tpu.dma_semaphore, #tpu.memory_space<semaphore_mem>>)
    }
    %scan3A_13 = arith.constant 32 : i32
    %add3A_14 = arith.constant 7936 : i32
    %add3A_15 = arith.addi %mul3A_2, %add3A_14 : i32
    %dma_wait3A = arith.constant 0 : i32
    %dma_wait3A_16 = tpu.memref_slice %arg3[%add3A_15, %dma_wait3A] : memref<262144x255xf32, #tpu.memory_space<hbm>> -> memref<16x255xf32, #tpu.memory_space<hbm>>
    %dma_wait3A_17 = arith.constant 0 : i32
    %dma_wait3A_18 = tpu.memref_slice %arg3[%add3A_15, %dma_wait3A_17] : memref<262144x255xf32, #tpu.memory_space<hbm>> -> memref<16x255xf32, #tpu.memory_space<hbm>>
    tpu.wait_dma2 semaphore(%arg21 : memref<!tpu.dma_semaphore, #tpu.memory_space<semaphore_mem>>) src(%arg5 : memref<16x255xf32, #tpu.memory_space<vmem>>) dst(%dma_wait3A_18 : memref<16x255xf32, #tpu.memory_space<hbm>>)
    %add3A_19 = arith.constant 7952 : i32
    %add3A_20 = arith.addi %mul3A_2, %add3A_19 : i32
    %dma_wait3A_21 = arith.constant 0 : i32
    %dma_wait3A_22 = tpu.memref_slice %arg3[%add3A_20, %dma_wait3A_21] : memref<262144x255xf32, #tpu.memory_space<hbm>> -> memref<16x255xf32, #tpu.memory_space<hbm>>
    %dma_wait3A_23 = arith.constant 0 : i32
    %dma_wait3A_24 = tpu.memref_slice %arg3[%add3A_20, %dma_wait3A_23] : memref<262144x255xf32, #tpu.memory_space<hbm>> -> memref<16x255xf32, #tpu.memory_space<hbm>>
    tpu.wait_dma2 semaphore(%arg22 : memref<!tpu.dma_semaphore, #tpu.memory_space<semaphore_mem>>) src(%arg6 : memref<16x255xf32, #tpu.memory_space<vmem>>) dst(%dma_wait3A_24 : memref<16x255xf32, #tpu.memory_space<hbm>>)
    %add3A_25 = arith.constant 7968 : i32
    %add3A_26 = arith.addi %mul3A_2, %add3A_25 : i32
    %dma_wait3A_27 = arith.constant 0 : i32
    %dma_wait3A_28 = tpu.memref_slice %arg3[%add3A_26, %dma_wait3A_27] : memref<262144x255xf32, #tpu.memory_space<hbm>> -> memref<16x255xf32, #tpu.memory_space<hbm>>
    %dma_wait3A_29 = arith.constant 0 : i32
    %dma_wait3A_30 = tpu.memref_slice %arg3[%add3A_26, %dma_wait3A_29] : memref<262144x255xf32, #tpu.memory_space<hbm>> -> memref<16x255xf32, #tpu.memory_space<hbm>>
    tpu.wait_dma2 semaphore(%arg23 : memref<!tpu.dma_semaphore, #tpu.memory_space<semaphore_mem>>) src(%arg7 : memref<16x255xf32, #tpu.memory_space<vmem>>) dst(%dma_wait3A_30 : memref<16x255xf32, #tpu.memory_space<hbm>>)
    %add3A_31 = arith.constant 7984 : i32
    %add3A_32 = arith.addi %mul3A_2, %add3A_31 : i32
    %dma_wait3A_33 = arith.constant 0 : i32
    %dma_wait3A_34 = tpu.memref_slice %arg3[%add3A_32, %dma_wait3A_33] : memref<262144x255xf32, #tpu.memory_space<hbm>> -> memref<16x255xf32, #tpu.memory_space<hbm>>
    %dma_wait3A_35 = arith.constant 0 : i32
    %dma_wait3A_36 = tpu.memref_slice %arg3[%add3A_32, %dma_wait3A_35] : memref<262144x255xf32, #tpu.memory_space<hbm>> -> memref<16x255xf32, #tpu.memory_space<hbm>>
    tpu.wait_dma2 semaphore(%arg24 : memref<!tpu.dma_semaphore, #tpu.memory_space<semaphore_mem>>) src(%arg8 : memref<16x255xf32, #tpu.memory_space<vmem>>) dst(%dma_wait3A_36 : memref<16x255xf32, #tpu.memory_space<hbm>>)
    %add3A_37 = arith.constant 8000 : i32
    %add3A_38 = arith.addi %mul3A_2, %add3A_37 : i32
    %dma_wait3A_39 = arith.constant 0 : i32
    %dma_wait3A_40 = tpu.memref_slice %arg3[%add3A_38, %dma_wait3A_39] : memref<262144x255xf32, #tpu.memory_space<hbm>> -> memref<16x255xf32, #tpu.memory_space<hbm>>
    %dma_wait3A_41 = arith.constant 0 : i32
    %dma_wait3A_42 = tpu.memref_slice %arg3[%add3A_38, %dma_wait3A_41] : memref<262144x255xf32, #tpu.memory_space<hbm>> -> memref<16x255xf32, #tpu.memory_space<hbm>>
    tpu.wait_dma2 semaphore(%arg25 : memref<!tpu.dma_semaphore, #tpu.memory_space<semaphore_mem>>) src(%arg9 : memref<16x255xf32, #tpu.memory_space<vmem>>) dst(%dma_wait3A_42 : memref<16x255xf32, #tpu.memory_space<hbm>>)
    %add3A_43 = arith.constant 8016 : i32
    %add3A_44 = arith.addi %mul3A_2, %add3A_43 : i32
    %dma_wait3A_45 = arith.constant 0 : i32
    %dma_wait3A_46 = tpu.memref_slice %arg3[%add3A_44, %dma_wait3A_45] : memref<262144x255xf32, #tpu.memory_space<hbm>> -> memref<16x255xf32, #tpu.memory_space<hbm>>
    %dma_wait3A_47 = arith.constant 0 : i32
    %dma_wait3A_48 = tpu.memref_slice %arg3[%add3A_44, %dma_wait3A_47] : memref<262144x255xf32, #tpu.memory_space<hbm>> -> memref<16x255xf32, #tpu.memory_space<hbm>>
    tpu.wait_dma2 semaphore(%arg26 : memref<!tpu.dma_semaphore, #tpu.memory_space<semaphore_mem>>) src(%arg10 : memref<16x255xf32, #tpu.memory_space<vmem>>) dst(%dma_wait3A_48 : memref<16x255xf32, #tpu.memory_space<hbm>>)
    %add3A_49 = arith.constant 8032 : i32
    %add3A_50 = arith.addi %mul3A_2, %add3A_49 : i32
    %dma_wait3A_51 = arith.constant 0 : i32
    %dma_wait3A_52 = tpu.memref_slice %arg3[%add3A_50, %dma_wait3A_51] : memref<262144x255xf32, #tpu.memory_space<hbm>> -> memref<16x255xf32, #tpu.memory_space<hbm>>
    %dma_wait3A_53 = arith.constant 0 : i32
    %dma_wait3A_54 = tpu.memref_slice %arg3[%add3A_50, %dma_wait3A_53] : memref<262144x255xf32, #tpu.memory_space<hbm>> -> memref<16x255xf32, #tpu.memory_space<hbm>>
    tpu.wait_dma2 semaphore(%arg27 : memref<!tpu.dma_semaphore, #tpu.memory_space<semaphore_mem>>) src(%arg11 : memref<16x255xf32, #tpu.memory_space<vmem>>) dst(%dma_wait3A_54 : memref<16x255xf32, #tpu.memory_space<hbm>>)
    %add3A_55 = arith.constant 8048 : i32
    %add3A_56 = arith.addi %mul3A_2, %add3A_55 : i32
    %dma_wait3A_57 = arith.constant 0 : i32
    %dma_wait3A_58 = tpu.memref_slice %arg3[%add3A_56, %dma_wait3A_57] : memref<262144x255xf32, #tpu.memory_space<hbm>> -> memref<16x255xf32, #tpu.memory_space<hbm>>
    %dma_wait3A_59 = arith.constant 0 : i32
    %dma_wait3A_60 = tpu.memref_slice %arg3[%add3A_56, %dma_wait3A_59] : memref<262144x255xf32, #tpu.memory_space<hbm>> -> memref<16x255xf32, #tpu.memory_space<hbm>>
    tpu.wait_dma2 semaphore(%arg28 : memref<!tpu.dma_semaphore, #tpu.memory_space<semaphore_mem>>) src(%arg12 : memref<16x255xf32, #tpu.memory_space<vmem>>) dst(%dma_wait3A_60 : memref<16x255xf32, #tpu.memory_space<hbm>>)
    %add3A_61 = arith.constant 8064 : i32
    %add3A_62 = arith.addi %mul3A_2, %add3A_61 : i32
    %dma_wait3A_63 = arith.constant 0 : i32
    %dma_wait3A_64 = tpu.memref_slice %arg3[%add3A_62, %dma_wait3A_63] : memref<262144x255xf32, #tpu.memory_space<hbm>> -> memref<16x255xf32, #tpu.memory_space<hbm>>
    %dma_wait3A_65 = arith.constant 0 : i32
    %dma_wait3A_66 = tpu.memref_slice %arg3[%add3A_62, %dma_wait3A_65] : memref<262144x255xf32, #tpu.memory_space<hbm>> -> memref<16x255xf32, #tpu.memory_space<hbm>>
    tpu.wait_dma2 semaphore(%arg29 : memref<!tpu.dma_semaphore, #tpu.memory_space<semaphore_mem>>) src(%arg13 : memref<16x255xf32, #tpu.memory_space<vmem>>) dst(%dma_wait3A_66 : memref<16x255xf32, #tpu.memory_space<hbm>>)
    %add3A_67 = arith.constant 8080 : i32
    %add3A_68 = arith.addi %mul3A_2, %add3A_67 : i32
    %dma_wait3A_69 = arith.constant 0 : i32
    %dma_wait3A_70 = tpu.memref_slice %arg3[%add3A_68, %dma_wait3A_69] : memref<262144x255xf32, #tpu.memory_space<hbm>> -> memref<16x255xf32, #tpu.memory_space<hbm>>
    %dma_wait3A_71 = arith.constant 0 : i32
    %dma_wait3A_72 = tpu.memref_slice %arg3[%add3A_68, %dma_wait3A_71] : memref<262144x255xf32, #tpu.memory_space<hbm>> -> memref<16x255xf32, #tpu.memory_space<hbm>>
    tpu.wait_dma2 semaphore(%arg30 : memref<!tpu.dma_semaphore, #tpu.memory_space<semaphore_mem>>) src(%arg14 : memref<16x255xf32, #tpu.memory_space<vmem>>) dst(%dma_wait3A_72 : memref<16x255xf32, #tpu.memory_space<hbm>>)
    %add3A_73 = arith.constant 8096 : i32
    %add3A_74 = arith.addi %mul3A_2, %add3A_73 : i32
    %dma_wait3A_75 = arith.constant 0 : i32
    %dma_wait3A_76 = tpu.memref_slice %arg3[%add3A_74, %dma_wait3A_75] : memref<262144x255xf32, #tpu.memory_space<hbm>> -> memref<16x255xf32, #tpu.memory_space<hbm>>
    %dma_wait3A_77 = arith.constant 0 : i32
    %dma_wait3A_78 = tpu.memref_slice %arg3[%add3A_74, %dma_wait3A_77] : memref<262144x255xf32, #tpu.memory_space<hbm>> -> memref<16x255xf32, #tpu.memory_space<hbm>>
    tpu.wait_dma2 semaphore(%arg31 : memref<!tpu.dma_semaphore, #tpu.memory_space<semaphore_mem>>) src(%arg15 : memref<16x255xf32, #tpu.memory_space<vmem>>) dst(%dma_wait3A_78 : memref<16x255xf32, #tpu.memory_space<hbm>>)
    %add3A_79 = arith.constant 8112 : i32
    %add3A_80 = arith.addi %mul3A_2, %add3A_79 : i32
    %dma_wait3A_81 = arith.constant 0 : i32
    %dma_wait3A_82 = tpu.memref_slice %arg3[%add3A_80, %dma_wait3A_81] : memref<262144x255xf32, #tpu.memory_space<hbm>> -> memref<16x255xf32, #tpu.memory_space<hbm>>
    %dma_wait3A_83 = arith.constant 0 : i32
    %dma_wait3A_84 = tpu.memref_slice %arg3[%add3A_80, %dma_wait3A_83] : memref<262144x255xf32, #tpu.memory_space<hbm>> -> memref<16x255xf32, #tpu.memory_space<hbm>>
    tpu.wait_dma2 semaphore(%arg32 : memref<!tpu.dma_semaphore, #tpu.memory_space<semaphore_mem>>) src(%arg16 : memref<16x255xf32, #tpu.memory_space<vmem>>) dst(%dma_wait3A_84 : memref<16x255xf32, #tpu.memory_space<hbm>>)
    %add3A_85 = arith.constant 8128 : i32
    %add3A_86 = arith.addi %mul3A_2, %add3A_85 : i32
    %dma_wait3A_87 = arith.constant 0 : i32
    %dma_wait3A_88 = tpu.memref_slice %arg3[%add3A_86, %dma_wait3A_87] : memref<262144x255xf32, #tpu.memory_space<hbm>> -> memref<16x255xf32, #tpu.memory_space<hbm>>
    %dma_wait3A_89 = arith.constant 0 : i32
    %dma_wait3A_90 = tpu.memref_slice %arg3[%add3A_86, %dma_wait3A_89] : memref<262144x255xf32, #tpu.memory_space<hbm>> -> memref<16x255xf32, #tpu.memory_space<hbm>>
    tpu.wait_dma2 semaphore(%arg33 : memref<!tpu.dma_semaphore, #tpu.memory_space<semaphore_mem>>) src(%arg17 : memref<16x255xf32, #tpu.memory_space<vmem>>) dst(%dma_wait3A_90 : memref<16x255xf32, #tpu.memory_space<hbm>>)
    %add3A_91 = arith.constant 8144 : i32
    %add3A_92 = arith.addi %mul3A_2, %add3A_91 : i32
    %dma_wait3A_93 = arith.constant 0 : i32
    %dma_wait3A_94 = tpu.memref_slice %arg3[%add3A_92, %dma_wait3A_93] : memref<262144x255xf32, #tpu.memory_space<hbm>> -> memref<16x255xf32, #tpu.memory_space<hbm>>
    %dma_wait3A_95 = arith.constant 0 : i32
    %dma_wait3A_96 = tpu.memref_slice %arg3[%add3A_92, %dma_wait3A_95] : memref<262144x255xf32, #tpu.memory_space<hbm>> -> memref<16x255xf32, #tpu.memory_space<hbm>>
    tpu.wait_dma2 semaphore(%arg34 : memref<!tpu.dma_semaphore, #tpu.memory_space<semaphore_mem>>) src(%arg18 : memref<16x255xf32, #tpu.memory_space<vmem>>) dst(%dma_wait3A_96 : memref<16x255xf32, #tpu.memory_space<hbm>>)
    %add3A_97 = arith.constant 8160 : i32
    %add3A_98 = arith.addi %mul3A_2, %add3A_97 : i32
    %dma_wait3A_99 = arith.constant 0 : i32
    %dma_wait3A_100 = tpu.memref_slice %arg3[%add3A_98, %dma_wait3A_99] : memref<262144x255xf32, #tpu.memory_space<hbm>> -> memref<16x255xf32, #tpu.memory_space<hbm>>
    %dma_wait3A_101 = arith.constant 0 : i32
    %dma_wait3A_102 = tpu.memref_slice %arg3[%add3A_98, %dma_wait3A_101] : memref<262144x255xf32, #tpu.memory_space<hbm>> -> memref<16x255xf32, #tpu.memory_space<hbm>>
    tpu.wait_dma2 semaphore(%arg35 : memref<!tpu.dma_semaphore, #tpu.memory_space<semaphore_mem>>) src(%arg19 : memref<16x255xf32, #tpu.memory_space<vmem>>) dst(%dma_wait3A_102 : memref<16x255xf32, #tpu.memory_space<hbm>>)
    %add3A_103 = arith.constant 8176 : i32
    %add3A_104 = arith.addi %mul3A_2, %add3A_103 : i32
    %dma_wait3A_105 = arith.constant 0 : i32
    %dma_wait3A_106 = tpu.memref_slice %arg3[%add3A_104, %dma_wait3A_105] : memref<262144x255xf32, #tpu.memory_space<hbm>> -> memref<16x255xf32, #tpu.memory_space<hbm>>
    %dma_wait3A_107 = arith.constant 0 : i32
    %dma_wait3A_108 = tpu.memref_slice %arg3[%add3A_104, %dma_wait3A_107] : memref<262144x255xf32, #tpu.memory_space<hbm>> -> memref<16x255xf32, #tpu.memory_space<hbm>>
    tpu.wait_dma2 semaphore(%arg36 : memref<!tpu.dma_semaphore, #tpu.memory_space<semaphore_mem>>) src(%arg20 : memref<16x255xf32, #tpu.memory_space<vmem>>) dst(%dma_wait3A_108 : memref<16x255xf32, #tpu.memory_space<hbm>>)
    return
  }
}

</mosaic_0001>

<sc_bundles>
// kernel: kernel.3.cloned.1.call-start
scs
__scs_entry_jumppad:
0x0: {  	(pc) =	sbr.rel $0x88, $3  }
0x1: {  	(tag) =	ssettag $0x0;
	lr =	simm.s32 $0x1  }
0x2: {  	[smem:$0x3FA0] =	sst lr;
	_ =	strace $0xD0000000  }
0x3: {  	_ = 	snop  }
0x4: {  	_ = 	snop  }
0x5: {  	_ = 	snop  }
0x6: {  	_ = 	snop  }
0x7: {  	_ = 	snop  }
__scs_overlays_trampoline_lowered:
0x8: {  	[smem:$0x3FAF] =	sst s0  }
0x9: {  	[smem:$0x3FB0] =	sst s1  }
0xa: {  	[smem:$0x3FB1] =	sst s2  }
0xb: {  	[smem:$0x3FB2] =	sst s3  }
0xc: {  	[smem:$0x3FB3] =	sst s4  }
0xd: {  	[smem:$0x3FB4] =	sst s5  }
0xe: {  	[smem:$0x3FB5] =	sst s6  }
0xf: {  	[smem:$0x3FB6] =	sst s7  }
0x10: {  	[smem:$0x3FB7] =	sst s8  }
0x11: {  	[smem:$0x3FB8] =	sst s9;
	s0 =	simm.s32 @!p0 $0x0  }
0x12: {  	s1 =	sld [smem:$0x3F9E];
	s0 =	simm.s32 @p0 $0x1  }
0x13: {  	[smem:$0x3FB9] =	sst s0;
	s0 =	simm.s32 @!p1 $0x0  }
0x14: {  	s2 =	sld [smem:$0x3F9D];
	s0 =	simm.s32 @p1 $0x1  }
0x15: {  	[smem:$0x3FBA] =	sst s0;
	s0 =	simm.s32 @!p2 $0x0  }
0x16: {  	s3 =	sld [smem:$0x3FDB];
	s0 =	simm.s32 @p2 $0x1  }
0x17: {  	s4 =	simm.s32 $0x1BF5;
	[smem:$0x3FBC] =	sst s0  }
0x18: {  	s0 =	sld [smem:$0x3F9F];
	_ =	swait.ge [sflag:s4], $0x0  }
0x19: {  	s7 =	sld [smem:$0x3FA0]  }
0x1a: {  	s8 =	sadd.s32 $0xFFFFE003, lr  }
0x1b: {  	s9 =	sadd.s32 $0xFFFFFEF7, lr;
	s5 =	simm.s32 $0xFFFFFFFF;
	p2 =	slt.u32 s8, $0xFFFFF086  }
0x1c: {  	p1 =	slt.u32 s9, $0xF7A;
	s5 =	simm.s32 @!p2 $0x0  }
0x1d: {  	s5 =	simm.s32 @p1 $0x1;
	p0 =	seq.s32 s7, s2  }
0x1e: {  	s7 =	smul.u32 @!p0 $0xF7A, s2;
	p2 =	seq.s32 @!p0 s5, $0x0  }
0x1f: {  	s9 =	smul.u32 $0xF7A, s1;
	s8 =	simm.s32 @!p0 $0x1BF5;
	p2 =	por !p2, p0  }
0x20: {  	[sflag:s8] =	ssyncset.s32 @!p0 $0xFFFFF086;
	s6 =	sadd.s32 @!p0 s3, s7;
	s7 =	simm.s32 @!p0 $0x108  }
0x21: {  	s3 =	sadd.s32 s3, s9;
	s6 =	sadd.s32 @!p0 $0x88, s6;
	s7 =	simm.s32 @p2 $0x1082  }
0x22: {  	[simem:s7], [sflag:s8] =	dma.local @!p0 [hbm:s6], $0xF7A  }
0x23: {  	s9 =	sor.u32 $0xD0000000, s2;
	s6 =	simm.s32 $0x108;
	_ =	swait.ge @!p0 [sflag:s8], $0x0  }
0x24: {  	s3 =	sadd.s32 $0x88, s3;
	s6 =	simm.s32 @!p1 $0x1082;
	[sflag:s4] =	ssyncset.s32 $0xFFFFF086  }
0x25: {  	[simem:s6], [sflag:s4] =	dma.local [hbm:s3], $0xF7A  }
0x26: {  	[smem:$0x3FA0] =	sst s1;
	(tag) =	ssettag s2;
	_ =	strace s9  }
0x27: {  	s1 =	sld [smem:$0x3FB0]  }
0x28: {  	s2 =	sld [smem:$0x3FB1]  }
0x29: {  	s4 =	sld [smem:$0x3FB3]  }
0x2a: {  	p0 =	seq.s32 s5, $0x0;
	s5 =	sld [smem:$0x3FB4]  }
0x2b: {  	s6 =	sld [smem:$0x3FB5]  }
0x2c: {  	s7 =	sld [smem:$0x3FB6]  }
0x2d: {  	s3 =	simm.s32 $0x108;
	s8 =	sld [smem:$0x3FB7]  }
0x2e: {  	s3 =	simm.s32 @!p0 $0x1082;
	s9 =	sld [smem:$0x3FB8]  }
0x2f: {  	lr =	sadd.s32 s0, s3;
	s0 =	sld [smem:$0x3FAF]  }
0x30: {  	s3 =	sld [smem:$0x3FB2]  }
0x31: {  	[smem:$0x3FBB] =	sst s10  }
0x32: {  	s10 =	sld [smem:$0x3FB9];
	_ =	sdelay $0x3  }
0x33: {  	p0 =	seq.s32 s10, $0x1;
	s10 =	sld [smem:$0x3FBB];
	_ =	sdelay $0x3  }
0x34: {  	[smem:$0x3FBB] =	sst s10  }
0x35: {  	s10 =	sld [smem:$0x3FBA];
	_ =	sdelay $0x3  }
0x36: {  	p1 =	seq.s32 s10, $0x1;
	s10 =	sld [smem:$0x3FBB];
	_ =	sdelay $0x3  }
0x37: {  	[smem:$0x3FBB] =	sst s10  }
0x38: {  	s10 =	sld [smem:$0x3FBC]  }
0x39: {  	_ = 	snop;
	(pc) =	sbr.ind lr, $3  }
0x3a: {  	_ = 	snop  }
0x3b: {  	_ = 	snop  }
0x3c: {  	p2 =	seq.s32 s10, $0x1;
	s10 =	sld [smem:$0x3FBB]  }
0x3d: {  	_ =	shalt  }
0x3e: {  	_ =	shalt  }
0x3f: {  	_ =	shalt  }
0x40: {  	_ =	shalt  }
0x41: {  	_ =	shalt  }
0x42: {  	_ =	shalt  }
0x43: {  	_ =	shalt  }
0x44: {  	_ =	shalt  }
0x45: {  	_ =	shalt  }
0x46: {  	_ =	shalt  }
0x47: {  	_ =	shalt  }
0x48: {  	_ =	shalt  }
0x49: {  	_ =	shalt  }
0x4a: {  	_ =	shalt  }
0x4b: {  	_ =	shalt  }
0x4c: {  	_ =	shalt  }
0x4d: {  	_ =	shalt  }
0x4e: {  	_ =	shalt  }
0x4f: {  	_ =	shalt  }
0x50: {  	_ =	shalt  }
0x51: {  	_ =	shalt  }
0x52: {  	_ =	shalt  }
0x53: {  	_ =	shalt  }
0x54: {  	_ =	shalt  }
0x55: {  	_ =	shalt  }
0x56: {  	_ =	shalt  }
0x57: {  	_ =	shalt  }
0x58: {  	_ =	shalt  }
0x59: {  	_ =	shalt  }
0x5a: {  	_ =	shalt  }
0x5b: {  	_ =	shalt  }
0x5c: {  	_ =	shalt  }
0x5d: {  	_ =	shalt  }
0x5e: {  	_ =	shalt  }
0x5f: {  	_ =	shalt  }
0x60: {  	_ =	shalt  }
0x61: {  	_ =	shalt  }
0x62: {  	_ =	shalt  }
0x63: {  	_ =	shalt  }
0x64: {  	_ =	shalt  }
0x65: {  	_ =	shalt  }
0x66: {  	_ =	shalt  }
0x67: {  	_ =	shalt  }
0x68: {  	_ =	shalt  }
0x69: {  	_ =	shalt  }
0x6a: {  	_ =	shalt  }
0x6b: {  	_ =	shalt  }
0x6c: {  	_ =	shalt  }
0x6d: {  	_ =	shalt  }
0x6e: {  	_ =	shalt  }
0x6f: {  	_ =	shalt  }
0x70: {  	_ =	shalt  }
0x71: {  	_ =	shalt  }
0x72: {  	_ =	shalt  }
0x73: {  	_ =	shalt  }
0x74: {  	_ =	shalt  }
0x75: {  	_ =	shalt  }
0x76: {  	_ =	shalt  }
0x77: {  	_ =	shalt  }
0x78: {  	_ =	shalt  }
0x79: {  	_ =	shalt  }
0x7a: {  	_ =	shalt  }
0x7b: {  	_ =	shalt  }
0x7c: {  	_ =	shalt  }
0x7d: {  	_ =	shalt  }
0x7e: {  	_ =	shalt  }
0x7f: {  	_ =	shalt  }
0x80: {  	_ =	shalt  }
0x81: {  	_ =	shalt  }
0x82: {  	_ =	shalt  }
0x83: {  	_ =	shalt  }
0x84: {  	_ =	shalt  }
0x85: {  	_ =	shalt  }
0x86: {  	_ =	shalt  }
0x87: {  	_ =	shalt  }
.Lfunc_end0:
.L_simem_size_0:
called_computation_lowered:
.L_overlay_start_0:
0x88: {  	s2 =	sld [smem:$0x3FD9]  }
0x89: {  	s3 =	sld [smem:$0x3FFE];
	_ =	sdelay $0x1  }
0x8a: {  	s1 =	srdreg.scid  }
0x8b: {  	s0 =	sand.u32 $0x1, s1  }
0x8c: {  	s18 =	sshll.u32 s0, $0xA;
	s2 =	sadd.s32 s3, s2  }
0x8d: {  	s2 =	sadd.s32 s2, s18  }
0x8e: {  	[smem:$0x3FC7] =	sst s2  }
0x8f: {  	_ = 	snop  }
0x90: {  	s2 =	sld [smem:$0x3FC9]  }
0x91: {  	s19 =	sld [smem:$0x3FD0];
	(tm) =	ssettm $0x1  }
0x92: {  	s4 =	sld [smem:$0x3FFB];
	_ =	sdelay $0x3  }
0x93: {  	_ =	strace s4  }
0x94: {  	s4 =	sld [smem:$0x3FFC];
	_ =	sdelay $0x3  }
0x95: {  	_ =	strace s4  }
0x96: {  	s4 =	sld [smem:$0x3FFD];
	_ =	sdelay $0x3  }
0x97: {  	_ =	strace s4  }
0x98: {  	_ =	strace $0x8FFFFFFF  }
0x99: {  	s20 =	sld [smem:$0x3FDB];
	_ =	sdelay $0x1  }
0x9a: {  	s5 =	simm.s32 $_scs_section_size  }
0x9b: {  	s6 =	simm.s32 $_size__tile_overlayer_lowered;
	s7 =	simm.s32 $_tile_overlayer_lowered  }
0x9c: {  	s23 =	simm.s32 $0x1BFF;
	s22 =	sshll.u32 s7, $0x1;
	s4 =	sadd.s32 s5, s20  }
0x9d: {  	s8 =	simm.s32 $0x0;
	s21 =	sshll.u32 s6, $0x1;
	s6 =	sadd.s32 s22, s4  }
0x9e: {  	[timem:s8], [sflag:s23] =	dma.local [hbm:s6], s21  }
0x9f: {  	_ =	swait.ge [sflag:s23], s21  }
0xa0: {  	s5 =	ssub.s32 $0x0, s21;
	[sflag:s23] =	ssyncset.done $0x0  }
0xa1: {  	[sflag:s23] =	ssyncadd.s32 s5;
	_ =	sdelay $0x1  }
0xa2: {  	s24 =	simm.s32 $0x1B8B  }
0xa3: {  	_ =	swait.ge [sflag:s24], $0x1  }
0xa4: {  	[sflag:s24] =	ssyncset.done $0x0  }
0xa5: {  	s25 =	simm.s32 $0x1B8E;
	[sflag:s24] =	ssyncadd.s32 $0xFFFFFFFF  }
0xa6: {  	s26 =	simm.s32 $execute0_lowered;
	[smem:$0x3FD2] =	sst s25  }
0xa7: {  	s5 =	sshll.u32 s26, $0x1;
	_ =	strace $0x80000046;
	[dreg:$0x1] =	wrdreg $0xFFFFFFFF  }
0xa8: {  	s28 =	simm.s32 $_size_execute0_lowered;
	s4 =	sadd.s32 s4, s5;
	[dreg:$0x0] =	wrdreg $0x0  }
0xa9: {  	s5 =	sshll.u32 s28, $0x1;
	[dreg:$0x2] =	wrdreg s4  }
0xaa: {  	[dreg:$0x3] =	wrdreg s5  }
0xab: {  	[dreg:$0x4] =	wrdreg $0xC0  }
0xac: {  	_ =	task [dreg:s8], $0x5FFFF  }
0xad: {  	[dreg:$0x1] =	wrdreg $0xFFFFFFFF  }
0xae: {  	[dreg:$0x0] =	wrdreg $0x60  }
0xaf: {  	[dreg:$0x2] =	wrdreg s2  }
0xb0: {  	[dreg:$0x3] =	wrdreg s19  }
0xb1: {  	[dreg:$0x4] =	wrdreg $0x9  }
0xb2: {  	_ =	task.clear_ibuf [dreg:s8], $0x5FFFF;
	_ =	strace $0x90000046  }
0xb3: {  	s29 =	simm.s32 $0x9;
	_ =	strace $0x80000048  }
0xb4: {  	_ =	swait.ge [sflag:s29], $0x1  }
0xb5: {  	[sflag:s29] =	ssyncadd.s32 $0xFFFFFFFF  }
0xb6: {  	_ =	strace $0x90000048  }
0xb7: {  	_ =	sfence  }
0xb8: {  	s30 =	sld [smem:$0x0];
	_ =	sdelay $0x2  }
0xb9: {  	s31 =	sshll.u32 s1, $0xD;
	s1 =	sshrl.u32 s1, $0x2  }
0xba: {  	s3 =	sand.u32 $0x4000, s31;
	s1 =	sadd.s32 s1, s30  }
0xbb: {  	s0 =	sor.u32 s3, s0;
	s1 =	sshll.u32 s1, $0x11  }
0xbc: {  	s0 =	sor.u32 s1, s0  }
0xbd: {  	s0 =	sadd.s32 $0x8F2B, s0  }
0xbe: {  	[sflag:s0] =	ssyncadd.remote.s32 $0x1  }
0xbf: {  	_ =	sfence.sel $0xFFFF  }
0xc0: {  	[dreg:$0x0] =	wrdreg $0xFFFFFFFF;
	(pc) =	sbr.abs _section_cstart, $3  }
0xc1: {  	[dreg:$0x1] =	wrdreg $0xFFFFFFFF  }
0xc2: {  	_ =	task.clear_ibuf [dreg:s8], $0x2FFFF;
	_ =	strace $0x9FFFFFFF  }
0xc3: {  	(tm) =	ssettm $0x7FFFFFFF  }
tec
execute0_lowered:
.L_overlay_start_1:
0x0: {  	(tag) =	ssettag $0x1  }
0x1: {  	s0 =	rddreg [dreg:$0x0]  }
0x2: {  	s1 =	rddreg [dreg:$0x1];
	v0 =	vimm.s32 $0xB80;
	vm0 =	vcmask $0x300  }
0x3: {  	s2 =	simm.s32 $0x0;
	s3 =	srdreg.scid;
	s8 =	stileid.u32;
	vm14 =	vcmask $0x704;
	v1 =	vimm.f32 $1.574803140e-01;
	v0 =	vsel vm0, $0x0, v0  }
0x4: {  	vm15 =	vcmask $0xB08;
	s9 =	simm.s32 $0x5000;
	s10 =	simm.s32 $0x6000;
	s11 =	simm.s32 $0x7000;
	v0 =	vsel vm14, $0x80, v0  }
0x5: {  	vm4 =	vcmask $0xF0C;
	s12 =	simm.s32 $0x8000;
	s13 =	simm.s32 $0x9000;
	s14 =	simm.s32 $0xA000;
	v0 =	vsel vm15, $0x100, v0  }
0x6: {  	vm5 =	vcmask $0x1310;
	s15 =	simm.s32 $0xB000;
	s16 =	simm.s32 $0xC000;
	s17 =	simm.s32 $0xD000;
	v0 =	vsel vm4, $0x180, v0  }
0x7: {  	vm6 =	vcmask $0x1714;
	s18 =	simm.s32 $0xE000;
	s19 =	simm.s32 $0xF000;
	[smem:$0x7FF] =	sst s2;
	v0 =	vsel vm5, $0x200, v0  }
0x8: {  	vm7 =	vcmask $0x1B18;
	s20 =	simm.s32 $0x10000;
	s21 =	simm.s32 $0x11000;
	_ =	strace $0x80000047;
	v0 =	vsel vm6, $0x280, v0  }
0x9: {  	vm8 =	vcmask $0x1F1C;
	s30 =	simm.s32 $0x8;
	s31 =	simm.s32 $0x9;
	s22 =	simm.s32 $0xF;
	(erf) = vrcp.f32 v1;
	v0 =	vsel vm7, $0x300, v0  }
0xa: {  	vm9 =	vcmask $0x2320;
	s23 =	simm.s32 $0x10;
	s24 =	simm.s32 $0x0;
	s3 =	sand.u32 $0x1, s3;
	v0 =	vsel vm8, $0x380, v0  }
0xb: {  	vm10 =	vcmask $0x2724;
	s5 =	sshll.u32 s8, $0xE;
	s26 =	sshll.u32 s8, $0x13;
	s8 =	simm.s32 $0x4000;
	v0 =	vsel vm9, $0x800, v0  }
0xc: {  	vm11 =	vcmask $0x2B28;
	s4 =	ssub.s32 $0x2, s3;
	s6 =	sshll.u32 s3, $0xD;
	s1 =	sadd.s32 s26, s1;
	v0 =	vsel vm10, $0x880, v0  }
0xd: {  	vm12 =	vcmask $0x2F2C;
	s3 =	sshll.u32 s3, $0x12;
	s7 =	sshrl.u32 s4, $0x1;
	s5 =	sor.u32 s6, s5;
	v0 =	vsel vm11, $0x900, v0  }
0xe: {  	vm13 =	vcmask $0x3330;
	s28 =	sadd.s32 s3, s1;
	s6 =	simm.s32 $0x2000;
	s1 =	simm.s32 $0xB;
	v0 =	vsel vm12, $0x980, v0  }
0xf: {  	s3 =	simm.s32 $0xC;
	s5 =	sshrl.u32 s5, $0x3;
	s4 =	ssub.s32 s4, s7;
	v0 =	vsel vm13, $0xA00, v0  }
0x10: {  	vm14 =	vcmask $0x3734;
	[dreg:$0x3] =	wrdreg s28;
	s7 =	simm.s32 $0x3000;
	s0 =	sadd.s32 s0, s5  }
0x11: {  	vm15 =	vcmask $0x3B38;
	s29 =	smax.u32 s4, $0x1;
	s4 =	simm.s32 $0xD;
	[dreg:$0x4] =	wrdreg s0;
	v3 =	vsel vm14, $0xA80, v0  }
0x12: {  	v2 =	vimm.f32 $0.0e+00;
	v1 =	vlaneseq.u32;
	s5 =	simm.s32 $0xE;
	[dreg:$0x5] =	wrdreg s29;
	s0 =	simm.s32 $0xA;
	v3 =	vsel vm15, $0xB00, v3;
	v0 =	vpop (erf)  }
.LBB2_1:
0x13: {  	s25 =	sand.u32 $0xF0, s2  }
0x14: {  	s26 =	simm.s32 $0x0;
	s25 =	smin.u32 s25, $0xEF  }
0x15: {  	v4 =	vmov s26;
	v5 =	vadd.s32 s25, v1  }
0x16: {  	v6 =	vshll.u32 v4, $0x8;
	v7 =	vshll.u32 v5, $0x3  }
0x17: {  	v4 =	vshll.u32 v4, $0x7;
	v6 =	vand.u32 $0x800, v6;
	v7 =	vand.u32 $0xC00, v7  }
0x18: {  	v4 =	vand.u32 $0x380, v4;
	v6 =	vadd.s32 v6, v7  }
0x19: {  	v5 =	vand.u32 $0x7F, v5;
	v4 =	vor.u32 v4, v6  }
0x1a: {  	s28 =	rddreg [dreg:$0x4];
	s29 =	simm.s32 $0x11;
	v4 =	vor.u32 v5, v4  }
0x1b: {  	[tilespmem:s2], [sflag:$0x11] =	stream.linear.gather [hbm4b:s28+s2], $0x2000, $0x38;
	[tilespmem:$0x12000] =	vst v63  }
0x1c: {  	_ =	swait.ge [sflag:s29], $0x2000  }
0x1d: {  	[sflag:s29] =	ssyncset.done $0x0  }
0x1e: {  	[sflag:s29] =	ssyncadd.s32 $0xFFFFE000  }
0x1f: {  	[tilespmem:v4+s6+$0x0] =	vst.idx.msk $0xffff, v2  }
0x20: {  	[tilespmem:v4+s7+$0x0] =	vst.idx.msk $0xffff, v2  }
0x21: {  	[tilespmem:v4+s8+$0x0] =	vst.idx.msk $0xffff, v2  }
0x22: {  	s26 =	simm.s32 $0x10;
	s25 =	simm.s32 $0x1;
	[tilespmem:v4+s9+$0x0] =	vst.idx.msk $0xffff, v2  }
.LBB2_2:
0x23: {  	s28 =	sand.u32 $0xF0, s26  }
0x24: {  	p0 =	sne.s32 s25, $0xFF;
	[tilespmem:v4+s10+$0x0] =	vst.idx.msk $0xffff, v2;
	s29 =	smov.u32 s25;
	s25 =	sadd.s32 $0x1, s25  }
0x25: {  	s29 =	sshrl.u32 s29, $0x4;
	s28 =	smin.u32 s28, $0xEF;
	[tilespmem:v4+s11+$0x0] =	vst.idx.msk $0xffff, v2  }
0x26: {  	v5 =	vmov s29;
	v6 =	vadd.s32 s28, v1;
	[tilespmem:v4+s12+$0x0] =	vst.idx.msk $0xffff, v2  }
0x27: {  	v7 =	vshll.u32 v5, $0x8;
	v8 =	vshll.u32 v6, $0x3;
	v5 =	vshll.u32 v5, $0x7;
	[tilespmem:v4+s13+$0x0] =	vst.idx.msk $0xffff, v2  }
0x28: {  	v7 =	vand.u32 $0x800, v7;
	v8 =	vand.u32 $0xC00, v8;
	[tilespmem:v4+s14+$0x0] =	vst.idx.msk $0xffff, v2  }
0x29: {  	v5 =	vand.u32 $0x380, v5;
	v7 =	vadd.s32 v7, v8;
	[tilespmem:v4+s15+$0x0] =	vst.idx.msk $0xffff, v2  }
0x2a: {  	v6 =	vand.u32 $0x7F, v6;
	v5 =	vor.u32 v5, v7;
	[tilespmem:v4+s16+$0x0] =	vst.idx.msk $0xffff, v2  }
0x2b: {  	v5 =	vor.u32 v6, v5;
	[tilespmem:v4+s17+$0x0] =	vst.idx.msk $0xffff, v2  }
0x2c: {  	[tilespmem:v4+s18+$0x0] =	vst.idx.msk $0xffff, v2  }
0x2d: {  	[tilespmem:v4+s19+$0x0] =	vst.idx.msk $0xffff, v2  }
0x2e: {  	[tilespmem:v4+s20+$0x0] =	vst.idx.msk $0xffff, v2  }
.Ltmp0:
0x2f: {  	[tilespmem:v4+s21+$0x0] =	vst.idx.msk $0xffff, v2;
	v4 =	vmov v5;
	(pc) =	sbr.rel @p0 .LBB2_2-.Ltmp0, $4  }
0x30: {  	[tilespmem:v5+s6+$0x0] =	vst.idx.msk $0xffff, v2  }
0x31: {  	[tilespmem:v5+s7+$0x0] =	vst.idx.msk $0xffff, v2  }
0x32: {  	[tilespmem:v5+s8+$0x0] =	vst.idx.msk $0xffff, v2  }
0x33: {  	s26 =	sadd.s32 $0x10, s26;
	[tilespmem:v5+s9+$0x0] =	vst.idx.msk $0xffff, v2  }
0x34: {  	_ =	sdelay $0x3  }
0x35: {  	[tilespmem:v4+s10+$0x0] =	vst.idx.msk $0xffff, v2  }
0x36: {  	[tilespmem:v4+s11+$0x0] =	vst.idx.msk $0xffff, v2  }
0x37: {  	[tilespmem:v4+s12+$0x0] =	vst.idx.msk $0xffff, v2  }
0x38: {  	[tilespmem:v4+s13+$0x0] =	vst.idx.msk $0xffff, v2  }
0x39: {  	[tilespmem:v4+s14+$0x0] =	vst.idx.msk $0xffff, v2  }
0x3a: {  	[tilespmem:v4+s15+$0x0] =	vst.idx.msk $0xffff, v2  }
0x3b: {  	[tilespmem:v4+s16+$0x0] =	vst.idx.msk $0xffff, v2  }
0x3c: {  	[tilespmem:v4+s17+$0x0] =	vst.idx.msk $0xffff, v2  }
0x3d: {  	[tilespmem:v4+s18+$0x0] =	vst.idx.msk $0xffff, v2  }
0x3e: {  	[tilespmem:v4+s19+$0x0] =	vst.idx.msk $0xffff, v2  }
0x3f: {  	[tilespmem:v4+s20+$0x0] =	vst.idx.msk $0xffff, v2  }
0x40: {  	s25 =	simm.s32 $0x0;
	s26 =	simm.s32 $0x0;
	[tilespmem:v4+s21+$0x0] =	vst.idx.msk $0xffff, v2  }
.LBB2_4:
0x41: {  	p0 =	seq.s32 s26, $0x0  }
0x42: {  	s28 =	simm.s32 @!p0 $0x1  }
0x43: {  	_ =	swait.ge @!p0 [sflag:s28], $0x1000  }
0x44: {  	[sflag:s28] =	ssyncset.done @!p0 $0x0  }
0x45: {  	[sflag:s28] =	ssyncadd.s32 @!p0 $0xFFFFF000  }
0x46: {  	v4 =	vld @!p0 [tilespmem:s25+$0xFFFFFF00];
	_ =	sdelay $0x1  }
0x47: {  	v5 =	vimm.s32 @!p0 $0xB80;
	vm0 =	vcmask @!p0 $0x300  }
0x48: {  	v5 =	vsel @!p0 vm0, $0x0, v5;
	vm0 =	vcmask @!p0 $0x704  }
0x49: {  	v5 =	vsel @!p0 vm0, $0x80, v5;
	vm0 =	vcmask @!p0 $0xB08  }
0x4a: {  	v5 =	vsel @!p0 vm0, $0x100, v5;
	vm0 =	vcmask @!p0 $0xF0C;
	v4 =	vmax.f32 @!p0 v4, $-2.000000000e+01  }
0x4b: {  	v5 =	vsel @!p0 vm0, $0x180, v5;
	vm0 =	vcmask @!p0 $0x1310;
	v4 =	vmin.f32 @!p0 v4, $2.000000000e+01  }
0x4c: {  	v5 =	vsel @!p0 vm0, $0x200, v5;
	vm0 =	vcmask @!p0 $0x1714;
	v4 =	vadd.f32 @!p0 $2.000000000e+01, v4  }
0x4d: {  	v5 =	vsel @!p0 vm0, $0x280, v5;
	vm0 =	vcmask @!p0 $0x1B18  }
0x4e: {  	v5 =	vsel @!p0 vm0, $0x300, v5;
	vm0 =	vcmask @!p0 $0x1F1C;
	v4 =	vmul.f32 @!p0 v4, v0  }
0x4f: {  	v5 =	vsel @!p0 vm0, $0x380, v5;
	vm0 =	vcmask @!p0 $0x2320  }
0x50: {  	v5 =	vsel @!p0 vm0, $0x800, v5;
	vm0 =	vcmask @!p0 $0x2724;
	v4 =	vtrunc.f32 @!p0 v4  }
0x51: {  	v5 =	vsel @!p0 vm0, $0x880, v5;
	vm0 =	vcmask @!p0 $0x2B28;
	v4 =	vcvt.f32.s32 @!p0 v4  }
0x52: {  	v5 =	vsel @!p0 vm0, $0x900, v5;
	vm0 =	vcmask @!p0 $0x2F2C  }
0x53: {  	v5 =	vsel @!p0 vm0, $0x980, v5;
	v6 =	vadd.s32 @!p0 $0x1, v4  }
0x54: {  	v7 =	vand.u32 @!p0 $0x7F, v4;
	v4 =	vshll.u32 @!p0 v4, $0x3;
	vm1 =	vlt.s32 @!p0 v6, $0xFE  }
0x55: {  	vm0 =	vcmask @!p0 $0x3330;
	v4 =	vand.u32 @!p0 $0xFFFFFC00, v4;
	v6 =	vnsel @!p0 vm1, $0xFE, v6  }
0x56: {  	v7 =	vor.u32 @!p0 v7, v4;
	v4 =	vsel @!p0 vm0, $0xA00, v5;
	vm0 =	vcmask @!p0 $0x3734  }
0x57: {  	v4 =	vsel @!p0 vm0, $0xA80, v4;
	vm0 =	vcmask @!p0 $0x3B38;
	v5 =	vshll.u32 @!p0 v6, $0x3  }
0x58: {  	v6 =	vand.u32 @!p0 $0x7F, v6;
	v4 =	vsel @!p0 vm0, $0xB00, v4;
	v5 =	vand.u32 @!p0 $0xFFFFFC00, v5  }
0x59: {  	v7 =	vadd.s32 @!p0 v4, v7;
	v5 =	vor.u32 @!p0 v6, v5  }
0x5a: {  	v6 =	vadd.s32 @!p0 v4, v5;
	_ =	sdelay $0x2  }
0x5b: {  	s28 =	simm.s32 @!p0 $0x2000;
	v5 =	vimm.f32 @!p0 $0.0e+00  }
0x5c: {  	[tilespmem:v7+s28+$0x0] =	vst.idx.msk @!p0 $0xffff, v5  }
0x5d: {  	[tilespmem:v6+s28+$0x0] =	vst.idx.msk @!p0 $0xffff, v5  }
0x5e: {  	v6 =	vld [tilespmem:s25+$0x0];
	_ =	sdelay $0x4  }
0x5f: {  	v6 =	vmax.f32 v6, $-2.000000000e+01  }
0x60: {  	v6 =	vmin.f32 v6, $2.000000000e+01  }
0x61: {  	v6 =	vadd.f32 $2.000000000e+01, v6;
	_ =	sdelay $0x1  }
0x62: {  	v6 =	vmul.f32 v6, v0;
	_ =	sdelay $0x1  }
0x63: {  	v61 =	vtrunc.f32 v6  }
0x64: {  	v7 =	vcvt.f32.s32 v61;
	_ =	sdelay $0x1  }
0x65: {  	v8 =	vadd.s32 $0x1, v7  }
0x66: {  	vm12 =	vlt.s32 v8, $0xFE  }
0x67: {  	v9 =	vshll.u32 v7, $0x3;
	v10 =	vand.u32 $0x7F, v7;
	v8 =	vnsel vm12, $0xFE, v8  }
0x68: {  	v7 =	vcvt.s32.f32 v7;
	v9 =	vand.u32 $0xFFFFFC00, v9;
	v62 =	vshll.u32 v8, $0x3  }
0x69: {  	v9 =	vor.u32 v10, v9;
	v8 =	vand.u32 $0x7F, v8;
	v10 =	vand.u32 $0xFFFFFC00, v62  }
0x6a: {  	v9 =	vadd.s32 v3, v9;
	v8 =	vor.u32 v8, v10  }
0x6b: {  	v6 =	vsub.f32 v6, v7;
	v63 =	vadd.s32 v3, v8;
	_ =	sdelay $0x1  }
0x6c: {  	v12 =	vsub.f32 $1.000000000e+00, v6;
	_ =	sdelay $0x1  }
0x6d: {  	s29 =	rddreg [dreg:$0x3];
	[tilespmem:v9+s6+$0x0] =	vst.idx.msk $0xffff, v12  }
0x6e: {  	s28 =	sadd.s32 s26, s29;
	s29 =	simm.s32 @!p0 $0x2;
	[tilespmem:v63+s6+$0x0] =	vst.idx.add.f32.msk $0xffff, v6  }
0x6f: {  	[hbm4b:s28+s2] =	stream.linear.scatter [tilespmem:s6], [sflag:$0x1], $0x1000, $0x38;
	[tilespmem:$0x12000] =	vst v63  }
0x70: {  	_ =	swait.ge @!p0 [sflag:s29], $0x1000  }
0x71: {  	[sflag:s29] =	ssyncset.done @!p0 $0x0  }
0x72: {  	[sflag:s29] =	ssyncadd.s32 @!p0 $0xFFFFF000  }
0x73: {  	v6 =	vld @!p0 [tilespmem:s25+$0xFFFFFF10];
	_ =	sdelay $0x4  }
0x74: {  	v6 =	vmax.f32 @!p0 v6, $-2.000000000e+01  }
0x75: {  	v6 =	vmin.f32 @!p0 v6, $2.000000000e+01  }
0x76: {  	v6 =	vadd.f32 @!p0 $2.000000000e+01, v6;
	_ =	sdelay $0x1  }
0x77: {  	v6 =	vmul.f32 @!p0 v6, v0;
	_ =	sdelay $0x1  }
0x78: {  	v6 =	vtrunc.f32 @!p0 v6  }
0x79: {  	v6 =	vcvt.f32.s32 @!p0 v6;
	_ =	sdelay $0x1  }
0x7a: {  	v7 =	vadd.s32 @!p0 $0x1, v6  }
0x7b: {  	vm0 =	vlt.s32 @!p0 v7, $0xFE  }
0x7c: {  	v8 =	vshll.u32 @!p0 v6, $0x3;
	v7 =	vnsel @!p0 vm0, $0xFE, v7  }
0x7d: {  	v6 =	vand.u32 @!p0 $0x7F, v6;
	v8 =	vand.u32 @!p0 $0xFFFFFC00, v8;
	v9 =	vshll.u32 @!p0 v7, $0x3  }
0x7e: {  	v6 =	vor.u32 @!p0 v6, v8;
	v7 =	vand.u32 @!p0 $0x7F, v7;
	v8 =	vand.u32 @!p0 $0xFFFFFC00, v9  }
0x7f: {  	v6 =	vadd.s32 @!p0 v4, v6;
	v7 =	vor.u32 @!p0 v7, v8  }
0x80: {  	v7 =	vadd.s32 @!p0 v4, v7;
	_ =	sdelay $0x2  }
0x81: {  	s29 =	simm.s32 @!p0 $0x3000  }
0x82: {  	[tilespmem:v6+s29+$0x0] =	vst.idx.msk @!p0 $0xffff, v5  }
0x83: {  	[tilespmem:v7+s29+$0x0] =	vst.idx.msk @!p0 $0xffff, v5  }
0x84: {  	v6 =	vld [tilespmem:s25+$0x10];
	_ =	sdelay $0x4  }
0x85: {  	v6 =	vmax.f32 v6, $-2.000000000e+01  }
0x86: {  	v6 =	vmin.f32 v6, $2.000000000e+01  }
0x87: {  	v6 =	vadd.f32 $2.000000000e+01, v6;
	_ =	sdelay $0x1  }
0x88: {  	v6 =	vmul.f32 v6, v0;
	_ =	sdelay $0x1  }
0x89: {  	v13 =	vtrunc.f32 v6  }
0x8a: {  	v7 =	vcvt.f32.s32 v13;
	_ =	sdelay $0x1  }
0x8b: {  	v14 =	vadd.s32 $0x1, v7  }
0x8c: {  	vm13 =	vlt.s32 v14, $0xFE  }
0x8d: {  	v15 =	vshll.u32 v7, $0x3;
	v16 =	vand.u32 $0x7F, v7;
	v8 =	vnsel vm13, $0xFE, v14  }
0x8e: {  	v7 =	vcvt.s32.f32 v7;
	v9 =	vand.u32 $0xFFFFFC00, v15;
	v17 =	vshll.u32 v8, $0x3  }
0x8f: {  	v9 =	vor.u32 v16, v9;
	v8 =	vand.u32 $0x7F, v8;
	v10 =	vand.u32 $0xFFFFFC00, v17  }
0x90: {  	v9 =	vadd.s32 v3, v9;
	v8 =	vor.u32 v8, v10  }
0x91: {  	v6 =	vsub.f32 v6, v7;
	v18 =	vadd.s32 v3, v8;
	_ =	sdelay $0x1  }
0x92: {  	v19 =	vsub.f32 $1.000000000e+00, v6;
	_ =	sdelay $0x1  }
0x93: {  	[tilespmem:v9+s7+$0x0] =	vst.idx.msk $0xffff, v19  }
0x94: {  	s29 =	sadd.s32 $0x200, s28;
	[tilespmem:v18+s7+$0x0] =	vst.idx.add.f32.msk $0xffff, v6  }
0x95: {  	[hbm4b:s29+s2] =	stream.linear.scatter [tilespmem:s7], [sflag:$0x2], $0x1000, $0x38;
	[tilespmem:$0x12000] =	vst v63  }
0x96: {  	s29 =	simm.s32 @!p0 $0x3  }
0x97: {  	_ =	swait.ge @!p0 [sflag:s29], $0x1000  }
0x98: {  	[sflag:s29] =	ssyncset.done @!p0 $0x0  }
0x99: {  	[sflag:s29] =	ssyncadd.s32 @!p0 $0xFFFFF000  }
0x9a: {  	v6 =	vld @!p0 [tilespmem:s25+$0xFFFFFF20];
	_ =	sdelay $0x4  }
0x9b: {  	v6 =	vmax.f32 @!p0 v6, $-2.000000000e+01  }
0x9c: {  	v6 =	vmin.f32 @!p0 v6, $2.000000000e+01  }
0x9d: {  	v6 =	vadd.f32 @!p0 $2.000000000e+01, v6;
	_ =	sdelay $0x1  }
0x9e: {  	v6 =	vmul.f32 @!p0 v6, v0;
	_ =	sdelay $0x1  }
0x9f: {  	v6 =	vtrunc.f32 @!p0 v6  }
0xa0: {  	v6 =	vcvt.f32.s32 @!p0 v6;
	_ =	sdelay $0x1  }
0xa1: {  	v7 =	vadd.s32 @!p0 $0x1, v6  }
0xa2: {  	vm0 =	vlt.s32 @!p0 v7, $0xFE  }
0xa3: {  	v8 =	vshll.u32 @!p0 v6, $0x3;
	v7 =	vnsel @!p0 vm0, $0xFE, v7  }
0xa4: {  	v6 =	vand.u32 @!p0 $0x7F, v6;
	v8 =	vand.u32 @!p0 $0xFFFFFC00, v8;
	v9 =	vshll.u32 @!p0 v7, $0x3  }
0xa5: {  	v6 =	vor.u32 @!p0 v6, v8;
	v7 =	vand.u32 @!p0 $0x7F, v7;
	v8 =	vand.u32 @!p0 $0xFFFFFC00, v9  }
0xa6: {  	v6 =	vadd.s32 @!p0 v4, v6;
	v7 =	vor.u32 @!p0 v7, v8  }
0xa7: {  	v7 =	vadd.s32 @!p0 v4, v7;
	_ =	sdelay $0x2  }
0xa8: {  	s29 =	simm.s32 @!p0 $0x4000  }
0xa9: {  	[tilespmem:v6+s29+$0x0] =	vst.idx.msk @!p0 $0xffff, v5  }
0xaa: {  	[tilespmem:v7+s29+$0x0] =	vst.idx.msk @!p0 $0xffff, v5  }
0xab: {  	v6 =	vld [tilespmem:s25+$0x20];
	_ =	sdelay $0x4  }
0xac: {  	v6 =	vmax.f32 v6, $-2.000000000e+01  }
0xad: {  	v6 =	vmin.f32 v6, $2.000000000e+01  }
0xae: {  	v6 =	vadd.f32 $2.000000000e+01, v6;
	_ =	sdelay $0x1  }
0xaf: {  	v6 =	vmul.f32 v6, v0;
	_ =	sdelay $0x1  }
0xb0: {  	v20 =	vtrunc.f32 v6  }
0xb1: {  	v7 =	vcvt.f32.s32 v20;
	_ =	sdelay $0x1  }
0xb2: {  	v21 =	vadd.s32 $0x1, v7  }
0xb3: {  	vm14 =	vlt.s32 v21, $0xFE  }
0xb4: {  	v22 =	vshll.u32 v7, $0x3;
	v23 =	vand.u32 $0x7F, v7;
	v8 =	vnsel vm14, $0xFE, v21  }
0xb5: {  	v7 =	vcvt.s32.f32 v7;
	v9 =	vand.u32 $0xFFFFFC00, v22;
	v24 =	vshll.u32 v8, $0x3  }
0xb6: {  	v9 =	vor.u32 v23, v9;
	v8 =	vand.u32 $0x7F, v8;
	v10 =	vand.u32 $0xFFFFFC00, v24  }
0xb7: {  	v9 =	vadd.s32 v3, v9;
	v8 =	vor.u32 v8, v10  }
0xb8: {  	v6 =	vsub.f32 v6, v7;
	v25 =	vadd.s32 v3, v8;
	_ =	sdelay $0x1  }
0xb9: {  	v26 =	vsub.f32 $1.000000000e+00, v6;
	_ =	sdelay $0x1  }
0xba: {  	[tilespmem:v9+s8+$0x0] =	vst.idx.msk $0xffff, v26  }
0xbb: {  	s29 =	sadd.s32 $0x400, s28;
	[tilespmem:v25+s8+$0x0] =	vst.idx.add.f32.msk $0xffff, v6  }
0xbc: {  	[hbm4b:s29+s2] =	stream.linear.scatter [tilespmem:s8], [sflag:$0x3], $0x1000, $0x38;
	[tilespmem:$0x12000] =	vst v63  }
0xbd: {  	s29 =	simm.s32 @!p0 $0x4  }
0xbe: {  	_ =	swait.ge @!p0 [sflag:s29], $0x1000  }
0xbf: {  	[sflag:s29] =	ssyncset.done @!p0 $0x0  }
0xc0: {  	[sflag:s29] =	ssyncadd.s32 @!p0 $0xFFFFF000  }
0xc1: {  	v6 =	vld @!p0 [tilespmem:s25+$0xFFFFFF30];
	_ =	sdelay $0x4  }
0xc2: {  	v6 =	vmax.f32 @!p0 v6, $-2.000000000e+01  }
0xc3: {  	v6 =	vmin.f32 @!p0 v6, $2.000000000e+01  }
0xc4: {  	v6 =	vadd.f32 @!p0 $2.000000000e+01, v6;
	_ =	sdelay $0x1  }
0xc5: {  	v6 =	vmul.f32 @!p0 v6, v0;
	_ =	sdelay $0x1  }
0xc6: {  	v6 =	vtrunc.f32 @!p0 v6  }
0xc7: {  	v6 =	vcvt.f32.s32 @!p0 v6;
	_ =	sdelay $0x1  }
0xc8: {  	v7 =	vadd.s32 @!p0 $0x1, v6  }
0xc9: {  	vm0 =	vlt.s32 @!p0 v7, $0xFE  }
0xca: {  	v8 =	vshll.u32 @!p0 v6, $0x3;
	v7 =	vnsel @!p0 vm0, $0xFE, v7  }
0xcb: {  	v6 =	vand.u32 @!p0 $0x7F, v6;
	v8 =	vand.u32 @!p0 $0xFFFFFC00, v8;
	v9 =	vshll.u32 @!p0 v7, $0x3  }
0xcc: {  	v6 =	vor.u32 @!p0 v6, v8;
	v7 =	vand.u32 @!p0 $0x7F, v7;
	v8 =	vand.u32 @!p0 $0xFFFFFC00, v9  }
0xcd: {  	v6 =	vadd.s32 @!p0 v4, v6;
	v7 =	vor.u32 @!p0 v7, v8  }
0xce: {  	v7 =	vadd.s32 @!p0 v4, v7;
	_ =	sdelay $0x2  }
0xcf: {  	s29 =	simm.s32 @!p0 $0x5000  }
0xd0: {  	[tilespmem:v6+s29+$0x0] =	vst.idx.msk @!p0 $0xffff, v5  }
0xd1: {  	[tilespmem:v7+s29+$0x0] =	vst.idx.msk @!p0 $0xffff, v5  }
0xd2: {  	v6 =	vld [tilespmem:s25+$0x30];
	_ =	sdelay $0x4  }
0xd3: {  	v6 =	vmax.f32 v6, $-2.000000000e+01  }
0xd4: {  	v6 =	vmin.f32 v6, $2.000000000e+01  }
0xd5: {  	v6 =	vadd.f32 $2.000000000e+01, v6;
	_ =	sdelay $0x1  }
0xd6: {  	v6 =	vmul.f32 v6, v0;
	_ =	sdelay $0x1  }
0xd7: {  	v27 =	vtrunc.f32 v6  }
0xd8: {  	v7 =	vcvt.f32.s32 v27;
	_ =	sdelay $0x1  }
0xd9: {  	v28 =	vadd.s32 $0x1, v7  }
0xda: {  	vm15 =	vlt.s32 v28, $0xFE  }
0xdb: {  	v29 =	vshll.u32 v7, $0x3;
	v30 =	vand.u32 $0x7F, v7;
	v8 =	vnsel vm15, $0xFE, v28  }
0xdc: {  	v7 =	vcvt.s32.f32 v7;
	v9 =	vand.u32 $0xFFFFFC00, v29;
	v31 =	vshll.u32 v8, $0x3  }
0xdd: {  	v9 =	vor.u32 v30, v9;
	v8 =	vand.u32 $0x7F, v8;
	v10 =	vand.u32 $0xFFFFFC00, v31  }
0xde: {  	v9 =	vadd.s32 v3, v9;
	v8 =	vor.u32 v8, v10  }
0xdf: {  	v6 =	vsub.f32 v6, v7;
	v32 =	vadd.s32 v3, v8;
	_ =	sdelay $0x1  }
0xe0: {  	v33 =	vsub.f32 $1.000000000e+00, v6;
	_ =	sdelay $0x1  }
0xe1: {  	[tilespmem:v9+s9+$0x0] =	vst.idx.msk $0xffff, v33  }
0xe2: {  	s29 =	sadd.s32 $0x600, s28;
	[tilespmem:v32+s9+$0x0] =	vst.idx.add.f32.msk $0xffff, v6  }
0xe3: {  	[hbm4b:s29+s2] =	stream.linear.scatter [tilespmem:s9], [sflag:$0x4], $0x1000, $0x38;
	[tilespmem:$0x12000] =	vst v63  }
0xe4: {  	s29 =	simm.s32 @!p0 $0x5  }
0xe5: {  	_ =	swait.ge @!p0 [sflag:s29], $0x1000  }
0xe6: {  	[sflag:s29] =	ssyncset.done @!p0 $0x0  }
0xe7: {  	[sflag:s29] =	ssyncadd.s32 @!p0 $0xFFFFF000  }
0xe8: {  	v6 =	vld @!p0 [tilespmem:s25+$0xFFFFFF40];
	_ =	sdelay $0x4  }
0xe9: {  	v6 =	vmax.f32 @!p0 v6, $-2.000000000e+01  }
0xea: {  	v6 =	vmin.f32 @!p0 v6, $2.000000000e+01  }
0xeb: {  	v6 =	vadd.f32 @!p0 $2.000000000e+01, v6;
	_ =	sdelay $0x1  }
0xec: {  	v6 =	vmul.f32 @!p0 v6, v0;
	_ =	sdelay $0x1  }
0xed: {  	v6 =	vtrunc.f32 @!p0 v6  }
0xee: {  	v6 =	vcvt.f32.s32 @!p0 v6;
	_ =	sdelay $0x1  }
0xef: {  	v7 =	vadd.s32 @!p0 $0x1, v6  }
0xf0: {  	vm0 =	vlt.s32 @!p0 v7, $0xFE  }
0xf1: {  	v8 =	vshll.u32 @!p0 v6, $0x3;
	v7 =	vnsel @!p0 vm0, $0xFE, v7  }
0xf2: {  	v6 =	vand.u32 @!p0 $0x7F, v6;
	v8 =	vand.u32 @!p0 $0xFFFFFC00, v8;
	v9 =	vshll.u32 @!p0 v7, $0x3  }
0xf3: {  	v6 =	vor.u32 @!p0 v6, v8;
	v7 =	vand.u32 @!p0 $0x7F, v7;
	v8 =	vand.u32 @!p0 $0xFFFFFC00, v9  }
0xf4: {  	v6 =	vadd.s32 @!p0 v4, v6;
	v7 =	vor.u32 @!p0 v7, v8  }
0xf5: {  	v7 =	vadd.s32 @!p0 v4, v7;
	_ =	sdelay $0x2  }
0xf6: {  	s29 =	simm.s32 @!p0 $0x6000  }
0xf7: {  	[tilespmem:v6+s29+$0x0] =	vst.idx.msk @!p0 $0xffff, v5  }
0xf8: {  	[tilespmem:v7+s29+$0x0] =	vst.idx.msk @!p0 $0xffff, v5  }
0xf9: {  	v6 =	vld [tilespmem:s25+$0x40];
	_ =	sdelay $0x4  }
0xfa: {  	v6 =	vmax.f32 v6, $-2.000000000e+01  }
0xfb: {  	v6 =	vmin.f32 v6, $2.000000000e+01  }
0xfc: {  	v6 =	vadd.f32 $2.000000000e+01, v6;
	_ =	sdelay $0x1  }
0xfd: {  	v6 =	vmul.f32 v6, v0;
	_ =	sdelay $0x1  }
0xfe: {  	v34 =	vtrunc.f32 v6  }
0xff: {  	v7 =	vcvt.f32.s32 v34;
	_ =	sdelay $0x1  }
0x100: {  	v35 =	vadd.s32 $0x1, v7  }
0x101: {  	vm4 =	vlt.s32 v35, $0xFE  }
0x102: {  	v36 =	vshll.u32 v7, $0x3;
	v37 =	vand.u32 $0x7F, v7;
	v8 =	vnsel vm4, $0xFE, v35  }
0x103: {  	v7 =	vcvt.s32.f32 v7;
	v9 =	vand.u32 $0xFFFFFC00, v36;
	v38 =	vshll.u32 v8, $0x3  }
0x104: {  	v9 =	vor.u32 v37, v9;
	v8 =	vand.u32 $0x7F, v8;
	v10 =	vand.u32 $0xFFFFFC00, v38  }
0x105: {  	v9 =	vadd.s32 v3, v9;
	v8 =	vor.u32 v8, v10  }
0x106: {  	v6 =	vsub.f32 v6, v7;
	v39 =	vadd.s32 v3, v8;
	_ =	sdelay $0x1  }
0x107: {  	v40 =	vsub.f32 $1.000000000e+00, v6;
	_ =	sdelay $0x1  }
0x108: {  	[tilespmem:v9+s10+$0x0] =	vst.idx.msk $0xffff, v40  }
0x109: {  	s29 =	sadd.s32 $0x800, s28;
	[tilespmem:v39+s10+$0x0] =	vst.idx.add.f32.msk $0xffff, v6  }
0x10a: {  	[hbm4b:s29+s2] =	stream.linear.scatter [tilespmem:s10], [sflag:$0x5], $0x1000, $0x38;
	[tilespmem:$0x12000] =	vst v63  }
0x10b: {  	s29 =	simm.s32 @!p0 $0x6  }
0x10c: {  	_ =	swait.ge @!p0 [sflag:s29], $0x1000  }
0x10d: {  	[sflag:s29] =	ssyncset.done @!p0 $0x0  }
0x10e: {  	[sflag:s29] =	ssyncadd.s32 @!p0 $0xFFFFF000  }
0x10f: {  	v6 =	vld @!p0 [tilespmem:s25+$0xFFFFFF50];
	_ =	sdelay $0x4  }
0x110: {  	v6 =	vmax.f32 @!p0 v6, $-2.000000000e+01  }
0x111: {  	v6 =	vmin.f32 @!p0 v6, $2.000000000e+01  }
0x112: {  	v6 =	vadd.f32 @!p0 $2.000000000e+01, v6;
	_ =	sdelay $0x1  }
0x113: {  	v6 =	vmul.f32 @!p0 v6, v0;
	_ =	sdelay $0x1  }
0x114: {  	v6 =	vtrunc.f32 @!p0 v6  }
0x115: {  	v6 =	vcvt.f32.s32 @!p0 v6;
	_ =	sdelay $0x1  }
0x116: {  	v7 =	vadd.s32 @!p0 $0x1, v6  }
0x117: {  	vm0 =	vlt.s32 @!p0 v7, $0xFE  }
0x118: {  	v8 =	vshll.u32 @!p0 v6, $0x3;
	v7 =	vnsel @!p0 vm0, $0xFE, v7  }
0x119: {  	v6 =	vand.u32 @!p0 $0x7F, v6;
	v8 =	vand.u32 @!p0 $0xFFFFFC00, v8;
	v9 =	vshll.u32 @!p0 v7, $0x3  }
0x11a: {  	v6 =	vor.u32 @!p0 v6, v8;
	v7 =	vand.u32 @!p0 $0x7F, v7;
	v8 =	vand.u32 @!p0 $0xFFFFFC00, v9  }
0x11b: {  	v6 =	vadd.s32 @!p0 v4, v6;
	v7 =	vor.u32 @!p0 v7, v8  }
0x11c: {  	v7 =	vadd.s32 @!p0 v4, v7;
	_ =	sdelay $0x2  }
0x11d: {  	s29 =	simm.s32 @!p0 $0x7000  }
0x11e: {  	[tilespmem:v6+s29+$0x0] =	vst.idx.msk @!p0 $0xffff, v5  }
0x11f: {  	[tilespmem:v7+s29+$0x0] =	vst.idx.msk @!p0 $0xffff, v5  }
0x120: {  	v6 =	vld [tilespmem:s25+$0x50];
	_ =	sdelay $0x4  }
0x121: {  	v6 =	vmax.f32 v6, $-2.000000000e+01  }
0x122: {  	v6 =	vmin.f32 v6, $2.000000000e+01  }
0x123: {  	v6 =	vadd.f32 $2.000000000e+01, v6;
	_ =	sdelay $0x1  }
0x124: {  	v6 =	vmul.f32 v6, v0;
	_ =	sdelay $0x1  }
0x125: {  	v41 =	vtrunc.f32 v6  }
0x126: {  	v7 =	vcvt.f32.s32 v41;
	_ =	sdelay $0x1  }
0x127: {  	v42 =	vadd.s32 $0x1, v7  }
0x128: {  	vm5 =	vlt.s32 v42, $0xFE  }
0x129: {  	v43 =	vshll.u32 v7, $0x3;
	v44 =	vand.u32 $0x7F, v7;
	v8 =	vnsel vm5, $0xFE, v42  }
0x12a: {  	v7 =	vcvt.s32.f32 v7;
	v9 =	vand.u32 $0xFFFFFC00, v43;
	v45 =	vshll.u32 v8, $0x3  }
0x12b: {  	v9 =	vor.u32 v44, v9;
	v8 =	vand.u32 $0x7F, v8;
	v10 =	vand.u32 $0xFFFFFC00, v45  }
0x12c: {  	v9 =	vadd.s32 v3, v9;
	v8 =	vor.u32 v8, v10  }
0x12d: {  	v6 =	vsub.f32 v6, v7;
	v46 =	vadd.s32 v3, v8;
	_ =	sdelay $0x1  }
0x12e: {  	v47 =	vsub.f32 $1.000000000e+00, v6;
	_ =	sdelay $0x1  }
0x12f: {  	[tilespmem:v9+s11+$0x0] =	vst.idx.msk $0xffff, v47  }
0x130: {  	s29 =	sadd.s32 $0xA00, s28;
	[tilespmem:v46+s11+$0x0] =	vst.idx.add.f32.msk $0xffff, v6  }
0x131: {  	[hbm4b:s29+s2] =	stream.linear.scatter [tilespmem:s11], [sflag:$0x6], $0x1000, $0x38;
	[tilespmem:$0x12000] =	vst v63  }
0x132: {  	s29 =	simm.s32 @!p0 $0x7  }
0x133: {  	_ =	swait.ge @!p0 [sflag:s29], $0x1000  }
0x134: {  	[sflag:s29] =	ssyncset.done @!p0 $0x0  }
0x135: {  	[sflag:s29] =	ssyncadd.s32 @!p0 $0xFFFFF000  }
0x136: {  	v6 =	vld @!p0 [tilespmem:s25+$0xFFFFFF60];
	_ =	sdelay $0x4  }
0x137: {  	v6 =	vmax.f32 @!p0 v6, $-2.000000000e+01  }
0x138: {  	v6 =	vmin.f32 @!p0 v6, $2.000000000e+01  }
0x139: {  	v6 =	vadd.f32 @!p0 $2.000000000e+01, v6;
	_ =	sdelay $0x1  }
0x13a: {  	v6 =	vmul.f32 @!p0 v6, v0;
	_ =	sdelay $0x1  }
0x13b: {  	v6 =	vtrunc.f32 @!p0 v6  }
0x13c: {  	v6 =	vcvt.f32.s32 @!p0 v6;
	_ =	sdelay $0x1  }
0x13d: {  	v7 =	vadd.s32 @!p0 $0x1, v6  }
0x13e: {  	vm0 =	vlt.s32 @!p0 v7, $0xFE  }
0x13f: {  	v8 =	vshll.u32 @!p0 v6, $0x3;
	v7 =	vnsel @!p0 vm0, $0xFE, v7  }
0x140: {  	v6 =	vand.u32 @!p0 $0x7F, v6;
	v8 =	vand.u32 @!p0 $0xFFFFFC00, v8;
	v9 =	vshll.u32 @!p0 v7, $0x3  }
0x141: {  	v6 =	vor.u32 @!p0 v6, v8;
	v7 =	vand.u32 @!p0 $0x7F, v7;
	v8 =	vand.u32 @!p0 $0xFFFFFC00, v9  }
0x142: {  	v6 =	vadd.s32 @!p0 v4, v6;
	v7 =	vor.u32 @!p0 v7, v8  }
0x143: {  	v7 =	vadd.s32 @!p0 v4, v7;
	_ =	sdelay $0x2  }
0x144: {  	s29 =	simm.s32 @!p0 $0x8000  }
0x145: {  	[tilespmem:v6+s29+$0x0] =	vst.idx.msk @!p0 $0xffff, v5  }
0x146: {  	[tilespmem:v7+s29+$0x0] =	vst.idx.msk @!p0 $0xffff, v5  }
0x147: {  	v6 =	vld [tilespmem:s25+$0x60];
	_ =	sdelay $0x4  }
0x148: {  	v6 =	vmax.f32 v6, $-2.000000000e+01  }
0x149: {  	v6 =	vmin.f32 v6, $2.000000000e+01  }
0x14a: {  	v6 =	vadd.f32 $2.000000000e+01, v6;
	_ =	sdelay $0x1  }
0x14b: {  	v6 =	vmul.f32 v6, v0;
	_ =	sdelay $0x1  }
0x14c: {  	v48 =	vtrunc.f32 v6  }
0x14d: {  	v7 =	vcvt.f32.s32 v48;
	_ =	sdelay $0x1  }
0x14e: {  	v49 =	vadd.s32 $0x1, v7  }
0x14f: {  	vm6 =	vlt.s32 v49, $0xFE  }
0x150: {  	v50 =	vshll.u32 v7, $0x3;
	v51 =	vand.u32 $0x7F, v7;
	v8 =	vnsel vm6, $0xFE, v49  }
0x151: {  	v7 =	vcvt.s32.f32 v7;
	v9 =	vand.u32 $0xFFFFFC00, v50;
	v52 =	vshll.u32 v8, $0x3  }
0x152: {  	v9 =	vor.u32 v51, v9;
	v8 =	vand.u32 $0x7F, v8;
	v10 =	vand.u32 $0xFFFFFC00, v52  }
0x153: {  	v9 =	vadd.s32 v3, v9;
	v8 =	vor.u32 v8, v10  }
0x154: {  	v6 =	vsub.f32 v6, v7;
	v53 =	vadd.s32 v3, v8;
	_ =	sdelay $0x1  }
0x155: {  	v54 =	vsub.f32 $1.000000000e+00, v6;
	_ =	sdelay $0x1  }
0x156: {  	[tilespmem:v9+s12+$0x0] =	vst.idx.msk $0xffff, v54  }
0x157: {  	s29 =	sadd.s32 $0xC00, s28;
	[tilespmem:v53+s12+$0x0] =	vst.idx.add.f32.msk $0xffff, v6  }
0x158: {  	[hbm4b:s29+s2] =	stream.linear.scatter [tilespmem:s12], [sflag:$0x7], $0x1000, $0x38;
	[tilespmem:$0x12000] =	vst v63  }
0x159: {  	s29 =	simm.s32 @!p0 $0x8  }
0x15a: {  	_ =	swait.ge @!p0 [sflag:s29], $0x1000  }
0x15b: {  	[sflag:s29] =	ssyncset.done @!p0 $0x0  }
0x15c: {  	[sflag:s29] =	ssyncadd.s32 @!p0 $0xFFFFF000  }
0x15d: {  	v6 =	vld @!p0 [tilespmem:s25+$0xFFFFFF70];
	_ =	sdelay $0x4  }
0x15e: {  	v6 =	vmax.f32 @!p0 v6, $-2.000000000e+01  }
0x15f: {  	v6 =	vmin.f32 @!p0 v6, $2.000000000e+01  }
0x160: {  	v6 =	vadd.f32 @!p0 $2.000000000e+01, v6;
	_ =	sdelay $0x1  }
0x161: {  	v6 =	vmul.f32 @!p0 v6, v0;
	_ =	sdelay $0x1  }
0x162: {  	v6 =	vtrunc.f32 @!p0 v6  }
0x163: {  	v6 =	vcvt.f32.s32 @!p0 v6;
	_ =	sdelay $0x1  }
0x164: {  	v7 =	vadd.s32 @!p0 $0x1, v6  }
0x165: {  	vm0 =	vlt.s32 @!p0 v7, $0xFE  }
0x166: {  	v8 =	vshll.u32 @!p0 v6, $0x3;
	v7 =	vnsel @!p0 vm0, $0xFE, v7  }
0x167: {  	v6 =	vand.u32 @!p0 $0x7F, v6;
	v8 =	vand.u32 @!p0 $0xFFFFFC00, v8;
	v9 =	vshll.u32 @!p0 v7, $0x3  }
0x168: {  	v6 =	vor.u32 @!p0 v6, v8;
	v7 =	vand.u32 @!p0 $0x7F, v7;
	v8 =	vand.u32 @!p0 $0xFFFFFC00, v9  }
0x169: {  	v6 =	vadd.s32 @!p0 v4, v6;
	v7 =	vor.u32 @!p0 v7, v8  }
0x16a: {  	v7 =	vadd.s32 @!p0 v4, v7;
	_ =	sdelay $0x2  }
0x16b: {  	s29 =	simm.s32 @!p0 $0x9000  }
0x16c: {  	[tilespmem:v6+s29+$0x0] =	vst.idx.msk @!p0 $0xffff, v5  }
0x16d: {  	[tilespmem:v7+s29+$0x0] =	vst.idx.msk @!p0 $0xffff, v5  }
0x16e: {  	v6 =	vld [tilespmem:s25+$0x70];
	_ =	sdelay $0x4  }
0x16f: {  	v6 =	vmax.f32 v6, $-2.000000000e+01  }
0x170: {  	v6 =	vmin.f32 v6, $2.000000000e+01  }
0x171: {  	v6 =	vadd.f32 $2.000000000e+01, v6;
	_ =	sdelay $0x1  }
0x172: {  	v6 =	vmul.f32 v6, v0;
	_ =	sdelay $0x1  }
0x173: {  	v55 =	vtrunc.f32 v6  }
0x174: {  	v7 =	vcvt.f32.s32 v55;
	_ =	sdelay $0x1  }
0x175: {  	v56 =	vadd.s32 $0x1, v7  }
0x176: {  	vm7 =	vlt.s32 v56, $0xFE  }
0x177: {  	v57 =	vshll.u32 v7, $0x3;
	v58 =	vand.u32 $0x7F, v7;
	v8 =	vnsel vm7, $0xFE, v56  }
0x178: {  	v7 =	vcvt.s32.f32 v7;
	v9 =	vand.u32 $0xFFFFFC00, v57;
	v59 =	vshll.u32 v8, $0x3  }
0x179: {  	v9 =	vor.u32 v58, v9;
	v8 =	vand.u32 $0x7F, v8;
	v10 =	vand.u32 $0xFFFFFC00, v59  }
0x17a: {  	v9 =	vadd.s32 v3, v9;
	v8 =	vor.u32 v8, v10  }
0x17b: {  	v6 =	vsub.f32 v6, v7;
	v60 =	vadd.s32 v3, v8;
	_ =	sdelay $0x1  }
0x17c: {  	v61 =	vsub.f32 $1.000000000e+00, v6;
	_ =	sdelay $0x1  }
0x17d: {  	[tilespmem:v9+s13+$0x0] =	vst.idx.msk $0xffff, v61  }
0x17e: {  	s29 =	sadd.s32 $0xE00, s28;
	[tilespmem:v60+s13+$0x0] =	vst.idx.add.f32.msk $0xffff, v6  }
0x17f: {  	[hbm4b:s29+s2] =	stream.linear.scatter [tilespmem:s13], [sflag:$0x8], $0x1000, $0x38;
	[tilespmem:$0x12000] =	vst v63  }
0x180: {  	s29 =	simm.s32 @!p0 $0x9  }
0x181: {  	_ =	swait.ge @!p0 [sflag:s29], $0x1000  }
0x182: {  	[sflag:s29] =	ssyncset.done @!p0 $0x0  }
0x183: {  	[sflag:s29] =	ssyncadd.s32 @!p0 $0xFFFFF000  }
0x184: {  	v6 =	vld @!p0 [tilespmem:s25+$0xFFFFFF80];
	_ =	sdelay $0x4  }
0x185: {  	v6 =	vmax.f32 @!p0 v6, $-2.000000000e+01  }
0x186: {  	v6 =	vmin.f32 @!p0 v6, $2.000000000e+01  }
0x187: {  	v6 =	vadd.f32 @!p0 $2.000000000e+01, v6;
	_ =	sdelay $0x1  }
0x188: {  	v6 =	vmul.f32 @!p0 v6, v0;
	_ =	sdelay $0x1  }
0x189: {  	v6 =	vtrunc.f32 @!p0 v6  }
0x18a: {  	v6 =	vcvt.f32.s32 @!p0 v6;
	_ =	sdelay $0x1  }
0x18b: {  	v7 =	vadd.s32 @!p0 $0x1, v6  }
0x18c: {  	vm0 =	vlt.s32 @!p0 v7, $0xFE  }
0x18d: {  	v8 =	vshll.u32 @!p0 v6, $0x3;
	v7 =	vnsel @!p0 vm0, $0xFE, v7  }
0x18e: {  	v6 =	vand.u32 @!p0 $0x7F, v6;
	v8 =	vand.u32 @!p0 $0xFFFFFC00, v8;
	v9 =	vshll.u32 @!p0 v7, $0x3  }
0x18f: {  	v6 =	vor.u32 @!p0 v6, v8;
	v7 =	vand.u32 @!p0 $0x7F, v7;
	v8 =	vand.u32 @!p0 $0xFFFFFC00, v9  }
0x190: {  	v6 =	vadd.s32 @!p0 v4, v6;
	v7 =	vor.u32 @!p0 v7, v8  }
0x191: {  	v7 =	vadd.s32 @!p0 v4, v7;
	_ =	sdelay $0x2  }
0x192: {  	s29 =	simm.s32 @!p0 $0xA000  }
0x193: {  	[tilespmem:v6+s29+$0x0] =	vst.idx.msk @!p0 $0xffff, v5  }
0x194: {  	[tilespmem:v7+s29+$0x0] =	vst.idx.msk @!p0 $0xffff, v5  }
0x195: {  	v6 =	vld [tilespmem:s25+$0x80];
	_ =	sdelay $0x4  }
0x196: {  	v6 =	vmax.f32 v6, $-2.000000000e+01  }
0x197: {  	v6 =	vmin.f32 v6, $2.000000000e+01  }
0x198: {  	v6 =	vadd.f32 $2.000000000e+01, v6;
	_ =	sdelay $0x1  }
0x199: {  	v6 =	vmul.f32 v6, v0;
	_ =	sdelay $0x1  }
0x19a: {  	v62 =	vtrunc.f32 v6  }
0x19b: {  	v7 =	vcvt.f32.s32 v62;
	_ =	sdelay $0x1  }
0x19c: {  	v63 =	vadd.s32 $0x1, v7  }
0x19d: {  	vm8 =	vlt.s32 v63, $0xFE  }
0x19e: {  	v12 =	vshll.u32 v7, $0x3;
	v13 =	vand.u32 $0x7F, v7;
	v8 =	vnsel vm8, $0xFE, v63  }
0x19f: {  	v7 =	vcvt.s32.f32 v7;
	v9 =	vand.u32 $0xFFFFFC00, v12;
	v14 =	vshll.u32 v8, $0x3  }
0x1a0: {  	v9 =	vor.u32 v13, v9;
	v8 =	vand.u32 $0x7F, v8;
	v10 =	vand.u32 $0xFFFFFC00, v14  }
0x1a1: {  	v9 =	vadd.s32 v3, v9;
	v8 =	vor.u32 v8, v10  }
0x1a2: {  	v6 =	vsub.f32 v6, v7;
	v15 =	vadd.s32 v3, v8;
	_ =	sdelay $0x1  }
0x1a3: {  	v16 =	vsub.f32 $1.000000000e+00, v6;
	_ =	sdelay $0x1  }
0x1a4: {  	[tilespmem:v9+s14+$0x0] =	vst.idx.msk $0xffff, v16  }
0x1a5: {  	s29 =	sadd.s32 $0x1000, s28;
	[tilespmem:v15+s14+$0x0] =	vst.idx.add.f32.msk $0xffff, v6  }
0x1a6: {  	[hbm4b:s29+s2] =	stream.linear.scatter [tilespmem:s14], [sflag:$0x9], $0x1000, $0x38;
	[tilespmem:$0x12000] =	vst v63  }
0x1a7: {  	s29 =	simm.s32 @!p0 $0xA  }
0x1a8: {  	_ =	swait.ge @!p0 [sflag:s29], $0x1000  }
0x1a9: {  	[sflag:s29] =	ssyncset.done @!p0 $0x0  }
0x1aa: {  	[sflag:s29] =	ssyncadd.s32 @!p0 $0xFFFFF000  }
0x1ab: {  	v6 =	vld @!p0 [tilespmem:s25+$0xFFFFFF90];
	_ =	sdelay $0x4  }
0x1ac: {  	v6 =	vmax.f32 @!p0 v6, $-2.000000000e+01  }
0x1ad: {  	v6 =	vmin.f32 @!p0 v6, $2.000000000e+01  }
0x1ae: {  	v6 =	vadd.f32 @!p0 $2.000000000e+01, v6;
	_ =	sdelay $0x1  }
0x1af: {  	v6 =	vmul.f32 @!p0 v6, v0;
	_ =	sdelay $0x1  }
0x1b0: {  	v6 =	vtrunc.f32 @!p0 v6  }
0x1b1: {  	v6 =	vcvt.f32.s32 @!p0 v6;
	_ =	sdelay $0x1  }
0x1b2: {  	v7 =	vadd.s32 @!p0 $0x1, v6  }
0x1b3: {  	vm0 =	vlt.s32 @!p0 v7, $0xFE  }
0x1b4: {  	v8 =	vshll.u32 @!p0 v6, $0x3;
	v7 =	vnsel @!p0 vm0, $0xFE, v7  }
0x1b5: {  	v6 =	vand.u32 @!p0 $0x7F, v6;
	v8 =	vand.u32 @!p0 $0xFFFFFC00, v8;
	v9 =	vshll.u32 @!p0 v7, $0x3  }
0x1b6: {  	v6 =	vor.u32 @!p0 v6, v8;
	v7 =	vand.u32 @!p0 $0x7F, v7;
	v8 =	vand.u32 @!p0 $0xFFFFFC00, v9  }
0x1b7: {  	v6 =	vadd.s32 @!p0 v4, v6;
	v7 =	vor.u32 @!p0 v7, v8  }
0x1b8: {  	v7 =	vadd.s32 @!p0 v4, v7;
	_ =	sdelay $0x2  }
0x1b9: {  	s29 =	simm.s32 @!p0 $0xB000  }
0x1ba: {  	[tilespmem:v6+s29+$0x0] =	vst.idx.msk @!p0 $0xffff, v5  }
0x1bb: {  	[tilespmem:v7+s29+$0x0] =	vst.idx.msk @!p0 $0xffff, v5  }
0x1bc: {  	v6 =	vld [tilespmem:s25+$0x90];
	_ =	sdelay $0x4  }
0x1bd: {  	v6 =	vmax.f32 v6, $-2.000000000e+01  }
0x1be: {  	v6 =	vmin.f32 v6, $2.000000000e+01  }
0x1bf: {  	v6 =	vadd.f32 $2.000000000e+01, v6;
	_ =	sdelay $0x1  }
0x1c0: {  	v6 =	vmul.f32 v6, v0;
	_ =	sdelay $0x1  }
0x1c1: {  	v17 =	vtrunc.f32 v6  }
0x1c2: {  	v7 =	vcvt.f32.s32 v17;
	_ =	sdelay $0x1  }
0x1c3: {  	v18 =	vadd.s32 $0x1, v7  }
0x1c4: {  	vm9 =	vlt.s32 v18, $0xFE  }
0x1c5: {  	v19 =	vshll.u32 v7, $0x3;
	v20 =	vand.u32 $0x7F, v7;
	v8 =	vnsel vm9, $0xFE, v18  }
0x1c6: {  	v7 =	vcvt.s32.f32 v7;
	v9 =	vand.u32 $0xFFFFFC00, v19;
	v21 =	vshll.u32 v8, $0x3  }
0x1c7: {  	v9 =	vor.u32 v20, v9;
	v8 =	vand.u32 $0x7F, v8;
	v10 =	vand.u32 $0xFFFFFC00, v21  }
0x1c8: {  	v9 =	vadd.s32 v3, v9;
	v8 =	vor.u32 v8, v10  }
0x1c9: {  	v6 =	vsub.f32 v6, v7;
	v22 =	vadd.s32 v3, v8;
	_ =	sdelay $0x1  }
0x1ca: {  	v23 =	vsub.f32 $1.000000000e+00, v6;
	_ =	sdelay $0x1  }
0x1cb: {  	[tilespmem:v9+s15+$0x0] =	vst.idx.msk $0xffff, v23  }
0x1cc: {  	s29 =	sadd.s32 $0x1200, s28;
	[tilespmem:v22+s15+$0x0] =	vst.idx.add.f32.msk $0xffff, v6  }
0x1cd: {  	[hbm4b:s29+s2] =	stream.linear.scatter [tilespmem:s15], [sflag:$0xA], $0x1000, $0x38;
	[tilespmem:$0x12000] =	vst v63  }
0x1ce: {  	s29 =	simm.s32 @!p0 $0xB  }
0x1cf: {  	_ =	swait.ge @!p0 [sflag:s29], $0x1000  }
0x1d0: {  	[sflag:s29] =	ssyncset.done @!p0 $0x0  }
0x1d1: {  	[sflag:s29] =	ssyncadd.s32 @!p0 $0xFFFFF000  }
0x1d2: {  	v6 =	vld @!p0 [tilespmem:s25+$0xFFFFFFA0];
	_ =	sdelay $0x4  }
0x1d3: {  	v6 =	vmax.f32 @!p0 v6, $-2.000000000e+01  }
0x1d4: {  	v6 =	vmin.f32 @!p0 v6, $2.000000000e+01  }
0x1d5: {  	v6 =	vadd.f32 @!p0 $2.000000000e+01, v6;
	_ =	sdelay $0x1  }
0x1d6: {  	v6 =	vmul.f32 @!p0 v6, v0;
	_ =	sdelay $0x1  }
0x1d7: {  	v6 =	vtrunc.f32 @!p0 v6  }
0x1d8: {  	v6 =	vcvt.f32.s32 @!p0 v6;
	_ =	sdelay $0x1  }
0x1d9: {  	v7 =	vadd.s32 @!p0 $0x1, v6  }
0x1da: {  	vm0 =	vlt.s32 @!p0 v7, $0xFE  }
0x1db: {  	v8 =	vshll.u32 @!p0 v6, $0x3;
	v7 =	vnsel @!p0 vm0, $0xFE, v7  }
0x1dc: {  	v6 =	vand.u32 @!p0 $0x7F, v6;
	v8 =	vand.u32 @!p0 $0xFFFFFC00, v8;
	v9 =	vshll.u32 @!p0 v7, $0x3  }
0x1dd: {  	v6 =	vor.u32 @!p0 v6, v8;
	v7 =	vand.u32 @!p0 $0x7F, v7;
	v8 =	vand.u32 @!p0 $0xFFFFFC00, v9  }
0x1de: {  	v6 =	vadd.s32 @!p0 v4, v6;
	v7 =	vor.u32 @!p0 v7, v8  }
0x1df: {  	v7 =	vadd.s32 @!p0 v4, v7;
	_ =	sdelay $0x2  }
0x1e0: {  	s29 =	simm.s32 @!p0 $0xC000  }
0x1e1: {  	[tilespmem:v6+s29+$0x0] =	vst.idx.msk @!p0 $0xffff, v5  }
0x1e2: {  	[tilespmem:v7+s29+$0x0] =	vst.idx.msk @!p0 $0xffff, v5  }
0x1e3: {  	v6 =	vld [tilespmem:s25+$0xA0];
	_ =	sdelay $0x4  }
0x1e4: {  	v6 =	vmax.f32 v6, $-2.000000000e+01  }
0x1e5: {  	v6 =	vmin.f32 v6, $2.000000000e+01  }
0x1e6: {  	v6 =	vadd.f32 $2.000000000e+01, v6;
	_ =	sdelay $0x1  }
0x1e7: {  	v6 =	vmul.f32 v6, v0;
	_ =	sdelay $0x1  }
0x1e8: {  	v24 =	vtrunc.f32 v6  }
0x1e9: {  	v7 =	vcvt.f32.s32 v24;
	_ =	sdelay $0x1  }
0x1ea: {  	v25 =	vadd.s32 $0x1, v7  }
0x1eb: {  	vm10 =	vlt.s32 v25, $0xFE  }
0x1ec: {  	v26 =	vshll.u32 v7, $0x3;
	v27 =	vand.u32 $0x7F, v7;
	v8 =	vnsel vm10, $0xFE, v25  }
0x1ed: {  	v7 =	vcvt.s32.f32 v7;
	v9 =	vand.u32 $0xFFFFFC00, v26;
	v28 =	vshll.u32 v8, $0x3  }
0x1ee: {  	v9 =	vor.u32 v27, v9;
	v8 =	vand.u32 $0x7F, v8;
	v10 =	vand.u32 $0xFFFFFC00, v28  }
0x1ef: {  	v9 =	vadd.s32 v3, v9;
	v8 =	vor.u32 v8, v10  }
0x1f0: {  	v6 =	vsub.f32 v6, v7;
	v29 =	vadd.s32 v3, v8;
	_ =	sdelay $0x1  }
0x1f1: {  	v30 =	vsub.f32 $1.000000000e+00, v6;
	_ =	sdelay $0x1  }
0x1f2: {  	[tilespmem:v9+s16+$0x0] =	vst.idx.msk $0xffff, v30  }
0x1f3: {  	s29 =	sadd.s32 $0x1400, s28;
	[tilespmem:v29+s16+$0x0] =	vst.idx.add.f32.msk $0xffff, v6  }
0x1f4: {  	[hbm4b:s29+s2] =	stream.linear.scatter [tilespmem:s16], [sflag:$0xB], $0x1000, $0x38;
	[tilespmem:$0x12000] =	vst v63  }
0x1f5: {  	s29 =	simm.s32 @!p0 $0xC  }
0x1f6: {  	_ =	swait.ge @!p0 [sflag:s29], $0x1000  }
0x1f7: {  	[sflag:s29] =	ssyncset.done @!p0 $0x0  }
0x1f8: {  	[sflag:s29] =	ssyncadd.s32 @!p0 $0xFFFFF000  }
0x1f9: {  	v6 =	vld @!p0 [tilespmem:s25+$0xFFFFFFB0];
	_ =	sdelay $0x4  }
0x1fa: {  	v6 =	vmax.f32 @!p0 v6, $-2.000000000e+01  }
0x1fb: {  	v6 =	vmin.f32 @!p0 v6, $2.000000000e+01  }
0x1fc: {  	v6 =	vadd.f32 @!p0 $2.000000000e+01, v6;
	_ =	sdelay $0x1  }
0x1fd: {  	v6 =	vmul.f32 @!p0 v6, v0;
	_ =	sdelay $0x1  }
0x1fe: {  	v6 =	vtrunc.f32 @!p0 v6  }
0x1ff: {  	v6 =	vcvt.f32.s32 @!p0 v6;
	_ =	sdelay $0x1  }
0x200: {  	v7 =	vadd.s32 @!p0 $0x1, v6  }
0x201: {  	vm0 =	vlt.s32 @!p0 v7, $0xFE  }
0x202: {  	v8 =	vshll.u32 @!p0 v6, $0x3;
	v7 =	vnsel @!p0 vm0, $0xFE, v7  }
0x203: {  	v6 =	vand.u32 @!p0 $0x7F, v6;
	v8 =	vand.u32 @!p0 $0xFFFFFC00, v8;
	v9 =	vshll.u32 @!p0 v7, $0x3  }
0x204: {  	v6 =	vor.u32 @!p0 v6, v8;
	v7 =	vand.u32 @!p0 $0x7F, v7;
	v8 =	vand.u32 @!p0 $0xFFFFFC00, v9  }
0x205: {  	v6 =	vadd.s32 @!p0 v4, v6;
	v7 =	vor.u32 @!p0 v7, v8  }
0x206: {  	v7 =	vadd.s32 @!p0 v4, v7;
	_ =	sdelay $0x2  }
0x207: {  	s29 =	simm.s32 @!p0 $0xD000  }
0x208: {  	[tilespmem:v6+s29+$0x0] =	vst.idx.msk @!p0 $0xffff, v5  }
0x209: {  	[tilespmem:v7+s29+$0x0] =	vst.idx.msk @!p0 $0xffff, v5  }
0x20a: {  	v6 =	vld [tilespmem:s25+$0xB0];
	_ =	sdelay $0x4  }
0x20b: {  	v6 =	vmax.f32 v6, $-2.000000000e+01  }
0x20c: {  	v6 =	vmin.f32 v6, $2.000000000e+01  }
0x20d: {  	v6 =	vadd.f32 $2.000000000e+01, v6;
	_ =	sdelay $0x1  }
0x20e: {  	v6 =	vmul.f32 v6, v0;
	_ =	sdelay $0x1  }
0x20f: {  	v31 =	vtrunc.f32 v6  }
0x210: {  	v7 =	vcvt.f32.s32 v31;
	_ =	sdelay $0x1  }
0x211: {  	v32 =	vadd.s32 $0x1, v7  }
0x212: {  	vm11 =	vlt.s32 v32, $0xFE  }
0x213: {  	v33 =	vshll.u32 v7, $0x3;
	v34 =	vand.u32 $0x7F, v7;
	v8 =	vnsel vm11, $0xFE, v32  }
0x214: {  	v7 =	vcvt.s32.f32 v7;
	v9 =	vand.u32 $0xFFFFFC00, v33;
	v35 =	vshll.u32 v8, $0x3  }
0x215: {  	v9 =	vor.u32 v34, v9;
	v8 =	vand.u32 $0x7F, v8;
	v10 =	vand.u32 $0xFFFFFC00, v35  }
0x216: {  	v9 =	vadd.s32 v3, v9;
	v8 =	vor.u32 v8, v10  }
0x217: {  	v6 =	vsub.f32 v6, v7;
	v36 =	vadd.s32 v3, v8;
	_ =	sdelay $0x1  }
0x218: {  	v37 =	vsub.f32 $1.000000000e+00, v6;
	_ =	sdelay $0x1  }
0x219: {  	[tilespmem:v9+s17+$0x0] =	vst.idx.msk $0xffff, v37  }
0x21a: {  	s29 =	sadd.s32 $0x1600, s28;
	[tilespmem:v36+s17+$0x0] =	vst.idx.add.f32.msk $0xffff, v6  }
0x21b: {  	[hbm4b:s29+s2] =	stream.linear.scatter [tilespmem:s17], [sflag:$0xC], $0x1000, $0x38;
	[tilespmem:$0x12000] =	vst v63  }
0x21c: {  	s29 =	simm.s32 @!p0 $0xD  }
0x21d: {  	_ =	swait.ge @!p0 [sflag:s29], $0x1000  }
0x21e: {  	[sflag:s29] =	ssyncset.done @!p0 $0x0  }
0x21f: {  	[sflag:s29] =	ssyncadd.s32 @!p0 $0xFFFFF000  }
0x220: {  	v6 =	vld @!p0 [tilespmem:s25+$0xFFFFFFC0];
	_ =	sdelay $0x4  }
0x221: {  	v6 =	vmax.f32 @!p0 v6, $-2.000000000e+01  }
0x222: {  	v6 =	vmin.f32 @!p0 v6, $2.000000000e+01  }
0x223: {  	v6 =	vadd.f32 @!p0 $2.000000000e+01, v6;
	_ =	sdelay $0x1  }
0x224: {  	v6 =	vmul.f32 @!p0 v6, v0;
	_ =	sdelay $0x1  }
0x225: {  	v6 =	vtrunc.f32 @!p0 v6  }
0x226: {  	v6 =	vcvt.f32.s32 @!p0 v6;
	_ =	sdelay $0x1  }
0x227: {  	v7 =	vadd.s32 @!p0 $0x1, v6  }
0x228: {  	vm0 =	vlt.s32 @!p0 v7, $0xFE  }
0x229: {  	v8 =	vshll.u32 @!p0 v6, $0x3;
	v7 =	vnsel @!p0 vm0, $0xFE, v7  }
0x22a: {  	v6 =	vand.u32 @!p0 $0x7F, v6;
	v8 =	vand.u32 @!p0 $0xFFFFFC00, v8;
	v9 =	vshll.u32 @!p0 v7, $0x3  }
0x22b: {  	v6 =	vor.u32 @!p0 v6, v8;
	v7 =	vand.u32 @!p0 $0x7F, v7;
	v8 =	vand.u32 @!p0 $0xFFFFFC00, v9  }
0x22c: {  	v6 =	vadd.s32 @!p0 v4, v6;
	v7 =	vor.u32 @!p0 v7, v8  }
0x22d: {  	v7 =	vadd.s32 @!p0 v4, v7;
	_ =	sdelay $0x2  }
0x22e: {  	s29 =	simm.s32 @!p0 $0xE000  }
0x22f: {  	[tilespmem:v6+s29+$0x0] =	vst.idx.msk @!p0 $0xffff, v5  }
0x230: {  	[tilespmem:v7+s29+$0x0] =	vst.idx.msk @!p0 $0xffff, v5  }
0x231: {  	v6 =	vld [tilespmem:s25+$0xC0];
	_ =	sdelay $0x4  }
0x232: {  	v6 =	vmax.f32 v6, $-2.000000000e+01  }
0x233: {  	v6 =	vmin.f32 v6, $2.000000000e+01  }
0x234: {  	v6 =	vadd.f32 $2.000000000e+01, v6;
	_ =	sdelay $0x1  }
0x235: {  	v6 =	vmul.f32 v6, v0;
	_ =	sdelay $0x1  }
0x236: {  	v38 =	vtrunc.f32 v6  }
0x237: {  	v7 =	vcvt.f32.s32 v38;
	_ =	sdelay $0x1  }
0x238: {  	v39 =	vadd.s32 $0x1, v7  }
0x239: {  	vm12 =	vlt.s32 v39, $0xFE  }
0x23a: {  	v40 =	vshll.u32 v7, $0x3;
	v41 =	vand.u32 $0x7F, v7;
	v8 =	vnsel vm12, $0xFE, v39  }
0x23b: {  	v7 =	vcvt.s32.f32 v7;
	v9 =	vand.u32 $0xFFFFFC00, v40;
	v42 =	vshll.u32 v8, $0x3  }
0x23c: {  	v9 =	vor.u32 v41, v9;
	v8 =	vand.u32 $0x7F, v8;
	v10 =	vand.u32 $0xFFFFFC00, v42  }
0x23d: {  	v9 =	vadd.s32 v3, v9;
	v8 =	vor.u32 v8, v10  }
0x23e: {  	v6 =	vsub.f32 v6, v7;
	v43 =	vadd.s32 v3, v8;
	_ =	sdelay $0x1  }
0x23f: {  	v44 =	vsub.f32 $1.000000000e+00, v6;
	_ =	sdelay $0x1  }
0x240: {  	[tilespmem:v9+s18+$0x0] =	vst.idx.msk $0xffff, v44  }
0x241: {  	s29 =	sadd.s32 $0x1800, s28;
	[tilespmem:v43+s18+$0x0] =	vst.idx.add.f32.msk $0xffff, v6  }
0x242: {  	[hbm4b:s29+s2] =	stream.linear.scatter [tilespmem:s18], [sflag:$0xD], $0x1000, $0x38;
	[tilespmem:$0x12000] =	vst v63  }
0x243: {  	s29 =	simm.s32 @!p0 $0xE  }
0x244: {  	_ =	swait.ge @!p0 [sflag:s29], $0x1000  }
0x245: {  	[sflag:s29] =	ssyncset.done @!p0 $0x0  }
0x246: {  	[sflag:s29] =	ssyncadd.s32 @!p0 $0xFFFFF000  }
0x247: {  	v6 =	vld @!p0 [tilespmem:s25+$0xFFFFFFD0];
	_ =	sdelay $0x4  }
0x248: {  	v6 =	vmax.f32 @!p0 v6, $-2.000000000e+01  }
0x249: {  	v6 =	vmin.f32 @!p0 v6, $2.000000000e+01  }
0x24a: {  	v6 =	vadd.f32 @!p0 $2.000000000e+01, v6;
	_ =	sdelay $0x1  }
0x24b: {  	v6 =	vmul.f32 @!p0 v6, v0;
	_ =	sdelay $0x1  }
0x24c: {  	v6 =	vtrunc.f32 @!p0 v6  }
0x24d: {  	v6 =	vcvt.f32.s32 @!p0 v6;
	_ =	sdelay $0x1  }
0x24e: {  	v7 =	vadd.s32 @!p0 $0x1, v6  }
0x24f: {  	vm0 =	vlt.s32 @!p0 v7, $0xFE  }
0x250: {  	v8 =	vshll.u32 @!p0 v6, $0x3;
	v7 =	vnsel @!p0 vm0, $0xFE, v7  }
0x251: {  	v6 =	vand.u32 @!p0 $0x7F, v6;
	v8 =	vand.u32 @!p0 $0xFFFFFC00, v8;
	v9 =	vshll.u32 @!p0 v7, $0x3  }
0x252: {  	v6 =	vor.u32 @!p0 v6, v8;
	v7 =	vand.u32 @!p0 $0x7F, v7;
	v8 =	vand.u32 @!p0 $0xFFFFFC00, v9  }
0x253: {  	v6 =	vadd.s32 @!p0 v4, v6;
	v7 =	vor.u32 @!p0 v7, v8  }
0x254: {  	v7 =	vadd.s32 @!p0 v4, v7;
	_ =	sdelay $0x2  }
0x255: {  	s29 =	simm.s32 @!p0 $0xF000  }
0x256: {  	[tilespmem:v6+s29+$0x0] =	vst.idx.msk @!p0 $0xffff, v5  }
0x257: {  	[tilespmem:v7+s29+$0x0] =	vst.idx.msk @!p0 $0xffff, v5  }
0x258: {  	v6 =	vld [tilespmem:s25+$0xD0];
	_ =	sdelay $0x4  }
0x259: {  	v6 =	vmax.f32 v6, $-2.000000000e+01  }
0x25a: {  	v6 =	vmin.f32 v6, $2.000000000e+01  }
0x25b: {  	v6 =	vadd.f32 $2.000000000e+01, v6;
	_ =	sdelay $0x1  }
0x25c: {  	v6 =	vmul.f32 v6, v0;
	_ =	sdelay $0x1  }
0x25d: {  	v45 =	vtrunc.f32 v6  }
0x25e: {  	v7 =	vcvt.f32.s32 v45;
	_ =	sdelay $0x1  }
0x25f: {  	v46 =	vadd.s32 $0x1, v7  }
0x260: {  	vm13 =	vlt.s32 v46, $0xFE  }
0x261: {  	v47 =	vshll.u32 v7, $0x3;
	v48 =	vand.u32 $0x7F, v7;
	v8 =	vnsel vm13, $0xFE, v46  }
0x262: {  	v7 =	vcvt.s32.f32 v7;
	v9 =	vand.u32 $0xFFFFFC00, v47;
	v49 =	vshll.u32 v8, $0x3  }
0x263: {  	v9 =	vor.u32 v48, v9;
	v8 =	vand.u32 $0x7F, v8;
	v10 =	vand.u32 $0xFFFFFC00, v49  }
0x264: {  	v9 =	vadd.s32 v3, v9;
	v8 =	vor.u32 v8, v10  }
0x265: {  	v6 =	vsub.f32 v6, v7;
	v50 =	vadd.s32 v3, v8;
	_ =	sdelay $0x1  }
0x266: {  	v51 =	vsub.f32 $1.000000000e+00, v6;
	_ =	sdelay $0x1  }
0x267: {  	[tilespmem:v9+s19+$0x0] =	vst.idx.msk $0xffff, v51  }
0x268: {  	s29 =	sadd.s32 $0x1A00, s28;
	[tilespmem:v50+s19+$0x0] =	vst.idx.add.f32.msk $0xffff, v6  }
0x269: {  	[hbm4b:s29+s2] =	stream.linear.scatter [tilespmem:s19], [sflag:$0xE], $0x1000, $0x38;
	[tilespmem:$0x12000] =	vst v63  }
0x26a: {  	s29 =	simm.s32 @!p0 $0xF  }
0x26b: {  	_ =	swait.ge @!p0 [sflag:s29], $0x1000  }
0x26c: {  	[sflag:s29] =	ssyncset.done @!p0 $0x0  }
0x26d: {  	[sflag:s29] =	ssyncadd.s32 @!p0 $0xFFFFF000  }
0x26e: {  	v6 =	vld @!p0 [tilespmem:s25+$0xFFFFFFE0];
	_ =	sdelay $0x4  }
0x26f: {  	v6 =	vmax.f32 @!p0 v6, $-2.000000000e+01  }
0x270: {  	v6 =	vmin.f32 @!p0 v6, $2.000000000e+01  }
0x271: {  	v6 =	vadd.f32 @!p0 $2.000000000e+01, v6;
	_ =	sdelay $0x1  }
0x272: {  	v6 =	vmul.f32 @!p0 v6, v0;
	_ =	sdelay $0x1  }
0x273: {  	v6 =	vtrunc.f32 @!p0 v6  }
0x274: {  	v6 =	vcvt.f32.s32 @!p0 v6;
	_ =	sdelay $0x1  }
0x275: {  	v7 =	vadd.s32 @!p0 $0x1, v6  }
0x276: {  	vm0 =	vlt.s32 @!p0 v7, $0xFE  }
0x277: {  	v8 =	vshll.u32 @!p0 v6, $0x3;
	v7 =	vnsel @!p0 vm0, $0xFE, v7  }
0x278: {  	v6 =	vand.u32 @!p0 $0x7F, v6;
	v8 =	vand.u32 @!p0 $0xFFFFFC00, v8;
	v9 =	vshll.u32 @!p0 v7, $0x3  }
0x279: {  	v6 =	vor.u32 @!p0 v6, v8;
	v7 =	vand.u32 @!p0 $0x7F, v7;
	v8 =	vand.u32 @!p0 $0xFFFFFC00, v9  }
0x27a: {  	v6 =	vadd.s32 @!p0 v4, v6;
	v7 =	vor.u32 @!p0 v7, v8  }
0x27b: {  	v7 =	vadd.s32 @!p0 v4, v7;
	_ =	sdelay $0x2  }
0x27c: {  	s29 =	simm.s32 @!p0 $0x10000  }
0x27d: {  	[tilespmem:v6+s29+$0x0] =	vst.idx.msk @!p0 $0xffff, v5  }
0x27e: {  	[tilespmem:v7+s29+$0x0] =	vst.idx.msk @!p0 $0xffff, v5  }
0x27f: {  	v6 =	vld [tilespmem:s25+$0xE0];
	_ =	sdelay $0x4  }
0x280: {  	v6 =	vmax.f32 v6, $-2.000000000e+01  }
0x281: {  	v6 =	vmin.f32 v6, $2.000000000e+01  }
0x282: {  	v6 =	vadd.f32 $2.000000000e+01, v6;
	_ =	sdelay $0x1  }
0x283: {  	v6 =	vmul.f32 v6, v0;
	_ =	sdelay $0x1  }
0x284: {  	v52 =	vtrunc.f32 v6  }
0x285: {  	v7 =	vcvt.f32.s32 v52;
	_ =	sdelay $0x1  }
0x286: {  	v53 =	vadd.s32 $0x1, v7  }
0x287: {  	vm14 =	vlt.s32 v53, $0xFE  }
0x288: {  	v54 =	vshll.u32 v7, $0x3;
	v55 =	vand.u32 $0x7F, v7;
	v8 =	vnsel vm14, $0xFE, v53  }
0x289: {  	v7 =	vcvt.s32.f32 v7;
	v9 =	vand.u32 $0xFFFFFC00, v54;
	v56 =	vshll.u32 v8, $0x3  }
0x28a: {  	v9 =	vor.u32 v55, v9;
	v8 =	vand.u32 $0x7F, v8;
	v10 =	vand.u32 $0xFFFFFC00, v56  }
0x28b: {  	v9 =	vadd.s32 v3, v9;
	v8 =	vor.u32 v8, v10  }
0x28c: {  	v6 =	vsub.f32 v6, v7;
	v57 =	vadd.s32 v3, v8;
	_ =	sdelay $0x1  }
0x28d: {  	v58 =	vsub.f32 $1.000000000e+00, v6;
	_ =	sdelay $0x1  }
0x28e: {  	[tilespmem:v9+s20+$0x0] =	vst.idx.msk $0xffff, v58  }
0x28f: {  	s29 =	sadd.s32 $0x1C00, s28;
	[tilespmem:v57+s20+$0x0] =	vst.idx.add.f32.msk $0xffff, v6  }
0x290: {  	[hbm4b:s29+s2] =	stream.linear.scatter [tilespmem:s20], [sflag:$0xF], $0x1000, $0x38;
	[tilespmem:$0x12000] =	vst v63  }
0x291: {  	s29 =	simm.s32 @!p0 $0x10  }
0x292: {  	_ =	swait.ge @!p0 [sflag:s29], $0x1000  }
0x293: {  	[sflag:s29] =	ssyncset.done @!p0 $0x0  }
0x294: {  	[sflag:s29] =	ssyncadd.s32 @!p0 $0xFFFFF000  }
0x295: {  	v6 =	vld @!p0 [tilespmem:s25+$0xFFFFFFF0];
	_ =	sdelay $0x4  }
0x296: {  	v6 =	vmax.f32 @!p0 v6, $-2.000000000e+01  }
0x297: {  	v6 =	vmin.f32 @!p0 v6, $2.000000000e+01  }
0x298: {  	v6 =	vadd.f32 @!p0 $2.000000000e+01, v6;
	_ =	sdelay $0x1  }
0x299: {  	v6 =	vmul.f32 @!p0 v6, v0;
	_ =	sdelay $0x1  }
0x29a: {  	v6 =	vtrunc.f32 @!p0 v6  }
0x29b: {  	v6 =	vcvt.f32.s32 @!p0 v6;
	_ =	sdelay $0x1  }
0x29c: {  	v7 =	vadd.s32 @!p0 $0x1, v6  }
0x29d: {  	vm0 =	vlt.s32 @!p0 v7, $0xFE  }
0x29e: {  	v8 =	vshll.u32 @!p0 v6, $0x3;
	v7 =	vnsel @!p0 vm0, $0xFE, v7  }
0x29f: {  	v6 =	vand.u32 @!p0 $0x7F, v6;
	v8 =	vand.u32 @!p0 $0xFFFFFC00, v8;
	v9 =	vshll.u32 @!p0 v7, $0x3  }
0x2a0: {  	v6 =	vor.u32 @!p0 v6, v8;
	v7 =	vand.u32 @!p0 $0x7F, v7;
	v8 =	vand.u32 @!p0 $0xFFFFFC00, v9  }
0x2a1: {  	v6 =	vadd.s32 @!p0 v4, v6;
	v7 =	vor.u32 @!p0 v7, v8  }
0x2a2: {  	v4 =	vadd.s32 @!p0 v4, v7;
	_ =	sdelay $0x2  }
0x2a3: {  	s29 =	simm.s32 @!p0 $0x11000  }
0x2a4: {  	[tilespmem:v6+s29+$0x0] =	vst.idx.msk @!p0 $0xffff, v5  }
0x2a5: {  	[tilespmem:v4+s29+$0x0] =	vst.idx.msk @!p0 $0xffff, v5  }
0x2a6: {  	v4 =	vld [tilespmem:s25+$0xF0];
	_ =	sdelay $0x4  }
0x2a7: {  	v4 =	vmax.f32 v4, $-2.000000000e+01  }
0x2a8: {  	v4 =	vmin.f32 v4, $2.000000000e+01  }
0x2a9: {  	v4 =	vadd.f32 $2.000000000e+01, v4;
	_ =	sdelay $0x1  }
0x2aa: {  	v4 =	vmul.f32 v4, v0;
	_ =	sdelay $0x1  }
0x2ab: {  	v5 =	vtrunc.f32 v4  }
0x2ac: {  	v5 =	vcvt.f32.s32 v5;
	_ =	sdelay $0x1  }
0x2ad: {  	v59 =	vadd.s32 $0x1, v5  }
0x2ae: {  	vm15 =	vlt.s32 v59, $0xFE  }
0x2af: {  	v60 =	vcvt.s32.f32 v5;
	v61 =	vshll.u32 v5, $0x3;
	v6 =	vnsel vm15, $0xFE, v59  }
0x2b0: {  	v5 =	vand.u32 $0x7F, v5;
	v8 =	vand.u32 $0xFFFFFC00, v61;
	v62 =	vshll.u32 v6, $0x3  }
0x2b1: {  	v5 =	vor.u32 v5, v8;
	v6 =	vand.u32 $0x7F, v6;
	v63 =	vand.u32 $0xFFFFFC00, v62  }
0x2b2: {  	v5 =	vadd.s32 v3, v5;
	v6 =	vor.u32 v6, v63  }
0x2b3: {  	s26 =	sadd.s32 $0x2000, s26;
	v4 =	vsub.f32 v4, v60;
	v6 =	vadd.s32 v3, v6  }
0x2b4: {  	p0 =	sne.s32 s26, $0x40000  }
.Ltmp1:
0x2b5: {  	v7 =	vsub.f32 $1.000000000e+00, v4;
	(pc) =	sbr.rel @p0 .LBB2_4-.Ltmp1, $4  }
0x2b6: {  	_ = 	snop  }
0x2b7: {  	[tilespmem:v5+s21+$0x0] =	vst.idx.msk $0xffff, v7  }
0x2b8: {  	s28 =	sadd.s32 $0x1E00, s28;
	s25 =	sadd.s32 $0x100, s25;
	[tilespmem:v6+s21+$0x0] =	vst.idx.add.f32.msk $0xffff, v4  }
0x2b9: {  	[hbm4b:s28+s2] =	stream.linear.scatter [tilespmem:s21], [sflag:$0x10], $0x1000, $0x38;
	[tilespmem:$0x12000] =	vst v63  }
0x2ba: {  	s25 =	simm.s32 $0x1  }
0x2bb: {  	_ =	swait.ge [sflag:s25], $0x1000  }
0x2bc: {  	[sflag:s25] =	ssyncset.done $0x0  }
0x2bd: {  	s29 =	simm.s32 $0x2;
	[sflag:s25] =	ssyncadd.s32 $0xFFFFF000  }
0x2be: {  	_ =	swait.ge [sflag:s29], $0x1000  }
0x2bf: {  	[sflag:s29] =	ssyncset.done $0x0  }
0x2c0: {  	s26 =	simm.s32 $0x3;
	[sflag:s29] =	ssyncadd.s32 $0xFFFFF000  }
0x2c1: {  	_ =	swait.ge [sflag:s26], $0x1000  }
0x2c2: {  	[sflag:s26] =	ssyncset.done $0x0  }
0x2c3: {  	s28 =	simm.s32 $0x4;
	[sflag:s26] =	ssyncadd.s32 $0xFFFFF000  }
0x2c4: {  	_ =	swait.ge [sflag:s28], $0x1000  }
0x2c5: {  	[sflag:s28] =	ssyncset.done $0x0  }
0x2c6: {  	s29 =	simm.s32 $0x5;
	[sflag:s28] =	ssyncadd.s32 $0xFFFFF000  }
0x2c7: {  	_ =	swait.ge [sflag:s29], $0x1000  }
0x2c8: {  	[sflag:s29] =	ssyncset.done $0x0  }
0x2c9: {  	s26 =	simm.s32 $0x6;
	[sflag:s29] =	ssyncadd.s32 $0xFFFFF000  }
0x2ca: {  	_ =	swait.ge [sflag:s26], $0x1000  }
0x2cb: {  	[sflag:s26] =	ssyncset.done $0x0  }
0x2cc: {  	s28 =	simm.s32 $0x7;
	[sflag:s26] =	ssyncadd.s32 $0xFFFFF000  }
0x2cd: {  	_ =	swait.ge [sflag:s28], $0x1000  }
0x2ce: {  	[sflag:s28] =	ssyncset.done $0x0  }
0x2cf: {  	[sflag:s28] =	ssyncadd.s32 $0xFFFFF000  }
0x2d0: {  	_ =	swait.ge [sflag:s30], $0x1000  }
0x2d1: {  	[sflag:s30] =	ssyncset.done $0x0  }
0x2d2: {  	[sflag:s30] =	ssyncadd.s32 $0xFFFFF000  }
0x2d3: {  	_ =	swait.ge [sflag:s31], $0x1000  }
0x2d4: {  	[sflag:s31] =	ssyncset.done $0x0  }
0x2d5: {  	[sflag:s31] =	ssyncadd.s32 $0xFFFFF000  }
0x2d6: {  	_ =	swait.ge [sflag:s0], $0x1000  }
0x2d7: {  	[sflag:s0] =	ssyncset.done $0x0  }
0x2d8: {  	[sflag:s0] =	ssyncadd.s32 $0xFFFFF000  }
0x2d9: {  	_ =	swait.ge [sflag:s1], $0x1000  }
0x2da: {  	[sflag:s1] =	ssyncset.done $0x0  }
0x2db: {  	[sflag:s1] =	ssyncadd.s32 $0xFFFFF000  }
0x2dc: {  	_ =	swait.ge [sflag:s3], $0x1000  }
0x2dd: {  	[sflag:s3] =	ssyncset.done $0x0  }
0x2de: {  	[sflag:s3] =	ssyncadd.s32 $0xFFFFF000  }
0x2df: {  	_ =	swait.ge [sflag:s4], $0x1000  }
0x2e0: {  	[sflag:s4] =	ssyncset.done $0x0  }
0x2e1: {  	[sflag:s4] =	ssyncadd.s32 $0xFFFFF000  }
0x2e2: {  	_ =	swait.ge [sflag:s5], $0x1000  }
0x2e3: {  	[sflag:s5] =	ssyncset.done $0x0  }
0x2e4: {  	[sflag:s5] =	ssyncadd.s32 $0xFFFFF000  }
0x2e5: {  	_ =	swait.ge [sflag:s22], $0x1000  }
0x2e6: {  	[sflag:s22] =	ssyncset.done $0x0  }
0x2e7: {  	[sflag:s22] =	ssyncadd.s32 $0xFFFFF000  }
0x2e8: {  	_ =	swait.ge [sflag:s23], $0x1000  }
0x2e9: {  	s24 =	sadd.s32 $0x1, s24;
	s29 =	rddreg [dreg:$0x5]  }
0x2ea: {  	p0 =	sne.s32 s24, s29  }
.Ltmp2:
0x2eb: {  	_ = 	snop;
	(pc) =	sbr.rel @p0 .LBB2_1-.Ltmp2, $3  }
0x2ec: {  	_ =	sdelay $0x1  }
0x2ed: {  	[sflag:s23] =	ssyncset.done $0x0  }
0x2ee: {  	[sflag:s23] =	ssyncadd.s32 $0xFFFFF000  }
0x2ef: {  	_ =	sfence.sel $0x180000  }
0x2f0: {  	[bflag:$0x0] =	sbarrier.arrive $0xFFFF  }
0x2f1: {  	_ =	strace $0x90000047  }
0x2f2: {  	s0 =	stileid.u32;
	[bflag:$0x2] =	sbarrier.arrive $0xFFFF  }
0x2f3: {  	p0 =	sne.s32 s0, $0x0;
	s0 =	rddreg [dreg:$0x2]  }
0x2f4: {  	s0 =	sadd.s32 @!p0 $0x100000, s0  }
0x2f5: {  	[sflag:s0] =	ssyncadd.tile.s32 @!p0 $0x1;
	_ =	shalt  }
.Lfunc_end2:
_tile_overlayer_lowered:
.L_overlay_start_2:
0x2f6: {  	(tag) =	ssettag $0x2  }
0x2f7: {  	s0 =	rddreg [dreg:$0x0];
	s2 =	stileid.u32  }
0x2f8: {  	s1 =	rddreg [dreg:$0x1];
	p0 =	sne.s32 s2, $0x0  }
0x2f9: {  	s3 =	rddreg [dreg:$0x2];
	[bflag:$0x3] =	sbarrier.arrive $0xFFFF;
	s2 =	simm.s32 @!p0 $0x1C11  }
0x2fa: {  	[timem:s3], [sflag:s2] =	dma.local @!p0 [hbm:s0], s1  }
0x2fb: {  	s0 =	simm.s32 @!p0 $0x11  }
0x2fc: {  	_ =	swait.ge @!p0 [sflag:s0], s1  }
0x2fd: {  	s1 =	ssub.s32 @!p0 $0x0, s1;
	[sflag:s0] =	ssyncset.done @!p0 $0x0  }
0x2fe: {  	[sflag:s0] =	ssyncadd.s32 @!p0 s1  }
0x2ff: {  	[bflag:$0x3] =	sbarrier.arrive $0xFFFF  }
0x300: {  	_ =	shalt  }

</sc_bundles>
